<compile_context>
chip_gen: v7x
topology: tpu7x:2x2x1
jax: 0.10.2.dev20260603
libtpu: 0.0.44.dev20260713+nightly
codegen_flags: <defaults>
</compile_context>

<pallas_src>
import numpy as np

import jax
import jax.numpy as jnp
from jax.experimental import pallas as pl
from jax.experimental.pallas import tpu as pltpu

_N = 16
_NCELL = _N * _N * _N
_L_LOC = 10
_L_DIR = 4
_SCALE = 3.0
_BLK = 128
_K = 16


def _perm(L):
    return ([t for t in range(3)]
            + [3 + 6 * j + t for j in range(L) for t in range(3)]
            + [6 + 6 * j + t for j in range(L) for t in range(3)])


def _body(tblk_ref, tcell_ref, tlo_ref, thi_ref, xd_ref,
          *wb_refs):
    w_refs = wb_refs[:_K]
    out_ref = wb_refs[_K]
    s = pl.program_id(0)

    @pl.when(thi_ref[s * _K] > 0)
    def _():
        xp = xd_ref[0:3, :]
        dp = xd_ref[3:6, :]
        ax = jnp.concatenate([(2.0 ** j) * xp for j in range(_L_LOC)], axis=0)
        enc_x = jnp.concatenate([xp, jnp.sin(ax), jnp.cos(ax)], axis=0)
        ad = jnp.concatenate([(2.0 ** j) * dp for j in range(_L_DIR)], axis=0)
        enc_d = jnp.concatenate([dp, jnp.sin(ad), jnp.cos(ad)], axis=0)

        half = _SCALE / 2
        box = ((jnp.abs(xp[0:1, :]) < half)
               & (jnp.abs(xp[1:2, :]) < half)
               & (jnp.abs(xp[2:3, :]) < half))
        lane = jax.lax.broadcasted_iota(jnp.int32, (4, _BLK), 1)

        dot = lambda a, b: jnp.dot(a, b, preferred_element_type=jnp.float32)
        W = [w_refs[k] for k in range(_K)]
        h = [jax.nn.relu(dot(W[k][0, 0, :, 0:63], enc_x)[0:32]
                         + W[k][0, 0, 0:32, 64:65]) for k in range(_K)]
        h = [jax.nn.relu(dot(W[k][0, 1, :, 0:32], h[k])
                         + W[k][0, 1, :, 64:65]) for k in range(_K)]
        sig = [h[k][32:33, :] for k in range(_K)]
        h = [dot(W[k][0, 2, :, 0:32], h[k][0:32, :])[0:32]
             + W[k][0, 2, 0:32, 64:65] for k in range(_K)]
        h = [jnp.concatenate([h[k], enc_d], axis=0) for k in range(_K)]
        h = [jax.nn.relu(dot(W[k][0, 3, :, 0:59], h[k])[0:32]
                         + W[k][0, 3, 0:32, 64:65]) for k in range(_K)]
        h = [jax.nn.sigmoid(dot(W[k][0, 4, :, 0:32], h[k])[0:3]
                            + W[k][0, 4, 0:3, 64:65]) for k in range(_K)]

        cur = out_ref[:, :]
        for k in range(_K):
            new = jnp.concatenate([h[k], sig[k]], axis=0)
            new = jnp.where(box, new, 0.0)
            lo = tlo_ref[s * _K + k]
            hi = thi_ref[s * _K + k]
            sel = (lane >= lo) & (lane < hi)
            cur = jnp.where(sel, new, cur)
        out_ref[:, :] = cur


@jax.jit
def kernel(x, d, weight1, bias1, weight2, bias2, weight3, bias3,
           weight4, bias4, weight5, bias5):
    B = x.shape[0]
    nblk = B // _BLK
    smax = nblk + _NCELL
    gmax = (_NCELL - 1 + _K - 1) // _K + nblk

    i = jnp.clip((x / (_SCALE / _N) + _N / 2).astype(jnp.int32), 0, _N - 1)
    cid = i[:, 0] * (_N * _N) + i[:, 1] * _N + i[:, 2]
    order = jnp.argsort(cid)
    cid_s = cid[order]

    xd_T = jnp.concatenate([x, d], axis=1)[order].T

    pos = jnp.arange(B, dtype=jnp.int32)
    is_start = (pos % _BLK == 0) | jnp.concatenate(
        [jnp.ones((1,), bool), cid_s[1:] != cid_s[:-1]])
    starts = jnp.nonzero(is_start, size=smax, fill_value=B)[0].astype(jnp.int32)
    ends = jnp.concatenate([starts[1:], jnp.full((1,), B, jnp.int32)])
    real = starts < B
    b_all = starts // _BLK
    first = jnp.searchsorted(b_all, b_all, side='left').astype(jnp.int32)
    rank = jnp.arange(smax, dtype=jnp.int32) - first
    seg_lo = starts - b_all * _BLK
    seg_hi = ends - b_all * _BLK
    seg_cell = cid_s[jnp.minimum(starts, B - 1)]

    bb = jnp.where(real, b_all, nblk)
    s_b = jnp.bincount(bb, length=nblk + 1)[:nblk]
    steps_b = (s_b + _K - 1) // _K
    step_base = (jnp.cumsum(steps_b) - steps_b).astype(jnp.int32)
    step_of = step_base[jnp.minimum(bb, nblk - 1)] + rank // _K
    slot_pos = jnp.where(real, step_of * _K + rank % _K, gmax * _K)
    tcell = jnp.zeros((gmax * _K,), jnp.int32).at[slot_pos].set(
        seg_cell, mode='drop')
    tlo = jnp.zeros((gmax * _K,), jnp.int32).at[slot_pos].set(
        seg_lo, mode='drop')
    thi = jnp.zeros((gmax * _K,), jnp.int32).at[slot_pos].set(
        seg_hi, mode='drop')
    tblk = jnp.full((gmax,), nblk - 1, jnp.int32).at[
        jnp.where(real, step_of, gmax)].set(bb, mode='drop')

    valid2 = (thi.reshape(gmax, _K) > 0)
    cell2 = tcell.reshape(gmax, _K)

    def _ff(a, b):
        return (jnp.where(b[1], b[0], a[0]), a[1] | b[1])

    cell2 = jax.lax.associative_scan(_ff, (cell2, valid2), axis=0)[0]
    tcell = cell2.reshape(gmax * _K)

    px = np.array(_perm(_L_LOC))
    pd = np.array(_perm(_L_DIR))
    w1 = jnp.swapaxes(weight1.reshape(_NCELL, 63, 32), 1, 2)[:, :, px]
    w2 = jnp.swapaxes(weight2.reshape(_NCELL, 32, 33), 1, 2)
    w3 = jnp.swapaxes(weight3.reshape(_NCELL, 32, 32), 1, 2)
    w4 = jnp.swapaxes(weight4.reshape(_NCELL, 59, 32), 1, 2)[
        :, :, np.concatenate([np.arange(32), 32 + pd])]
    w5 = jnp.swapaxes(weight5.reshape(_NCELL, 32, 3), 1, 2)
    b1 = bias1.reshape(_NCELL, 32)
    b2 = bias2.reshape(_NCELL, 33)
    b3 = bias3.reshape(_NCELL, 32)
    b4 = bias4.reshape(_NCELL, 32)
    b5 = bias5.reshape(_NCELL, 3)
    w2 = jnp.concatenate([w2[:, 1:33], w2[:, 0:1]], axis=1)
    b2 = jnp.concatenate([b2[:, 1:33], b2[:, 0:1]], axis=1)

    def _pack(w, b):
        m, kin = w.shape[1], w.shape[2]
        wp = jnp.pad(w, ((0, 0), (0, 33 - m), (0, 64 - kin)))
        bp = jnp.pad(b, ((0, 0), (0, 33 - m)))
        return jnp.concatenate([wp, bp[:, :, None]], axis=2)

    wall = jnp.stack([_pack(w1, b1), _pack(w2, b2), _pack(w3, b3),
                      _pack(w4, b4), _pack(w5, b5)], axis=1)

    def m_pts(s, tb, tc, tl, th):
        return (0, tb[s])

    def m_cell(k):
        def m(s, tb, tc, tl, th):
            return (tc[s * _K + k], 0, 0, 0)
        return m

    grid_spec = pltpu.PrefetchScalarGridSpec(
        num_scalar_prefetch=4,
        grid=(gmax,),
        in_specs=([pl.BlockSpec((6, _BLK), m_pts)]
                  + [pl.BlockSpec((1, 5, 33, 65), m_cell(k))
                     for k in range(_K)]),
        out_specs=pl.BlockSpec((4, _BLK), m_pts),
    )
    out_T = pl.pallas_call(
        _body,
        grid_spec=grid_spec,
        out_shape=jax.ShapeDtypeStruct((4, B), jnp.float32),
        compiler_params=pltpu.CompilerParams(
            dimension_semantics=("arbitrary",)),
    )(tblk, tcell, tlo, thi,
      xd_T, *([wall] * _K))

    out = jnp.zeros((B, 4), jnp.float32).at[order].set(out_T.T)
    return (out[:, 0:3], out[:, 3:4])

# --- scband reference (transcript-rebuilt; emitter-appended) ---
"""Pipeline reference for scband-kilo-ne-rf-7129645711615 (READ-ONLY COPY).

The authoritative reference and input builder live on the scoring server;
editing this copy changes nothing except your own understanding.
"""

import jax, jax.numpy as jnp
import numpy as np

N = 16
L_LOC = 10
L_DIR = 4
SCALE = 3.0


def position_encoding(x, L):
    out = [x]
    for j in range(L):
        out.append(jnp.sin((2.0 ** j) * x))
        out.append(jnp.cos((2.0 ** j) * x))
    return jnp.concatenate(out, axis=1)[:, None, :]


def setup_inputs(seed: int = 0) -> dict:
    key = jax.random.key(seed)
    ks = jax.random.split(key, 8)
    B = 32768
    x = jax.random.normal(ks[0], (B, 3), dtype=jnp.float32)
    d = jax.random.normal(ks[1], (B, 3), dtype=jnp.float32)

    def u(k, shape, fan_in):
        bound = float(np.sqrt(6.0 / fan_in))
        return jax.random.uniform(k, shape, jnp.float32, -bound, bound)

    D1 = L_LOC * 6 + 3  # 63
    D4 = 32 + L_DIR * 6 + 3  # 59
    weight1 = u(ks[2], (N, N, N, D1, 32), D1)
    weight2 = u(ks[3], (N, N, N, 32, 33), 32)
    weight3 = u(ks[4], (N, N, N, 32, 32), 32)
    weight4 = u(ks[5], (N, N, N, D4, 32), D4)
    weight5 = u(ks[6], (N, N, N, 32, 3), 32)
    bias1 = jnp.full((N, N, N, 1, 32), 0.01, jnp.float32)
    bias2 = jnp.full((N, N, N, 1, 33), 0.01, jnp.float32)
    bias3 = jnp.full((N, N, N, 1, 32), 0.01, jnp.float32)
    bias4 = jnp.full((N, N, N, 1, 32), 0.01, jnp.float32)
    bias5 = jnp.full((N, N, N, 1, 3), 0.01, jnp.float32)
    return {
        'x': x, 'd': d,
        'weight1': weight1, 'bias1': bias1,
        'weight2': weight2, 'bias2': bias2,
        'weight3': weight3, 'bias3': bias3,
        'weight4': weight4, 'bias4': bias4,
        'weight5': weight5, 'bias5': bias5,
    }


def reference(x, d, weight1, bias1, weight2, bias2, weight3, bias3, weight4, bias4, weight5, bias5):
    mask = (jnp.abs(x[:, 0]) < SCALE / 2) & (jnp.abs(x[:, 1]) < SCALE / 2) & (jnp.abs(x[:, 2]) < SCALE / 2)
    embbed_x = position_encoding(x, L_LOC)  # [B,1,63]
    embbed_d = position_encoding(d, L_DIR)  # [B,1,27]
    i = jnp.clip((x / (SCALE / N) + N / 2).astype(jnp.int32), 0, N - 1)
    i0, i1, i2 = i[:, 0], i[:, 1], i[:, 2]
    out = jnp.matmul(embbed_x, weight1[i0, i1, i2]) + bias1[i0, i1, i2]
    out = jax.nn.relu(out)
    out = jnp.matmul(out, weight2[i0, i1, i2]) + bias2[i0, i1, i2]
    out = jax.nn.relu(out)
    sigma = jax.nn.relu(out[:, 0, :])[:, 0:1]
    out = out[:, :, 1:]
    out = jnp.matmul(out, weight3[i0, i1, i2]) + bias3[i0, i1, i2]
    out = jnp.concatenate([out, embbed_d], axis=2)
    out = jnp.matmul(out, weight4[i0, i1, i2]) + bias4[i0, i1, i2]
    out = jax.nn.relu(out)
    out = jnp.matmul(out, weight5[i0, i1, i2]) + bias5[i0, i1, i2]
    out = jax.nn.sigmoid(out)
    c = out[:, 0, :]
    color = jnp.where(mask[:, None], c, 0.0)
    density = jnp.where(mask[:, None], sigma, 0.0)
    return (color, density)

if __name__ == "__main__":
    import jax
    _d = setup_inputs()
    print(jax.jit(kernel)(*tuple(_d.values())))

</pallas_src>

<mosaic_0001>
module attributes {stable_mosaic.version = 14 : i64} {
  func.func @_body(%arg0: i32, %arg1: memref<512xi32, #tpu.memory_space<smem>>, %arg2: memref<8192xi32, #tpu.memory_space<smem>>, %arg3: memref<8192xi32, #tpu.memory_space<smem>>, %arg4: memref<8192xi32, #tpu.memory_space<smem>>, %arg5: memref<6x128xf32, #tpu.memory_space<vmem>>, %arg6: memref<1x5x33x65xf32, #tpu.memory_space<vmem>>, %arg7: memref<1x5x33x65xf32, #tpu.memory_space<vmem>>, %arg8: memref<1x5x33x65xf32, #tpu.memory_space<vmem>>, %arg9: memref<1x5x33x65xf32, #tpu.memory_space<vmem>>, %arg10: memref<1x5x33x65xf32, #tpu.memory_space<vmem>>, %arg11: memref<1x5x33x65xf32, #tpu.memory_space<vmem>>, %arg12: memref<1x5x33x65xf32, #tpu.memory_space<vmem>>, %arg13: memref<1x5x33x65xf32, #tpu.memory_space<vmem>>, %arg14: memref<1x5x33x65xf32, #tpu.memory_space<vmem>>, %arg15: memref<1x5x33x65xf32, #tpu.memory_space<vmem>>, %arg16: memref<1x5x33x65xf32, #tpu.memory_space<vmem>>, %arg17: memref<1x5x33x65xf32, #tpu.memory_space<vmem>>, %arg18: memref<1x5x33x65xf32, #tpu.memory_space<vmem>>, %arg19: memref<1x5x33x65xf32, #tpu.memory_space<vmem>>, %arg20: memref<1x5x33x65xf32, #tpu.memory_space<vmem>>, %arg21: memref<1x5x33x65xf32, #tpu.memory_space<vmem>>, %arg22: memref<4x128xf32, #tpu.memory_space<vmem>>) attributes {dimension_semantics = [#tpu.dimension_semantics<arbitrary>], iteration_bounds = array<i64: 512>, scalar_prefetch = 4 : i64, scratch_operands = 0 : i64, tpu.core_type = #tpu.core_type<tc>, window_params = [{transform_indices = @transform_0, window_bounds = array<i64: 6, 128>}, {transform_indices = @transform_1, window_bounds = array<i64: 1, 5, 33, 65>}, {transform_indices = @transform_2, window_bounds = array<i64: 1, 5, 33, 65>}, {transform_indices = @transform_3, window_bounds = array<i64: 1, 5, 33, 65>}, {transform_indices = @transform_4, window_bounds = array<i64: 1, 5, 33, 65>}, {transform_indices = @transform_5, window_bounds = array<i64: 1, 5, 33, 65>}, {transform_indices = @transform_6, window_bounds = array<i64: 1, 5, 33, 65>}, {transform_indices = @transform_7, window_bounds = array<i64: 1, 5, 33, 65>}, {transform_indices = @transform_8, window_bounds = array<i64: 1, 5, 33, 65>}, {transform_indices = @transform_9, window_bounds = array<i64: 1, 5, 33, 65>}, {transform_indices = @transform_10, window_bounds = array<i64: 1, 5, 33, 65>}, {transform_indices = @transform_11, window_bounds = array<i64: 1, 5, 33, 65>}, {transform_indices = @transform_12, window_bounds = array<i64: 1, 5, 33, 65>}, {transform_indices = @transform_13, window_bounds = array<i64: 1, 5, 33, 65>}, {transform_indices = @transform_14, window_bounds = array<i64: 1, 5, 33, 65>}, {transform_indices = @transform_15, window_bounds = array<i64: 1, 5, 33, 65>}, {transform_indices = @transform_16, window_bounds = array<i64: 1, 5, 33, 65>}, {transform_indices = @transform_17, window_bounds = array<i64: 4, 128>}]} {
    %mul3A = arith.constant 16 : i32
    %mul3A_0 = arith.muli %arg0, %mul3A : i32
    %get3A = arith.index_cast %mul3A_0 : i32 to index
    %get3A_1 = memref.load %arg4[%get3A] : memref<8192xi32, #tpu.memory_space<smem>>
    %gt3A = arith.constant 0 : i32
    %gt3A_2 = arith.cmpi sgt, %get3A_1, %gt3A : i32
    %convert_element_type3A = arith.extui %gt3A_2 : i1 to i32
    %cond3A = arith.constant 0 : i32
    %cond3A_3 = arith.cmpi ne, %convert_element_type3A, %cond3A : i32
    scf.if %cond3A_3 {
      %get3A_4 = arith.constant 0 : index
      %get3A_5 = arith.constant 0 : index
      %get3A_6 = vector.load %arg5[%get3A_4, %get3A_5] : memref<6x128xf32, #tpu.memory_space<vmem>>, vector<3x128xf32>
      %get3A_7 = arith.constant 3 : index
      %get3A_8 = arith.constant 0 : index
      %get3A_9 = vector.load %arg5[%get3A_7, %get3A_8] : memref<6x128xf32, #tpu.memory_space<vmem>>, vector<3x128xf32>
      %mul3A_10 = arith.constant 1.000000e+00 : f32
      %mul3A_11 = vector.broadcast %mul3A_10 : f32 to vector<3x128xf32>
      %mul3A_12 = arith.mulf %mul3A_11, %get3A_6 : vector<3x128xf32>
      %mul3A_13 = arith.constant 2.000000e+00 : f32
      %mul3A_14 = vector.broadcast %mul3A_13 : f32 to vector<3x128xf32>
      %mul3A_15 = arith.mulf %mul3A_14, %get3A_6 : vector<3x128xf32>
      %mul3A_16 = arith.constant 4.000000e+00 : f32
      %mul3A_17 = vector.broadcast %mul3A_16 : f32 to vector<3x128xf32>
      %mul3A_18 = arith.mulf %mul3A_17, %get3A_6 : vector<3x128xf32>
      %mul3A_19 = arith.constant 8.000000e+00 : f32
      %mul3A_20 = vector.broadcast %mul3A_19 : f32 to vector<3x128xf32>
      %mul3A_21 = arith.mulf %mul3A_20, %get3A_6 : vector<3x128xf32>
      %mul3A_22 = arith.constant 1.600000e+01 : f32
      %mul3A_23 = vector.broadcast %mul3A_22 : f32 to vector<3x128xf32>
      %mul3A_24 = arith.mulf %mul3A_23, %get3A_6 : vector<3x128xf32>
      %mul3A_25 = arith.constant 3.200000e+01 : f32
      %mul3A_26 = vector.broadcast %mul3A_25 : f32 to vector<3x128xf32>
      %mul3A_27 = arith.mulf %mul3A_26, %get3A_6 : vector<3x128xf32>
      %mul3A_28 = arith.constant 6.400000e+01 : f32
      %mul3A_29 = vector.broadcast %mul3A_28 : f32 to vector<3x128xf32>
      %mul3A_30 = arith.mulf %mul3A_29, %get3A_6 : vector<3x128xf32>
      %mul3A_31 = arith.constant 1.280000e+02 : f32
      %mul3A_32 = vector.broadcast %mul3A_31 : f32 to vector<3x128xf32>
      %mul3A_33 = arith.mulf %mul3A_32, %get3A_6 : vector<3x128xf32>
      %mul3A_34 = arith.constant 2.560000e+02 : f32
      %mul3A_35 = vector.broadcast %mul3A_34 : f32 to vector<3x128xf32>
      %mul3A_36 = arith.mulf %mul3A_35, %get3A_6 : vector<3x128xf32>
      %mul3A_37 = arith.constant 5.120000e+02 : f32
      %mul3A_38 = vector.broadcast %mul3A_37 : f32 to vector<3x128xf32>
      %mul3A_39 = arith.mulf %mul3A_38, %get3A_6 : vector<3x128xf32>
      %concatenate3A = tpu.concatenate %mul3A_12, %mul3A_15, %mul3A_18, %mul3A_21, %mul3A_24, %mul3A_27, %mul3A_30, %mul3A_33, %mul3A_36, %mul3A_39 in 0 : vector<3x128xf32>, vector<3x128xf32>, vector<3x128xf32>, vector<3x128xf32>, vector<3x128xf32>, vector<3x128xf32>, vector<3x128xf32>, vector<3x128xf32>, vector<3x128xf32>, vector<3x128xf32> -> vector<30x128xf32>
      %sin3A = math.sin %concatenate3A : vector<30x128xf32>
      %cos3A = math.cos %concatenate3A : vector<30x128xf32>
      %concatenate3A_40 = tpu.concatenate %get3A_6, %sin3A, %cos3A in 0 : vector<3x128xf32>, vector<30x128xf32>, vector<30x128xf32> -> vector<63x128xf32>
      %mul3A_41 = arith.constant 1.000000e+00 : f32
      %mul3A_42 = vector.broadcast %mul3A_41 : f32 to vector<3x128xf32>
      %mul3A_43 = arith.mulf %mul3A_42, %get3A_9 : vector<3x128xf32>
      %mul3A_44 = arith.constant 2.000000e+00 : f32
      %mul3A_45 = vector.broadcast %mul3A_44 : f32 to vector<3x128xf32>
      %mul3A_46 = arith.mulf %mul3A_45, %get3A_9 : vector<3x128xf32>
      %mul3A_47 = arith.constant 4.000000e+00 : f32
      %mul3A_48 = vector.broadcast %mul3A_47 : f32 to vector<3x128xf32>
      %mul3A_49 = arith.mulf %mul3A_48, %get3A_9 : vector<3x128xf32>
      %mul3A_50 = arith.constant 8.000000e+00 : f32
      %mul3A_51 = vector.broadcast %mul3A_50 : f32 to vector<3x128xf32>
      %mul3A_52 = arith.mulf %mul3A_51, %get3A_9 : vector<3x128xf32>
      %concatenate3A_53 = tpu.concatenate %mul3A_43, %mul3A_46, %mul3A_49, %mul3A_52 in 0 : vector<3x128xf32>, vector<3x128xf32>, vector<3x128xf32>, vector<3x128xf32> -> vector<12x128xf32>
      %sin3A_54 = math.sin %concatenate3A_53 : vector<12x128xf32>
      %cos3A_55 = math.cos %concatenate3A_53 : vector<12x128xf32>
      %concatenate3A_56 = tpu.concatenate %get3A_9, %sin3A_54, %cos3A_55 in 0 : vector<3x128xf32>, vector<12x128xf32>, vector<12x128xf32> -> vector<27x128xf32>
      %slice3A = vector.extract_strided_slice %get3A_6 {offsets = [0, 0], sizes = [1, 128], strides = [1, 1]} : vector<3x128xf32> to vector<1x128xf32>
      %abs3A = math.absf %slice3A : vector<1x128xf32>
      %lt3A = arith.constant 1.500000e+00 : f32
      %lt3A_57 = vector.broadcast %lt3A : f32 to vector<1x128xf32>
      %lt3A_58 = arith.cmpf olt, %abs3A, %lt3A_57 : vector<1x128xf32>
      %slice3A_59 = vector.extract_strided_slice %get3A_6 {offsets = [1, 0], sizes = [1, 128], strides = [1, 1]} : vector<3x128xf32> to vector<1x128xf32>
      %abs3A_60 = math.absf %slice3A_59 : vector<1x128xf32>
      %lt3A_61 = arith.constant 1.500000e+00 : f32
      %lt3A_62 = vector.broadcast %lt3A_61 : f32 to vector<1x128xf32>
      %lt3A_63 = arith.cmpf olt, %abs3A_60, %lt3A_62 : vector<1x128xf32>
      %and3A = arith.andi %lt3A_58, %lt3A_63 : vector<1x128xi1>
      %slice3A_64 = vector.extract_strided_slice %get3A_6 {offsets = [2, 0], sizes = [1, 128], strides = [1, 1]} : vector<3x128xf32> to vector<1x128xf32>
      %abs3A_65 = math.absf %slice3A_64 : vector<1x128xf32>
      %lt3A_66 = arith.constant 1.500000e+00 : f32
      %lt3A_67 = vector.broadcast %lt3A_66 : f32 to vector<1x128xf32>
      %lt3A_68 = arith.cmpf olt, %abs3A_65, %lt3A_67 : vector<1x128xf32>
      %and3A_69 = arith.andi %and3A, %lt3A_68 : vector<1x128xi1>
      %iota3A = tpu.iota {dimensions = array<i32: 1>} : vector<4x128xi32>
      %get3A_70 = arith.constant 0 : index
      %get3A_71 = arith.constant 0 : index
      %get3A_72 = arith.constant 0 : index
      %get3A_73 = arith.constant 0 : index
      %get3A_74 = vector.load %arg6[%get3A_70, %get3A_71, %get3A_72, %get3A_73] : memref<1x5x33x65xf32, #tpu.memory_space<vmem>>, vector<1x1x33x63xf32>
      %get3A_75 = vector.shape_cast %get3A_74 : vector<1x1x33x63xf32> to vector<33x63xf32>
      %dot_general3A = arith.constant dense<0.000000e+00> : vector<33x128xf32>
      %dot_general3A_76 = tpu.matmul %get3A_75, %concatenate3A_40, %dot_general3A {dimension_numbers = #tpu.dot_dimension_numbers<[1], [0], [0], [1], [0, 0, 1, 1], [], []>, transpose_lhs_hint = false} : vector<33x63xf32>, vector<63x128xf32>, vector<33x128xf32> -> vector<33x128xf32>
      %slice3A_77 = vector.extract_strided_slice %dot_general3A_76 {offsets = [0, 0], sizes = [32, 128], strides = [1, 1]} : vector<33x128xf32> to vector<32x128xf32>
      %get3A_78 = arith.constant 0 : index
      %get3A_79 = arith.constant 0 : index
      %get3A_80 = arith.constant 0 : index
      %get3A_81 = arith.constant 64 : index
      %get3A_82 = vector.load %arg6[%get3A_78, %get3A_79, %get3A_80, %get3A_81] : memref<1x5x33x65xf32, #tpu.memory_space<vmem>>, vector<1x1x32x1xf32>
      %get3A_83 = vector.shape_cast %get3A_82 : vector<1x1x32x1xf32> to vector<32x1xf32>
      %add3A = vector.broadcast %get3A_83 : vector<32x1xf32> to vector<32x128xf32>
      %add3A_84 = arith.addf %slice3A_77, %add3A : vector<32x128xf32>
      %max3A = arith.constant 0.000000e+00 : f32
      %max3A_85 = vector.broadcast %max3A : f32 to vector<32x128xf32>
      %max3A_86 = arith.maximumf %add3A_84, %max3A_85 : vector<32x128xf32>
      %get3A_87 = arith.constant 0 : index
      %get3A_88 = arith.constant 0 : index
      %get3A_89 = arith.constant 0 : index
      %get3A_90 = arith.constant 0 : index
      %get3A_91 = vector.load %arg7[%get3A_87, %get3A_88, %get3A_89, %get3A_90] : memref<1x5x33x65xf32, #tpu.memory_space<vmem>>, vector<1x1x33x63xf32>
      %get3A_92 = vector.shape_cast %get3A_91 : vector<1x1x33x63xf32> to vector<33x63xf32>
      %dot_general3A_93 = arith.constant dense<0.000000e+00> : vector<33x128xf32>
      %dot_general3A_94 = tpu.matmul %get3A_92, %concatenate3A_40, %dot_general3A_93 {dimension_numbers = #tpu.dot_dimension_numbers<[1], [0], [0], [1], [0, 0, 1, 1], [], []>, transpose_lhs_hint = false} : vector<33x63xf32>, vector<63x128xf32>, vector<33x128xf32> -> vector<33x128xf32>
      %slice3A_95 = vector.extract_strided_slice %dot_general3A_94 {offsets = [0, 0], sizes = [32, 128], strides = [1, 1]} : vector<33x128xf32> to vector<32x128xf32>
      %get3A_96 = arith.constant 0 : index
      %get3A_97 = arith.constant 0 : index
      %get3A_98 = arith.constant 0 : index
      %get3A_99 = arith.constant 64 : index
      %get3A_100 = vector.load %arg7[%get3A_96, %get3A_97, %get3A_98, %get3A_99] : memref<1x5x33x65xf32, #tpu.memory_space<vmem>>, vector<1x1x32x1xf32>
      %get3A_101 = vector.shape_cast %get3A_100 : vector<1x1x32x1xf32> to vector<32x1xf32>
      %add3A_102 = vector.broadcast %get3A_101 : vector<32x1xf32> to vector<32x128xf32>
      %add3A_103 = arith.addf %slice3A_95, %add3A_102 : vector<32x128xf32>
      %max3A_104 = arith.constant 0.000000e+00 : f32
      %max3A_105 = vector.broadcast %max3A_104 : f32 to vector<32x128xf32>
      %max3A_106 = arith.maximumf %add3A_103, %max3A_105 : vector<32x128xf32>
      %get3A_107 = arith.constant 0 : index
      %get3A_108 = arith.constant 0 : index
      %get3A_109 = arith.constant 0 : index
      %get3A_110 = arith.constant 0 : index
      %get3A_111 = vector.load %arg8[%get3A_107, %get3A_108, %get3A_109, %get3A_110] : memref<1x5x33x65xf32, #tpu.memory_space<vmem>>, vector<1x1x33x63xf32>
      %get3A_112 = vector.shape_cast %get3A_111 : vector<1x1x33x63xf32> to vector<33x63xf32>
      %dot_general3A_113 = arith.constant dense<0.000000e+00> : vector<33x128xf32>
      %dot_general3A_114 = tpu.matmul %get3A_112, %concatenate3A_40, %dot_general3A_113 {dimension_numbers = #tpu.dot_dimension_numbers<[1], [0], [0], [1], [0, 0, 1, 1], [], []>, transpose_lhs_hint = false} : vector<33x63xf32>, vector<63x128xf32>, vector<33x128xf32> -> vector<33x128xf32>
      %slice3A_115 = vector.extract_strided_slice %dot_general3A_114 {offsets = [0, 0], sizes = [32, 128], strides = [1, 1]} : vector<33x128xf32> to vector<32x128xf32>
      %get3A_116 = arith.constant 0 : index
      %get3A_117 = arith.constant 0 : index
      %get3A_118 = arith.constant 0 : index
      %get3A_119 = arith.constant 64 : index
      %get3A_120 = vector.load %arg8[%get3A_116, %get3A_117, %get3A_118, %get3A_119] : memref<1x5x33x65xf32, #tpu.memory_space<vmem>>, vector<1x1x32x1xf32>
      %get3A_121 = vector.shape_cast %get3A_120 : vector<1x1x32x1xf32> to vector<32x1xf32>
      %add3A_122 = vector.broadcast %get3A_121 : vector<32x1xf32> to vector<32x128xf32>
      %add3A_123 = arith.addf %slice3A_115, %add3A_122 : vector<32x128xf32>
      %max3A_124 = arith.constant 0.000000e+00 : f32
      %max3A_125 = vector.broadcast %max3A_124 : f32 to vector<32x128xf32>
      %max3A_126 = arith.maximumf %add3A_123, %max3A_125 : vector<32x128xf32>
      %get3A_127 = arith.constant 0 : index
      %get3A_128 = arith.constant 0 : index
      %get3A_129 = arith.constant 0 : index
      %get3A_130 = arith.constant 0 : index
      %get3A_131 = vector.load %arg9[%get3A_127, %get3A_128, %get3A_129, %get3A_130] : memref<1x5x33x65xf32, #tpu.memory_space<vmem>>, vector<1x1x33x63xf32>
      %get3A_132 = vector.shape_cast %get3A_131 : vector<1x1x33x63xf32> to vector<33x63xf32>
      %dot_general3A_133 = arith.constant dense<0.000000e+00> : vector<33x128xf32>
      %dot_general3A_134 = tpu.matmul %get3A_132, %concatenate3A_40, %dot_general3A_133 {dimension_numbers = #tpu.dot_dimension_numbers<[1], [0], [0], [1], [0, 0, 1, 1], [], []>, transpose_lhs_hint = false} : vector<33x63xf32>, vector<63x128xf32>, vector<33x128xf32> -> vector<33x128xf32>
      %slice3A_135 = vector.extract_strided_slice %dot_general3A_134 {offsets = [0, 0], sizes = [32, 128], strides = [1, 1]} : vector<33x128xf32> to vector<32x128xf32>
      %get3A_136 = arith.constant 0 : index
      %get3A_137 = arith.constant 0 : index
      %get3A_138 = arith.constant 0 : index
      %get3A_139 = arith.constant 64 : index
      %get3A_140 = vector.load %arg9[%get3A_136, %get3A_137, %get3A_138, %get3A_139] : memref<1x5x33x65xf32, #tpu.memory_space<vmem>>, vector<1x1x32x1xf32>
      %get3A_141 = vector.shape_cast %get3A_140 : vector<1x1x32x1xf32> to vector<32x1xf32>
      %add3A_142 = vector.broadcast %get3A_141 : vector<32x1xf32> to vector<32x128xf32>
      %add3A_143 = arith.addf %slice3A_135, %add3A_142 : vector<32x128xf32>
      %max3A_144 = arith.constant 0.000000e+00 : f32
      %max3A_145 = vector.broadcast %max3A_144 : f32 to vector<32x128xf32>
      %max3A_146 = arith.maximumf %add3A_143, %max3A_145 : vector<32x128xf32>
      %get3A_147 = arith.constant 0 : index
      %get3A_148 = arith.constant 0 : index
      %get3A_149 = arith.constant 0 : index
      %get3A_150 = arith.constant 0 : index
      %get3A_151 = vector.load %arg10[%get3A_147, %get3A_148, %get3A_149, %get3A_150] : memref<1x5x33x65xf32, #tpu.memory_space<vmem>>, vector<1x1x33x63xf32>
      %get3A_152 = vector.shape_cast %get3A_151 : vector<1x1x33x63xf32> to vector<33x63xf32>
      %dot_general3A_153 = arith.constant dense<0.000000e+00> : vector<33x128xf32>
      %dot_general3A_154 = tpu.matmul %get3A_152, %concatenate3A_40, %dot_general3A_153 {dimension_numbers = #tpu.dot_dimension_numbers<[1], [0], [0], [1], [0, 0, 1, 1], [], []>, transpose_lhs_hint = false} : vector<33x63xf32>, vector<63x128xf32>, vector<33x128xf32> -> vector<33x128xf32>
      %slice3A_155 = vector.extract_strided_slice %dot_general3A_154 {offsets = [0, 0], sizes = [32, 128], strides = [1, 1]} : vector<33x128xf32> to vector<32x128xf32>
      %get3A_156 = arith.constant 0 : index
      %get3A_157 = arith.constant 0 : index
      %get3A_158 = arith.constant 0 : index
      %get3A_159 = arith.constant 64 : index
      %get3A_160 = vector.load %arg10[%get3A_156, %get3A_157, %get3A_158, %get3A_159] : memref<1x5x33x65xf32, #tpu.memory_space<vmem>>, vector<1x1x32x1xf32>
      %get3A_161 = vector.shape_cast %get3A_160 : vector<1x1x32x1xf32> to vector<32x1xf32>
      %add3A_162 = vector.broadcast %get3A_161 : vector<32x1xf32> to vector<32x128xf32>
      %add3A_163 = arith.addf %slice3A_155, %add3A_162 : vector<32x128xf32>
      %max3A_164 = arith.constant 0.000000e+00 : f32
      %max3A_165 = vector.broadcast %max3A_164 : f32 to vector<32x128xf32>
      %max3A_166 = arith.maximumf %add3A_163, %max3A_165 : vector<32x128xf32>
      %get3A_167 = arith.constant 0 : index
      %get3A_168 = arith.constant 0 : index
      %get3A_169 = arith.constant 0 : index
      %get3A_170 = arith.constant 0 : index
      %get3A_171 = vector.load %arg11[%get3A_167, %get3A_168, %get3A_169, %get3A_170] : memref<1x5x33x65xf32, #tpu.memory_space<vmem>>, vector<1x1x33x63xf32>
      %get3A_172 = vector.shape_cast %get3A_171 : vector<1x1x33x63xf32> to vector<33x63xf32>
      %dot_general3A_173 = arith.constant dense<0.000000e+00> : vector<33x128xf32>
      %dot_general3A_174 = tpu.matmul %get3A_172, %concatenate3A_40, %dot_general3A_173 {dimension_numbers = #tpu.dot_dimension_numbers<[1], [0], [0], [1], [0, 0, 1, 1], [], []>, transpose_lhs_hint = false} : vector<33x63xf32>, vector<63x128xf32>, vector<33x128xf32> -> vector<33x128xf32>
      %slice3A_175 = vector.extract_strided_slice %dot_general3A_174 {offsets = [0, 0], sizes = [32, 128], strides = [1, 1]} : vector<33x128xf32> to vector<32x128xf32>
      %get3A_176 = arith.constant 0 : index
      %get3A_177 = arith.constant 0 : index
      %get3A_178 = arith.constant 0 : index
      %get3A_179 = arith.constant 64 : index
      %get3A_180 = vector.load %arg11[%get3A_176, %get3A_177, %get3A_178, %get3A_179] : memref<1x5x33x65xf32, #tpu.memory_space<vmem>>, vector<1x1x32x1xf32>
      %get3A_181 = vector.shape_cast %get3A_180 : vector<1x1x32x1xf32> to vector<32x1xf32>
      %add3A_182 = vector.broadcast %get3A_181 : vector<32x1xf32> to vector<32x128xf32>
      %add3A_183 = arith.addf %slice3A_175, %add3A_182 : vector<32x128xf32>
      %max3A_184 = arith.constant 0.000000e+00 : f32
      %max3A_185 = vector.broadcast %max3A_184 : f32 to vector<32x128xf32>
      %max3A_186 = arith.maximumf %add3A_183, %max3A_185 : vector<32x128xf32>
      %get3A_187 = arith.constant 0 : index
      %get3A_188 = arith.constant 0 : index
      %get3A_189 = arith.constant 0 : index
      %get3A_190 = arith.constant 0 : index
      %get3A_191 = vector.load %arg12[%get3A_187, %get3A_188, %get3A_189, %get3A_190] : memref<1x5x33x65xf32, #tpu.memory_space<vmem>>, vector<1x1x33x63xf32>
      %get3A_192 = vector.shape_cast %get3A_191 : vector<1x1x33x63xf32> to vector<33x63xf32>
      %dot_general3A_193 = arith.constant dense<0.000000e+00> : vector<33x128xf32>
      %dot_general3A_194 = tpu.matmul %get3A_192, %concatenate3A_40, %dot_general3A_193 {dimension_numbers = #tpu.dot_dimension_numbers<[1], [0], [0], [1], [0, 0, 1, 1], [], []>, transpose_lhs_hint = false} : vector<33x63xf32>, vector<63x128xf32>, vector<33x128xf32> -> vector<33x128xf32>
      %slice3A_195 = vector.extract_strided_slice %dot_general3A_194 {offsets = [0, 0], sizes = [32, 128], strides = [1, 1]} : vector<33x128xf32> to vector<32x128xf32>
      %get3A_196 = arith.constant 0 : index
      %get3A_197 = arith.constant 0 : index
      %get3A_198 = arith.constant 0 : index
      %get3A_199 = arith.constant 64 : index
      %get3A_200 = vector.load %arg12[%get3A_196, %get3A_197, %get3A_198, %get3A_199] : memref<1x5x33x65xf32, #tpu.memory_space<vmem>>, vector<1x1x32x1xf32>
      %get3A_201 = vector.shape_cast %get3A_200 : vector<1x1x32x1xf32> to vector<32x1xf32>
      %add3A_202 = vector.broadcast %get3A_201 : vector<32x1xf32> to vector<32x128xf32>
      %add3A_203 = arith.addf %slice3A_195, %add3A_202 : vector<32x128xf32>
      %max3A_204 = arith.constant 0.000000e+00 : f32
      %max3A_205 = vector.broadcast %max3A_204 : f32 to vector<32x128xf32>
      %max3A_206 = arith.maximumf %add3A_203, %max3A_205 : vector<32x128xf32>
      %get3A_207 = arith.constant 0 : index
      %get3A_208 = arith.constant 0 : index
      %get3A_209 = arith.constant 0 : index
      %get3A_210 = arith.constant 0 : index
      %get3A_211 = vector.load %arg13[%get3A_207, %get3A_208, %get3A_209, %get3A_210] : memref<1x5x33x65xf32, #tpu.memory_space<vmem>>, vector<1x1x33x63xf32>
      %get3A_212 = vector.shape_cast %get3A_211 : vector<1x1x33x63xf32> to vector<33x63xf32>
      %dot_general3A_213 = arith.constant dense<0.000000e+00> : vector<33x128xf32>
      %dot_general3A_214 = tpu.matmul %get3A_212, %concatenate3A_40, %dot_general3A_213 {dimension_numbers = #tpu.dot_dimension_numbers<[1], [0], [0], [1], [0, 0, 1, 1], [], []>, transpose_lhs_hint = false} : vector<33x63xf32>, vector<63x128xf32>, vector<33x128xf32> -> vector<33x128xf32>
      %slice3A_215 = vector.extract_strided_slice %dot_general3A_214 {offsets = [0, 0], sizes = [32, 128], strides = [1, 1]} : vector<33x128xf32> to vector<32x128xf32>
      %get3A_216 = arith.constant 0 : index
      %get3A_217 = arith.constant 0 : index
      %get3A_218 = arith.constant 0 : index
      %get3A_219 = arith.constant 64 : index
      %get3A_220 = vector.load %arg13[%get3A_216, %get3A_217, %get3A_218, %get3A_219] : memref<1x5x33x65xf32, #tpu.memory_space<vmem>>, vector<1x1x32x1xf32>
      %get3A_221 = vector.shape_cast %get3A_220 : vector<1x1x32x1xf32> to vector<32x1xf32>
      %add3A_222 = vector.broadcast %get3A_221 : vector<32x1xf32> to vector<32x128xf32>
      %add3A_223 = arith.addf %slice3A_215, %add3A_222 : vector<32x128xf32>
      %max3A_224 = arith.constant 0.000000e+00 : f32
      %max3A_225 = vector.broadcast %max3A_224 : f32 to vector<32x128xf32>
      %max3A_226 = arith.maximumf %add3A_223, %max3A_225 : vector<32x128xf32>
      %get3A_227 = arith.constant 0 : index
      %get3A_228 = arith.constant 0 : index
      %get3A_229 = arith.constant 0 : index
      %get3A_230 = arith.constant 0 : index
      %get3A_231 = vector.load %arg14[%get3A_227, %get3A_228, %get3A_229, %get3A_230] : memref<1x5x33x65xf32, #tpu.memory_space<vmem>>, vector<1x1x33x63xf32>
      %get3A_232 = vector.shape_cast %get3A_231 : vector<1x1x33x63xf32> to vector<33x63xf32>
      %dot_general3A_233 = arith.constant dense<0.000000e+00> : vector<33x128xf32>
      %dot_general3A_234 = tpu.matmul %get3A_232, %concatenate3A_40, %dot_general3A_233 {dimension_numbers = #tpu.dot_dimension_numbers<[1], [0], [0], [1], [0, 0, 1, 1], [], []>, transpose_lhs_hint = false} : vector<33x63xf32>, vector<63x128xf32>, vector<33x128xf32> -> vector<33x128xf32>
      %slice3A_235 = vector.extract_strided_slice %dot_general3A_234 {offsets = [0, 0], sizes = [32, 128], strides = [1, 1]} : vector<33x128xf32> to vector<32x128xf32>
      %get3A_236 = arith.constant 0 : index
      %get3A_237 = arith.constant 0 : index
      %get3A_238 = arith.constant 0 : index
      %get3A_239 = arith.constant 64 : index
      %get3A_240 = vector.load %arg14[%get3A_236, %get3A_237, %get3A_238, %get3A_239] : memref<1x5x33x65xf32, #tpu.memory_space<vmem>>, vector<1x1x32x1xf32>
      %get3A_241 = vector.shape_cast %get3A_240 : vector<1x1x32x1xf32> to vector<32x1xf32>
      %add3A_242 = vector.broadcast %get3A_241 : vector<32x1xf32> to vector<32x128xf32>
      %add3A_243 = arith.addf %slice3A_235, %add3A_242 : vector<32x128xf32>
      %max3A_244 = arith.constant 0.000000e+00 : f32
      %max3A_245 = vector.broadcast %max3A_244 : f32 to vector<32x128xf32>
      %max3A_246 = arith.maximumf %add3A_243, %max3A_245 : vector<32x128xf32>
      %get3A_247 = arith.constant 0 : index
      %get3A_248 = arith.constant 0 : index
      %get3A_249 = arith.constant 0 : index
      %get3A_250 = arith.constant 0 : index
      %get3A_251 = vector.load %arg15[%get3A_247, %get3A_248, %get3A_249, %get3A_250] : memref<1x5x33x65xf32, #tpu.memory_space<vmem>>, vector<1x1x33x63xf32>
      %get3A_252 = vector.shape_cast %get3A_251 : vector<1x1x33x63xf32> to vector<33x63xf32>
      %dot_general3A_253 = arith.constant dense<0.000000e+00> : vector<33x128xf32>
      %dot_general3A_254 = tpu.matmul %get3A_252, %concatenate3A_40, %dot_general3A_253 {dimension_numbers = #tpu.dot_dimension_numbers<[1], [0], [0], [1], [0, 0, 1, 1], [], []>, transpose_lhs_hint = false} : vector<33x63xf32>, vector<63x128xf32>, vector<33x128xf32> -> vector<33x128xf32>
      %slice3A_255 = vector.extract_strided_slice %dot_general3A_254 {offsets = [0, 0], sizes = [32, 128], strides = [1, 1]} : vector<33x128xf32> to vector<32x128xf32>
      %get3A_256 = arith.constant 0 : index
      %get3A_257 = arith.constant 0 : index
      %get3A_258 = arith.constant 0 : index
      %get3A_259 = arith.constant 64 : index
      %get3A_260 = vector.load %arg15[%get3A_256, %get3A_257, %get3A_258, %get3A_259] : memref<1x5x33x65xf32, #tpu.memory_space<vmem>>, vector<1x1x32x1xf32>
      %get3A_261 = vector.shape_cast %get3A_260 : vector<1x1x32x1xf32> to vector<32x1xf32>
      %add3A_262 = vector.broadcast %get3A_261 : vector<32x1xf32> to vector<32x128xf32>
      %add3A_263 = arith.addf %slice3A_255, %add3A_262 : vector<32x128xf32>
      %max3A_264 = arith.constant 0.000000e+00 : f32
      %max3A_265 = vector.broadcast %max3A_264 : f32 to vector<32x128xf32>
      %max3A_266 = arith.maximumf %add3A_263, %max3A_265 : vector<32x128xf32>
      %get3A_267 = arith.constant 0 : index
      %get3A_268 = arith.constant 0 : index
      %get3A_269 = arith.constant 0 : index
      %get3A_270 = arith.constant 0 : index
      %get3A_271 = vector.load %arg16[%get3A_267, %get3A_268, %get3A_269, %get3A_270] : memref<1x5x33x65xf32, #tpu.memory_space<vmem>>, vector<1x1x33x63xf32>
      %get3A_272 = vector.shape_cast %get3A_271 : vector<1x1x33x63xf32> to vector<33x63xf32>
      %dot_general3A_273 = arith.constant dense<0.000000e+00> : vector<33x128xf32>
      %dot_general3A_274 = tpu.matmul %get3A_272, %concatenate3A_40, %dot_general3A_273 {dimension_numbers = #tpu.dot_dimension_numbers<[1], [0], [0], [1], [0, 0, 1, 1], [], []>, transpose_lhs_hint = false} : vector<33x63xf32>, vector<63x128xf32>, vector<33x128xf32> -> vector<33x128xf32>
      %slice3A_275 = vector.extract_strided_slice %dot_general3A_274 {offsets = [0, 0], sizes = [32, 128], strides = [1, 1]} : vector<33x128xf32> to vector<32x128xf32>
      %get3A_276 = arith.constant 0 : index
      %get3A_277 = arith.constant 0 : index
      %get3A_278 = arith.constant 0 : index
      %get3A_279 = arith.constant 64 : index
      %get3A_280 = vector.load %arg16[%get3A_276, %get3A_277, %get3A_278, %get3A_279] : memref<1x5x33x65xf32, #tpu.memory_space<vmem>>, vector<1x1x32x1xf32>
      %get3A_281 = vector.shape_cast %get3A_280 : vector<1x1x32x1xf32> to vector<32x1xf32>
      %add3A_282 = vector.broadcast %get3A_281 : vector<32x1xf32> to vector<32x128xf32>
      %add3A_283 = arith.addf %slice3A_275, %add3A_282 : vector<32x128xf32>
      %max3A_284 = arith.constant 0.000000e+00 : f32
      %max3A_285 = vector.broadcast %max3A_284 : f32 to vector<32x128xf32>
      %max3A_286 = arith.maximumf %add3A_283, %max3A_285 : vector<32x128xf32>
      %get3A_287 = arith.constant 0 : index
      %get3A_288 = arith.constant 0 : index
      %get3A_289 = arith.constant 0 : index
      %get3A_290 = arith.constant 0 : index
      %get3A_291 = vector.load %arg17[%get3A_287, %get3A_288, %get3A_289, %get3A_290] : memref<1x5x33x65xf32, #tpu.memory_space<vmem>>, vector<1x1x33x63xf32>
      %get3A_292 = vector.shape_cast %get3A_291 : vector<1x1x33x63xf32> to vector<33x63xf32>
      %dot_general3A_293 = arith.constant dense<0.000000e+00> : vector<33x128xf32>
      %dot_general3A_294 = tpu.matmul %get3A_292, %concatenate3A_40, %dot_general3A_293 {dimension_numbers = #tpu.dot_dimension_numbers<[1], [0], [0], [1], [0, 0, 1, 1], [], []>, transpose_lhs_hint = false} : vector<33x63xf32>, vector<63x128xf32>, vector<33x128xf32> -> vector<33x128xf32>
      %slice3A_295 = vector.extract_strided_slice %dot_general3A_294 {offsets = [0, 0], sizes = [32, 128], strides = [1, 1]} : vector<33x128xf32> to vector<32x128xf32>
      %get3A_296 = arith.constant 0 : index
      %get3A_297 = arith.constant 0 : index
      %get3A_298 = arith.constant 0 : index
      %get3A_299 = arith.constant 64 : index
      %get3A_300 = vector.load %arg17[%get3A_296, %get3A_297, %get3A_298, %get3A_299] : memref<1x5x33x65xf32, #tpu.memory_space<vmem>>, vector<1x1x32x1xf32>
      %get3A_301 = vector.shape_cast %get3A_300 : vector<1x1x32x1xf32> to vector<32x1xf32>
      %add3A_302 = vector.broadcast %get3A_301 : vector<32x1xf32> to vector<32x128xf32>
      %add3A_303 = arith.addf %slice3A_295, %add3A_302 : vector<32x128xf32>
      %max3A_304 = arith.constant 0.000000e+00 : f32
      %max3A_305 = vector.broadcast %max3A_304 : f32 to vector<32x128xf32>
      %max3A_306 = arith.maximumf %add3A_303, %max3A_305 : vector<32x128xf32>
      %get3A_307 = arith.constant 0 : index
      %get3A_308 = arith.constant 0 : index
      %get3A_309 = arith.constant 0 : index
      %get3A_310 = arith.constant 0 : index
      %get3A_311 = vector.load %arg18[%get3A_307, %get3A_308, %get3A_309, %get3A_310] : memref<1x5x33x65xf32, #tpu.memory_space<vmem>>, vector<1x1x33x63xf32>
      %get3A_312 = vector.shape_cast %get3A_311 : vector<1x1x33x63xf32> to vector<33x63xf32>
      %dot_general3A_313 = arith.constant dense<0.000000e+00> : vector<33x128xf32>
      %dot_general3A_314 = tpu.matmul %get3A_312, %concatenate3A_40, %dot_general3A_313 {dimension_numbers = #tpu.dot_dimension_numbers<[1], [0], [0], [1], [0, 0, 1, 1], [], []>, transpose_lhs_hint = false} : vector<33x63xf32>, vector<63x128xf32>, vector<33x128xf32> -> vector<33x128xf32>
      %slice3A_315 = vector.extract_strided_slice %dot_general3A_314 {offsets = [0, 0], sizes = [32, 128], strides = [1, 1]} : vector<33x128xf32> to vector<32x128xf32>
      %get3A_316 = arith.constant 0 : index
      %get3A_317 = arith.constant 0 : index
      %get3A_318 = arith.constant 0 : index
      %get3A_319 = arith.constant 64 : index
      %get3A_320 = vector.load %arg18[%get3A_316, %get3A_317, %get3A_318, %get3A_319] : memref<1x5x33x65xf32, #tpu.memory_space<vmem>>, vector<1x1x32x1xf32>
      %get3A_321 = vector.shape_cast %get3A_320 : vector<1x1x32x1xf32> to vector<32x1xf32>
      %add3A_322 = vector.broadcast %get3A_321 : vector<32x1xf32> to vector<32x128xf32>
      %add3A_323 = arith.addf %slice3A_315, %add3A_322 : vector<32x128xf32>
      %max3A_324 = arith.constant 0.000000e+00 : f32
      %max3A_325 = vector.broadcast %max3A_324 : f32 to vector<32x128xf32>
      %max3A_326 = arith.maximumf %add3A_323, %max3A_325 : vector<32x128xf32>
      %get3A_327 = arith.constant 0 : index
      %get3A_328 = arith.constant 0 : index
      %get3A_329 = arith.constant 0 : index
      %get3A_330 = arith.constant 0 : index
      %get3A_331 = vector.load %arg19[%get3A_327, %get3A_328, %get3A_329, %get3A_330] : memref<1x5x33x65xf32, #tpu.memory_space<vmem>>, vector<1x1x33x63xf32>
      %get3A_332 = vector.shape_cast %get3A_331 : vector<1x1x33x63xf32> to vector<33x63xf32>
      %dot_general3A_333 = arith.constant dense<0.000000e+00> : vector<33x128xf32>
      %dot_general3A_334 = tpu.matmul %get3A_332, %concatenate3A_40, %dot_general3A_333 {dimension_numbers = #tpu.dot_dimension_numbers<[1], [0], [0], [1], [0, 0, 1, 1], [], []>, transpose_lhs_hint = false} : vector<33x63xf32>, vector<63x128xf32>, vector<33x128xf32> -> vector<33x128xf32>
      %slice3A_335 = vector.extract_strided_slice %dot_general3A_334 {offsets = [0, 0], sizes = [32, 128], strides = [1, 1]} : vector<33x128xf32> to vector<32x128xf32>
      %get3A_336 = arith.constant 0 : index
      %get3A_337 = arith.constant 0 : index
      %get3A_338 = arith.constant 0 : index
      %get3A_339 = arith.constant 64 : index
      %get3A_340 = vector.load %arg19[%get3A_336, %get3A_337, %get3A_338, %get3A_339] : memref<1x5x33x65xf32, #tpu.memory_space<vmem>>, vector<1x1x32x1xf32>
      %get3A_341 = vector.shape_cast %get3A_340 : vector<1x1x32x1xf32> to vector<32x1xf32>
      %add3A_342 = vector.broadcast %get3A_341 : vector<32x1xf32> to vector<32x128xf32>
      %add3A_343 = arith.addf %slice3A_335, %add3A_342 : vector<32x128xf32>
      %max3A_344 = arith.constant 0.000000e+00 : f32
      %max3A_345 = vector.broadcast %max3A_344 : f32 to vector<32x128xf32>
      %max3A_346 = arith.maximumf %add3A_343, %max3A_345 : vector<32x128xf32>
      %get3A_347 = arith.constant 0 : index
      %get3A_348 = arith.constant 0 : index
      %get3A_349 = arith.constant 0 : index
      %get3A_350 = arith.constant 0 : index
      %get3A_351 = vector.load %arg20[%get3A_347, %get3A_348, %get3A_349, %get3A_350] : memref<1x5x33x65xf32, #tpu.memory_space<vmem>>, vector<1x1x33x63xf32>
      %get3A_352 = vector.shape_cast %get3A_351 : vector<1x1x33x63xf32> to vector<33x63xf32>
      %dot_general3A_353 = arith.constant dense<0.000000e+00> : vector<33x128xf32>
      %dot_general3A_354 = tpu.matmul %get3A_352, %concatenate3A_40, %dot_general3A_353 {dimension_numbers = #tpu.dot_dimension_numbers<[1], [0], [0], [1], [0, 0, 1, 1], [], []>, transpose_lhs_hint = false} : vector<33x63xf32>, vector<63x128xf32>, vector<33x128xf32> -> vector<33x128xf32>
      %slice3A_355 = vector.extract_strided_slice %dot_general3A_354 {offsets = [0, 0], sizes = [32, 128], strides = [1, 1]} : vector<33x128xf32> to vector<32x128xf32>
      %get3A_356 = arith.constant 0 : index
      %get3A_357 = arith.constant 0 : index
      %get3A_358 = arith.constant 0 : index
      %get3A_359 = arith.constant 64 : index
      %get3A_360 = vector.load %arg20[%get3A_356, %get3A_357, %get3A_358, %get3A_359] : memref<1x5x33x65xf32, #tpu.memory_space<vmem>>, vector<1x1x32x1xf32>
      %get3A_361 = vector.shape_cast %get3A_360 : vector<1x1x32x1xf32> to vector<32x1xf32>
      %add3A_362 = vector.broadcast %get3A_361 : vector<32x1xf32> to vector<32x128xf32>
      %add3A_363 = arith.addf %slice3A_355, %add3A_362 : vector<32x128xf32>
      %max3A_364 = arith.constant 0.000000e+00 : f32
      %max3A_365 = vector.broadcast %max3A_364 : f32 to vector<32x128xf32>
      %max3A_366 = arith.maximumf %add3A_363, %max3A_365 : vector<32x128xf32>
      %get3A_367 = arith.constant 0 : index
      %get3A_368 = arith.constant 0 : index
      %get3A_369 = arith.constant 0 : index
      %get3A_370 = arith.constant 0 : index
      %get3A_371 = vector.load %arg21[%get3A_367, %get3A_368, %get3A_369, %get3A_370] : memref<1x5x33x65xf32, #tpu.memory_space<vmem>>, vector<1x1x33x63xf32>
      %get3A_372 = vector.shape_cast %get3A_371 : vector<1x1x33x63xf32> to vector<33x63xf32>
      %dot_general3A_373 = arith.constant dense<0.000000e+00> : vector<33x128xf32>
      %dot_general3A_374 = tpu.matmul %get3A_372, %concatenate3A_40, %dot_general3A_373 {dimension_numbers = #tpu.dot_dimension_numbers<[1], [0], [0], [1], [0, 0, 1, 1], [], []>, transpose_lhs_hint = false} : vector<33x63xf32>, vector<63x128xf32>, vector<33x128xf32> -> vector<33x128xf32>
      %slice3A_375 = vector.extract_strided_slice %dot_general3A_374 {offsets = [0, 0], sizes = [32, 128], strides = [1, 1]} : vector<33x128xf32> to vector<32x128xf32>
      %get3A_376 = arith.constant 0 : index
      %get3A_377 = arith.constant 0 : index
      %get3A_378 = arith.constant 0 : index
      %get3A_379 = arith.constant 64 : index
      %get3A_380 = vector.load %arg21[%get3A_376, %get3A_377, %get3A_378, %get3A_379] : memref<1x5x33x65xf32, #tpu.memory_space<vmem>>, vector<1x1x32x1xf32>
      %get3A_381 = vector.shape_cast %get3A_380 : vector<1x1x32x1xf32> to vector<32x1xf32>
      %add3A_382 = vector.broadcast %get3A_381 : vector<32x1xf32> to vector<32x128xf32>
      %add3A_383 = arith.addf %slice3A_375, %add3A_382 : vector<32x128xf32>
      %max3A_384 = arith.constant 0.000000e+00 : f32
      %max3A_385 = vector.broadcast %max3A_384 : f32 to vector<32x128xf32>
      %max3A_386 = arith.maximumf %add3A_383, %max3A_385 : vector<32x128xf32>
      %get3A_387 = arith.constant 0 : index
      %get3A_388 = arith.constant 1 : index
      %get3A_389 = arith.constant 0 : index
      %get3A_390 = arith.constant 0 : index
      %get3A_391 = vector.load %arg6[%get3A_387, %get3A_388, %get3A_389, %get3A_390] : memref<1x5x33x65xf32, #tpu.memory_space<vmem>>, vector<1x1x33x32xf32>
      %get3A_392 = vector.shape_cast %get3A_391 : vector<1x1x33x32xf32> to vector<33x32xf32>
      %dot_general3A_393 = arith.constant dense<0.000000e+00> : vector<33x128xf32>
      %dot_general3A_394 = tpu.matmul %get3A_392, %max3A_86, %dot_general3A_393 {dimension_numbers = #tpu.dot_dimension_numbers<[1], [0], [0], [1], [0, 0, 1, 1], [], []>, transpose_lhs_hint = false} : vector<33x32xf32>, vector<32x128xf32>, vector<33x128xf32> -> vector<33x128xf32>
      %get3A_395 = arith.constant 0 : index
      %get3A_396 = arith.constant 1 : index
      %get3A_397 = arith.constant 0 : index
      %get3A_398 = arith.constant 64 : index
      %get3A_399 = vector.load %arg6[%get3A_395, %get3A_396, %get3A_397, %get3A_398] : memref<1x5x33x65xf32, #tpu.memory_space<vmem>>, vector<1x1x33x1xf32>
      %get3A_400 = vector.shape_cast %get3A_399 : vector<1x1x33x1xf32> to vector<33x1xf32>
      %add3A_401 = vector.broadcast %get3A_400 : vector<33x1xf32> to vector<33x128xf32>
      %add3A_402 = arith.addf %dot_general3A_394, %add3A_401 : vector<33x128xf32>
      %max3A_403 = arith.constant 0.000000e+00 : f32
      %max3A_404 = vector.broadcast %max3A_403 : f32 to vector<33x128xf32>
      %max3A_405 = arith.maximumf %add3A_402, %max3A_404 : vector<33x128xf32>
      %get3A_406 = arith.constant 0 : index
      %get3A_407 = arith.constant 1 : index
      %get3A_408 = arith.constant 0 : index
      %get3A_409 = arith.constant 0 : index
      %get3A_410 = vector.load %arg7[%get3A_406, %get3A_407, %get3A_408, %get3A_409] : memref<1x5x33x65xf32, #tpu.memory_space<vmem>>, vector<1x1x33x32xf32>
      %get3A_411 = vector.shape_cast %get3A_410 : vector<1x1x33x32xf32> to vector<33x32xf32>
      %dot_general3A_412 = arith.constant dense<0.000000e+00> : vector<33x128xf32>
      %dot_general3A_413 = tpu.matmul %get3A_411, %max3A_106, %dot_general3A_412 {dimension_numbers = #tpu.dot_dimension_numbers<[1], [0], [0], [1], [0, 0, 1, 1], [], []>, transpose_lhs_hint = false} : vector<33x32xf32>, vector<32x128xf32>, vector<33x128xf32> -> vector<33x128xf32>
      %get3A_414 = arith.constant 0 : index
      %get3A_415 = arith.constant 1 : index
      %get3A_416 = arith.constant 0 : index
      %get3A_417 = arith.constant 64 : index
      %get3A_418 = vector.load %arg7[%get3A_414, %get3A_415, %get3A_416, %get3A_417] : memref<1x5x33x65xf32, #tpu.memory_space<vmem>>, vector<1x1x33x1xf32>
      %get3A_419 = vector.shape_cast %get3A_418 : vector<1x1x33x1xf32> to vector<33x1xf32>
      %add3A_420 = vector.broadcast %get3A_419 : vector<33x1xf32> to vector<33x128xf32>
      %add3A_421 = arith.addf %dot_general3A_413, %add3A_420 : vector<33x128xf32>
      %max3A_422 = arith.constant 0.000000e+00 : f32
      %max3A_423 = vector.broadcast %max3A_422 : f32 to vector<33x128xf32>
      %max3A_424 = arith.maximumf %add3A_421, %max3A_423 : vector<33x128xf32>
      %get3A_425 = arith.constant 0 : index
      %get3A_426 = arith.constant 1 : index
      %get3A_427 = arith.constant 0 : index
      %get3A_428 = arith.constant 0 : index
      %get3A_429 = vector.load %arg8[%get3A_425, %get3A_426, %get3A_427, %get3A_428] : memref<1x5x33x65xf32, #tpu.memory_space<vmem>>, vector<1x1x33x32xf32>
      %get3A_430 = vector.shape_cast %get3A_429 : vector<1x1x33x32xf32> to vector<33x32xf32>
      %dot_general3A_431 = arith.constant dense<0.000000e+00> : vector<33x128xf32>
      %dot_general3A_432 = tpu.matmul %get3A_430, %max3A_126, %dot_general3A_431 {dimension_numbers = #tpu.dot_dimension_numbers<[1], [0], [0], [1], [0, 0, 1, 1], [], []>, transpose_lhs_hint = false} : vector<33x32xf32>, vector<32x128xf32>, vector<33x128xf32> -> vector<33x128xf32>
      %get3A_433 = arith.constant 0 : index
      %get3A_434 = arith.constant 1 : index
      %get3A_435 = arith.constant 0 : index
      %get3A_436 = arith.constant 64 : index
      %get3A_437 = vector.load %arg8[%get3A_433, %get3A_434, %get3A_435, %get3A_436] : memref<1x5x33x65xf32, #tpu.memory_space<vmem>>, vector<1x1x33x1xf32>
      %get3A_438 = vector.shape_cast %get3A_437 : vector<1x1x33x1xf32> to vector<33x1xf32>
      %add3A_439 = vector.broadcast %get3A_438 : vector<33x1xf32> to vector<33x128xf32>
      %add3A_440 = arith.addf %dot_general3A_432, %add3A_439 : vector<33x128xf32>
      %max3A_441 = arith.constant 0.000000e+00 : f32
      %max3A_442 = vector.broadcast %max3A_441 : f32 to vector<33x128xf32>
      %max3A_443 = arith.maximumf %add3A_440, %max3A_442 : vector<33x128xf32>
      %get3A_444 = arith.constant 0 : index
      %get3A_445 = arith.constant 1 : index
      %get3A_446 = arith.constant 0 : index
      %get3A_447 = arith.constant 0 : index
      %get3A_448 = vector.load %arg9[%get3A_444, %get3A_445, %get3A_446, %get3A_447] : memref<1x5x33x65xf32, #tpu.memory_space<vmem>>, vector<1x1x33x32xf32>
      %get3A_449 = vector.shape_cast %get3A_448 : vector<1x1x33x32xf32> to vector<33x32xf32>
      %dot_general3A_450 = arith.constant dense<0.000000e+00> : vector<33x128xf32>
      %dot_general3A_451 = tpu.matmul %get3A_449, %max3A_146, %dot_general3A_450 {dimension_numbers = #tpu.dot_dimension_numbers<[1], [0], [0], [1], [0, 0, 1, 1], [], []>, transpose_lhs_hint = false} : vector<33x32xf32>, vector<32x128xf32>, vector<33x128xf32> -> vector<33x128xf32>
      %get3A_452 = arith.constant 0 : index
      %get3A_453 = arith.constant 1 : index
      %get3A_454 = arith.constant 0 : index
      %get3A_455 = arith.constant 64 : index
      %get3A_456 = vector.load %arg9[%get3A_452, %get3A_453, %get3A_454, %get3A_455] : memref<1x5x33x65xf32, #tpu.memory_space<vmem>>, vector<1x1x33x1xf32>
      %get3A_457 = vector.shape_cast %get3A_456 : vector<1x1x33x1xf32> to vector<33x1xf32>
      %add3A_458 = vector.broadcast %get3A_457 : vector<33x1xf32> to vector<33x128xf32>
      %add3A_459 = arith.addf %dot_general3A_451, %add3A_458 : vector<33x128xf32>
      %max3A_460 = arith.constant 0.000000e+00 : f32
      %max3A_461 = vector.broadcast %max3A_460 : f32 to vector<33x128xf32>
      %max3A_462 = arith.maximumf %add3A_459, %max3A_461 : vector<33x128xf32>
      %get3A_463 = arith.constant 0 : index
      %get3A_464 = arith.constant 1 : index
      %get3A_465 = arith.constant 0 : index
      %get3A_466 = arith.constant 0 : index
      %get3A_467 = vector.load %arg10[%get3A_463, %get3A_464, %get3A_465, %get3A_466] : memref<1x5x33x65xf32, #tpu.memory_space<vmem>>, vector<1x1x33x32xf32>
      %get3A_468 = vector.shape_cast %get3A_467 : vector<1x1x33x32xf32> to vector<33x32xf32>
      %dot_general3A_469 = arith.constant dense<0.000000e+00> : vector<33x128xf32>
      %dot_general3A_470 = tpu.matmul %get3A_468, %max3A_166, %dot_general3A_469 {dimension_numbers = #tpu.dot_dimension_numbers<[1], [0], [0], [1], [0, 0, 1, 1], [], []>, transpose_lhs_hint = false} : vector<33x32xf32>, vector<32x128xf32>, vector<33x128xf32> -> vector<33x128xf32>
      %get3A_471 = arith.constant 0 : index
      %get3A_472 = arith.constant 1 : index
      %get3A_473 = arith.constant 0 : index
      %get3A_474 = arith.constant 64 : index
      %get3A_475 = vector.load %arg10[%get3A_471, %get3A_472, %get3A_473, %get3A_474] : memref<1x5x33x65xf32, #tpu.memory_space<vmem>>, vector<1x1x33x1xf32>
      %get3A_476 = vector.shape_cast %get3A_475 : vector<1x1x33x1xf32> to vector<33x1xf32>
      %add3A_477 = vector.broadcast %get3A_476 : vector<33x1xf32> to vector<33x128xf32>
      %add3A_478 = arith.addf %dot_general3A_470, %add3A_477 : vector<33x128xf32>
      %max3A_479 = arith.constant 0.000000e+00 : f32
      %max3A_480 = vector.broadcast %max3A_479 : f32 to vector<33x128xf32>
      %max3A_481 = arith.maximumf %add3A_478, %max3A_480 : vector<33x128xf32>
      %get3A_482 = arith.constant 0 : index
      %get3A_483 = arith.constant 1 : index
      %get3A_484 = arith.constant 0 : index
      %get3A_485 = arith.constant 0 : index
      %get3A_486 = vector.load %arg11[%get3A_482, %get3A_483, %get3A_484, %get3A_485] : memref<1x5x33x65xf32, #tpu.memory_space<vmem>>, vector<1x1x33x32xf32>
      %get3A_487 = vector.shape_cast %get3A_486 : vector<1x1x33x32xf32> to vector<33x32xf32>
      %dot_general3A_488 = arith.constant dense<0.000000e+00> : vector<33x128xf32>
      %dot_general3A_489 = tpu.matmul %get3A_487, %max3A_186, %dot_general3A_488 {dimension_numbers = #tpu.dot_dimension_numbers<[1], [0], [0], [1], [0, 0, 1, 1], [], []>, transpose_lhs_hint = false} : vector<33x32xf32>, vector<32x128xf32>, vector<33x128xf32> -> vector<33x128xf32>
      %get3A_490 = arith.constant 0 : index
      %get3A_491 = arith.constant 1 : index
      %get3A_492 = arith.constant 0 : index
      %get3A_493 = arith.constant 64 : index
      %get3A_494 = vector.load %arg11[%get3A_490, %get3A_491, %get3A_492, %get3A_493] : memref<1x5x33x65xf32, #tpu.memory_space<vmem>>, vector<1x1x33x1xf32>
      %get3A_495 = vector.shape_cast %get3A_494 : vector<1x1x33x1xf32> to vector<33x1xf32>
      %add3A_496 = vector.broadcast %get3A_495 : vector<33x1xf32> to vector<33x128xf32>
      %add3A_497 = arith.addf %dot_general3A_489, %add3A_496 : vector<33x128xf32>
      %max3A_498 = arith.constant 0.000000e+00 : f32
      %max3A_499 = vector.broadcast %max3A_498 : f32 to vector<33x128xf32>
      %max3A_500 = arith.maximumf %add3A_497, %max3A_499 : vector<33x128xf32>
      %get3A_501 = arith.constant 0 : index
      %get3A_502 = arith.constant 1 : index
      %get3A_503 = arith.constant 0 : index
      %get3A_504 = arith.constant 0 : index
      %get3A_505 = vector.load %arg12[%get3A_501, %get3A_502, %get3A_503, %get3A_504] : memref<1x5x33x65xf32, #tpu.memory_space<vmem>>, vector<1x1x33x32xf32>
      %get3A_506 = vector.shape_cast %get3A_505 : vector<1x1x33x32xf32> to vector<33x32xf32>
      %dot_general3A_507 = arith.constant dense<0.000000e+00> : vector<33x128xf32>
      %dot_general3A_508 = tpu.matmul %get3A_506, %max3A_206, %dot_general3A_507 {dimension_numbers = #tpu.dot_dimension_numbers<[1], [0], [0], [1], [0, 0, 1, 1], [], []>, transpose_lhs_hint = false} : vector<33x32xf32>, vector<32x128xf32>, vector<33x128xf32> -> vector<33x128xf32>
      %get3A_509 = arith.constant 0 : index
      %get3A_510 = arith.constant 1 : index
      %get3A_511 = arith.constant 0 : index
      %get3A_512 = arith.constant 64 : index
      %get3A_513 = vector.load %arg12[%get3A_509, %get3A_510, %get3A_511, %get3A_512] : memref<1x5x33x65xf32, #tpu.memory_space<vmem>>, vector<1x1x33x1xf32>
      %get3A_514 = vector.shape_cast %get3A_513 : vector<1x1x33x1xf32> to vector<33x1xf32>
      %add3A_515 = vector.broadcast %get3A_514 : vector<33x1xf32> to vector<33x128xf32>
      %add3A_516 = arith.addf %dot_general3A_508, %add3A_515 : vector<33x128xf32>
      %max3A_517 = arith.constant 0.000000e+00 : f32
      %max3A_518 = vector.broadcast %max3A_517 : f32 to vector<33x128xf32>
      %max3A_519 = arith.maximumf %add3A_516, %max3A_518 : vector<33x128xf32>
      %get3A_520 = arith.constant 0 : index
      %get3A_521 = arith.constant 1 : index
      %get3A_522 = arith.constant 0 : index
      %get3A_523 = arith.constant 0 : index
      %get3A_524 = vector.load %arg13[%get3A_520, %get3A_521, %get3A_522, %get3A_523] : memref<1x5x33x65xf32, #tpu.memory_space<vmem>>, vector<1x1x33x32xf32>
      %get3A_525 = vector.shape_cast %get3A_524 : vector<1x1x33x32xf32> to vector<33x32xf32>
      %dot_general3A_526 = arith.constant dense<0.000000e+00> : vector<33x128xf32>
      %dot_general3A_527 = tpu.matmul %get3A_525, %max3A_226, %dot_general3A_526 {dimension_numbers = #tpu.dot_dimension_numbers<[1], [0], [0], [1], [0, 0, 1, 1], [], []>, transpose_lhs_hint = false} : vector<33x32xf32>, vector<32x128xf32>, vector<33x128xf32> -> vector<33x128xf32>
      %get3A_528 = arith.constant 0 : index
      %get3A_529 = arith.constant 1 : index
      %get3A_530 = arith.constant 0 : index
      %get3A_531 = arith.constant 64 : index
      %get3A_532 = vector.load %arg13[%get3A_528, %get3A_529, %get3A_530, %get3A_531] : memref<1x5x33x65xf32, #tpu.memory_space<vmem>>, vector<1x1x33x1xf32>
      %get3A_533 = vector.shape_cast %get3A_532 : vector<1x1x33x1xf32> to vector<33x1xf32>
      %add3A_534 = vector.broadcast %get3A_533 : vector<33x1xf32> to vector<33x128xf32>
      %add3A_535 = arith.addf %dot_general3A_527, %add3A_534 : vector<33x128xf32>
      %max3A_536 = arith.constant 0.000000e+00 : f32
      %max3A_537 = vector.broadcast %max3A_536 : f32 to vector<33x128xf32>
      %max3A_538 = arith.maximumf %add3A_535, %max3A_537 : vector<33x128xf32>
      %get3A_539 = arith.constant 0 : index
      %get3A_540 = arith.constant 1 : index
      %get3A_541 = arith.constant 0 : index
      %get3A_542 = arith.constant 0 : index
      %get3A_543 = vector.load %arg14[%get3A_539, %get3A_540, %get3A_541, %get3A_542] : memref<1x5x33x65xf32, #tpu.memory_space<vmem>>, vector<1x1x33x32xf32>
      %get3A_544 = vector.shape_cast %get3A_543 : vector<1x1x33x32xf32> to vector<33x32xf32>
      %dot_general3A_545 = arith.constant dense<0.000000e+00> : vector<33x128xf32>
      %dot_general3A_546 = tpu.matmul %get3A_544, %max3A_246, %dot_general3A_545 {dimension_numbers = #tpu.dot_dimension_numbers<[1], [0], [0], [1], [0, 0, 1, 1], [], []>, transpose_lhs_hint = false} : vector<33x32xf32>, vector<32x128xf32>, vector<33x128xf32> -> vector<33x128xf32>
      %get3A_547 = arith.constant 0 : index
      %get3A_548 = arith.constant 1 : index
      %get3A_549 = arith.constant 0 : index
      %get3A_550 = arith.constant 64 : index
      %get3A_551 = vector.load %arg14[%get3A_547, %get3A_548, %get3A_549, %get3A_550] : memref<1x5x33x65xf32, #tpu.memory_space<vmem>>, vector<1x1x33x1xf32>
      %get3A_552 = vector.shape_cast %get3A_551 : vector<1x1x33x1xf32> to vector<33x1xf32>
      %add3A_553 = vector.broadcast %get3A_552 : vector<33x1xf32> to vector<33x128xf32>
      %add3A_554 = arith.addf %dot_general3A_546, %add3A_553 : vector<33x128xf32>
      %max3A_555 = arith.constant 0.000000e+00 : f32
      %max3A_556 = vector.broadcast %max3A_555 : f32 to vector<33x128xf32>
      %max3A_557 = arith.maximumf %add3A_554, %max3A_556 : vector<33x128xf32>
      %get3A_558 = arith.constant 0 : index
      %get3A_559 = arith.constant 1 : index
      %get3A_560 = arith.constant 0 : index
      %get3A_561 = arith.constant 0 : index
      %get3A_562 = vector.load %arg15[%get3A_558, %get3A_559, %get3A_560, %get3A_561] : memref<1x5x33x65xf32, #tpu.memory_space<vmem>>, vector<1x1x33x32xf32>
      %get3A_563 = vector.shape_cast %get3A_562 : vector<1x1x33x32xf32> to vector<33x32xf32>
      %dot_general3A_564 = arith.constant dense<0.000000e+00> : vector<33x128xf32>
      %dot_general3A_565 = tpu.matmul %get3A_563, %max3A_266, %dot_general3A_564 {dimension_numbers = #tpu.dot_dimension_numbers<[1], [0], [0], [1], [0, 0, 1, 1], [], []>, transpose_lhs_hint = false} : vector<33x32xf32>, vector<32x128xf32>, vector<33x128xf32> -> vector<33x128xf32>
      %get3A_566 = arith.constant 0 : index
      %get3A_567 = arith.constant 1 : index
      %get3A_568 = arith.constant 0 : index
      %get3A_569 = arith.constant 64 : index
      %get3A_570 = vector.load %arg15[%get3A_566, %get3A_567, %get3A_568, %get3A_569] : memref<1x5x33x65xf32, #tpu.memory_space<vmem>>, vector<1x1x33x1xf32>
      %get3A_571 = vector.shape_cast %get3A_570 : vector<1x1x33x1xf32> to vector<33x1xf32>
      %add3A_572 = vector.broadcast %get3A_571 : vector<33x1xf32> to vector<33x128xf32>
      %add3A_573 = arith.addf %dot_general3A_565, %add3A_572 : vector<33x128xf32>
      %max3A_574 = arith.constant 0.000000e+00 : f32
      %max3A_575 = vector.broadcast %max3A_574 : f32 to vector<33x128xf32>
      %max3A_576 = arith.maximumf %add3A_573, %max3A_575 : vector<33x128xf32>
      %get3A_577 = arith.constant 0 : index
      %get3A_578 = arith.constant 1 : index
      %get3A_579 = arith.constant 0 : index
      %get3A_580 = arith.constant 0 : index
      %get3A_581 = vector.load %arg16[%get3A_577, %get3A_578, %get3A_579, %get3A_580] : memref<1x5x33x65xf32, #tpu.memory_space<vmem>>, vector<1x1x33x32xf32>
      %get3A_582 = vector.shape_cast %get3A_581 : vector<1x1x33x32xf32> to vector<33x32xf32>
      %dot_general3A_583 = arith.constant dense<0.000000e+00> : vector<33x128xf32>
      %dot_general3A_584 = tpu.matmul %get3A_582, %max3A_286, %dot_general3A_583 {dimension_numbers = #tpu.dot_dimension_numbers<[1], [0], [0], [1], [0, 0, 1, 1], [], []>, transpose_lhs_hint = false} : vector<33x32xf32>, vector<32x128xf32>, vector<33x128xf32> -> vector<33x128xf32>
      %get3A_585 = arith.constant 0 : index
      %get3A_586 = arith.constant 1 : index
      %get3A_587 = arith.constant 0 : index
      %get3A_588 = arith.constant 64 : index
      %get3A_589 = vector.load %arg16[%get3A_585, %get3A_586, %get3A_587, %get3A_588] : memref<1x5x33x65xf32, #tpu.memory_space<vmem>>, vector<1x1x33x1xf32>
      %get3A_590 = vector.shape_cast %get3A_589 : vector<1x1x33x1xf32> to vector<33x1xf32>
      %add3A_591 = vector.broadcast %get3A_590 : vector<33x1xf32> to vector<33x128xf32>
      %add3A_592 = arith.addf %dot_general3A_584, %add3A_591 : vector<33x128xf32>
      %max3A_593 = arith.constant 0.000000e+00 : f32
      %max3A_594 = vector.broadcast %max3A_593 : f32 to vector<33x128xf32>
      %max3A_595 = arith.maximumf %add3A_592, %max3A_594 : vector<33x128xf32>
      %get3A_596 = arith.constant 0 : index
      %get3A_597 = arith.constant 1 : index
      %get3A_598 = arith.constant 0 : index
      %get3A_599 = arith.constant 0 : index
      %get3A_600 = vector.load %arg17[%get3A_596, %get3A_597, %get3A_598, %get3A_599] : memref<1x5x33x65xf32, #tpu.memory_space<vmem>>, vector<1x1x33x32xf32>
      %get3A_601 = vector.shape_cast %get3A_600 : vector<1x1x33x32xf32> to vector<33x32xf32>
      %dot_general3A_602 = arith.constant dense<0.000000e+00> : vector<33x128xf32>
      %dot_general3A_603 = tpu.matmul %get3A_601, %max3A_306, %dot_general3A_602 {dimension_numbers = #tpu.dot_dimension_numbers<[1], [0], [0], [1], [0, 0, 1, 1], [], []>, transpose_lhs_hint = false} : vector<33x32xf32>, vector<32x128xf32>, vector<33x128xf32> -> vector<33x128xf32>
      %get3A_604 = arith.constant 0 : index
      %get3A_605 = arith.constant 1 : index
      %get3A_606 = arith.constant 0 : index
      %get3A_607 = arith.constant 64 : index
      %get3A_608 = vector.load %arg17[%get3A_604, %get3A_605, %get3A_606, %get3A_607] : memref<1x5x33x65xf32, #tpu.memory_space<vmem>>, vector<1x1x33x1xf32>
      %get3A_609 = vector.shape_cast %get3A_608 : vector<1x1x33x1xf32> to vector<33x1xf32>
      %add3A_610 = vector.broadcast %get3A_609 : vector<33x1xf32> to vector<33x128xf32>
      %add3A_611 = arith.addf %dot_general3A_603, %add3A_610 : vector<33x128xf32>
      %max3A_612 = arith.constant 0.000000e+00 : f32
      %max3A_613 = vector.broadcast %max3A_612 : f32 to vector<33x128xf32>
      %max3A_614 = arith.maximumf %add3A_611, %max3A_613 : vector<33x128xf32>
      %get3A_615 = arith.constant 0 : index
      %get3A_616 = arith.constant 1 : index
      %get3A_617 = arith.constant 0 : index
      %get3A_618 = arith.constant 0 : index
      %get3A_619 = vector.load %arg18[%get3A_615, %get3A_616, %get3A_617, %get3A_618] : memref<1x5x33x65xf32, #tpu.memory_space<vmem>>, vector<1x1x33x32xf32>
      %get3A_620 = vector.shape_cast %get3A_619 : vector<1x1x33x32xf32> to vector<33x32xf32>
      %dot_general3A_621 = arith.constant dense<0.000000e+00> : vector<33x128xf32>
      %dot_general3A_622 = tpu.matmul %get3A_620, %max3A_326, %dot_general3A_621 {dimension_numbers = #tpu.dot_dimension_numbers<[1], [0], [0], [1], [0, 0, 1, 1], [], []>, transpose_lhs_hint = false} : vector<33x32xf32>, vector<32x128xf32>, vector<33x128xf32> -> vector<33x128xf32>
      %get3A_623 = arith.constant 0 : index
      %get3A_624 = arith.constant 1 : index
      %get3A_625 = arith.constant 0 : index
      %get3A_626 = arith.constant 64 : index
      %get3A_627 = vector.load %arg18[%get3A_623, %get3A_624, %get3A_625, %get3A_626] : memref<1x5x33x65xf32, #tpu.memory_space<vmem>>, vector<1x1x33x1xf32>
      %get3A_628 = vector.shape_cast %get3A_627 : vector<1x1x33x1xf32> to vector<33x1xf32>
      %add3A_629 = vector.broadcast %get3A_628 : vector<33x1xf32> to vector<33x128xf32>
      %add3A_630 = arith.addf %dot_general3A_622, %add3A_629 : vector<33x128xf32>
      %max3A_631 = arith.constant 0.000000e+00 : f32
      %max3A_632 = vector.broadcast %max3A_631 : f32 to vector<33x128xf32>
      %max3A_633 = arith.maximumf %add3A_630, %max3A_632 : vector<33x128xf32>
      %get3A_634 = arith.constant 0 : index
      %get3A_635 = arith.constant 1 : index
      %get3A_636 = arith.constant 0 : index
      %get3A_637 = arith.constant 0 : index
      %get3A_638 = vector.load %arg19[%get3A_634, %get3A_635, %get3A_636, %get3A_637] : memref<1x5x33x65xf32, #tpu.memory_space<vmem>>, vector<1x1x33x32xf32>
      %get3A_639 = vector.shape_cast %get3A_638 : vector<1x1x33x32xf32> to vector<33x32xf32>
      %dot_general3A_640 = arith.constant dense<0.000000e+00> : vector<33x128xf32>
      %dot_general3A_641 = tpu.matmul %get3A_639, %max3A_346, %dot_general3A_640 {dimension_numbers = #tpu.dot_dimension_numbers<[1], [0], [0], [1], [0, 0, 1, 1], [], []>, transpose_lhs_hint = false} : vector<33x32xf32>, vector<32x128xf32>, vector<33x128xf32> -> vector<33x128xf32>
      %get3A_642 = arith.constant 0 : index
      %get3A_643 = arith.constant 1 : index
      %get3A_644 = arith.constant 0 : index
      %get3A_645 = arith.constant 64 : index
      %get3A_646 = vector.load %arg19[%get3A_642, %get3A_643, %get3A_644, %get3A_645] : memref<1x5x33x65xf32, #tpu.memory_space<vmem>>, vector<1x1x33x1xf32>
      %get3A_647 = vector.shape_cast %get3A_646 : vector<1x1x33x1xf32> to vector<33x1xf32>
      %add3A_648 = vector.broadcast %get3A_647 : vector<33x1xf32> to vector<33x128xf32>
      %add3A_649 = arith.addf %dot_general3A_641, %add3A_648 : vector<33x128xf32>
      %max3A_650 = arith.constant 0.000000e+00 : f32
      %max3A_651 = vector.broadcast %max3A_650 : f32 to vector<33x128xf32>
      %max3A_652 = arith.maximumf %add3A_649, %max3A_651 : vector<33x128xf32>
      %get3A_653 = arith.constant 0 : index
      %get3A_654 = arith.constant 1 : index
      %get3A_655 = arith.constant 0 : index
      %get3A_656 = arith.constant 0 : index
      %get3A_657 = vector.load %arg20[%get3A_653, %get3A_654, %get3A_655, %get3A_656] : memref<1x5x33x65xf32, #tpu.memory_space<vmem>>, vector<1x1x33x32xf32>
      %get3A_658 = vector.shape_cast %get3A_657 : vector<1x1x33x32xf32> to vector<33x32xf32>
      %dot_general3A_659 = arith.constant dense<0.000000e+00> : vector<33x128xf32>
      %dot_general3A_660 = tpu.matmul %get3A_658, %max3A_366, %dot_general3A_659 {dimension_numbers = #tpu.dot_dimension_numbers<[1], [0], [0], [1], [0, 0, 1, 1], [], []>, transpose_lhs_hint = false} : vector<33x32xf32>, vector<32x128xf32>, vector<33x128xf32> -> vector<33x128xf32>
      %get3A_661 = arith.constant 0 : index
      %get3A_662 = arith.constant 1 : index
      %get3A_663 = arith.constant 0 : index
      %get3A_664 = arith.constant 64 : index
      %get3A_665 = vector.load %arg20[%get3A_661, %get3A_662, %get3A_663, %get3A_664] : memref<1x5x33x65xf32, #tpu.memory_space<vmem>>, vector<1x1x33x1xf32>
      %get3A_666 = vector.shape_cast %get3A_665 : vector<1x1x33x1xf32> to vector<33x1xf32>
      %add3A_667 = vector.broadcast %get3A_666 : vector<33x1xf32> to vector<33x128xf32>
      %add3A_668 = arith.addf %dot_general3A_660, %add3A_667 : vector<33x128xf32>
      %max3A_669 = arith.constant 0.000000e+00 : f32
      %max3A_670 = vector.broadcast %max3A_669 : f32 to vector<33x128xf32>
      %max3A_671 = arith.maximumf %add3A_668, %max3A_670 : vector<33x128xf32>
      %get3A_672 = arith.constant 0 : index
      %get3A_673 = arith.constant 1 : index
      %get3A_674 = arith.constant 0 : index
      %get3A_675 = arith.constant 0 : index
      %get3A_676 = vector.load %arg21[%get3A_672, %get3A_673, %get3A_674, %get3A_675] : memref<1x5x33x65xf32, #tpu.memory_space<vmem>>, vector<1x1x33x32xf32>
      %get3A_677 = vector.shape_cast %get3A_676 : vector<1x1x33x32xf32> to vector<33x32xf32>
      %dot_general3A_678 = arith.constant dense<0.000000e+00> : vector<33x128xf32>
      %dot_general3A_679 = tpu.matmul %get3A_677, %max3A_386, %dot_general3A_678 {dimension_numbers = #tpu.dot_dimension_numbers<[1], [0], [0], [1], [0, 0, 1, 1], [], []>, transpose_lhs_hint = false} : vector<33x32xf32>, vector<32x128xf32>, vector<33x128xf32> -> vector<33x128xf32>
      %get3A_680 = arith.constant 0 : index
      %get3A_681 = arith.constant 1 : index
      %get3A_682 = arith.constant 0 : index
      %get3A_683 = arith.constant 64 : index
      %get3A_684 = vector.load %arg21[%get3A_680, %get3A_681, %get3A_682, %get3A_683] : memref<1x5x33x65xf32, #tpu.memory_space<vmem>>, vector<1x1x33x1xf32>
      %get3A_685 = vector.shape_cast %get3A_684 : vector<1x1x33x1xf32> to vector<33x1xf32>
      %add3A_686 = vector.broadcast %get3A_685 : vector<33x1xf32> to vector<33x128xf32>
      %add3A_687 = arith.addf %dot_general3A_679, %add3A_686 : vector<33x128xf32>
      %max3A_688 = arith.constant 0.000000e+00 : f32
      %max3A_689 = vector.broadcast %max3A_688 : f32 to vector<33x128xf32>
      %max3A_690 = arith.maximumf %add3A_687, %max3A_689 : vector<33x128xf32>
      %slice3A_691 = vector.extract_strided_slice %max3A_405 {offsets = [32, 0], sizes = [1, 128], strides = [1, 1]} : vector<33x128xf32> to vector<1x128xf32>
      %slice3A_692 = vector.extract_strided_slice %max3A_424 {offsets = [32, 0], sizes = [1, 128], strides = [1, 1]} : vector<33x128xf32> to vector<1x128xf32>
      %slice3A_693 = vector.extract_strided_slice %max3A_443 {offsets = [32, 0], sizes = [1, 128], strides = [1, 1]} : vector<33x128xf32> to vector<1x128xf32>
      %slice3A_694 = vector.extract_strided_slice %max3A_462 {offsets = [32, 0], sizes = [1, 128], strides = [1, 1]} : vector<33x128xf32> to vector<1x128xf32>
      %slice3A_695 = vector.extract_strided_slice %max3A_481 {offsets = [32, 0], sizes = [1, 128], strides = [1, 1]} : vector<33x128xf32> to vector<1x128xf32>
      %slice3A_696 = vector.extract_strided_slice %max3A_500 {offsets = [32, 0], sizes = [1, 128], strides = [1, 1]} : vector<33x128xf32> to vector<1x128xf32>
      %slice3A_697 = vector.extract_strided_slice %max3A_519 {offsets = [32, 0], sizes = [1, 128], strides = [1, 1]} : vector<33x128xf32> to vector<1x128xf32>
      %slice3A_698 = vector.extract_strided_slice %max3A_538 {offsets = [32, 0], sizes = [1, 128], strides = [1, 1]} : vector<33x128xf32> to vector<1x128xf32>
      %slice3A_699 = vector.extract_strided_slice %max3A_557 {offsets = [32, 0], sizes = [1, 128], strides = [1, 1]} : vector<33x128xf32> to vector<1x128xf32>
      %slice3A_700 = vector.extract_strided_slice %max3A_576 {offsets = [32, 0], sizes = [1, 128], strides = [1, 1]} : vector<33x128xf32> to vector<1x128xf32>
      %slice3A_701 = vector.extract_strided_slice %max3A_595 {offsets = [32, 0], sizes = [1, 128], strides = [1, 1]} : vector<33x128xf32> to vector<1x128xf32>
      %slice3A_702 = vector.extract_strided_slice %max3A_614 {offsets = [32, 0], sizes = [1, 128], strides = [1, 1]} : vector<33x128xf32> to vector<1x128xf32>
      %slice3A_703 = vector.extract_strided_slice %max3A_633 {offsets = [32, 0], sizes = [1, 128], strides = [1, 1]} : vector<33x128xf32> to vector<1x128xf32>
      %slice3A_704 = vector.extract_strided_slice %max3A_652 {offsets = [32, 0], sizes = [1, 128], strides = [1, 1]} : vector<33x128xf32> to vector<1x128xf32>
      %slice3A_705 = vector.extract_strided_slice %max3A_671 {offsets = [32, 0], sizes = [1, 128], strides = [1, 1]} : vector<33x128xf32> to vector<1x128xf32>
      %slice3A_706 = vector.extract_strided_slice %max3A_690 {offsets = [32, 0], sizes = [1, 128], strides = [1, 1]} : vector<33x128xf32> to vector<1x128xf32>
      %get3A_707 = arith.constant 0 : index
      %get3A_708 = arith.constant 2 : index
      %get3A_709 = arith.constant 0 : index
      %get3A_710 = arith.constant 0 : index
      %get3A_711 = vector.load %arg6[%get3A_707, %get3A_708, %get3A_709, %get3A_710] : memref<1x5x33x65xf32, #tpu.memory_space<vmem>>, vector<1x1x33x32xf32>
      %get3A_712 = vector.shape_cast %get3A_711 : vector<1x1x33x32xf32> to vector<33x32xf32>
      %slice3A_713 = vector.extract_strided_slice %max3A_405 {offsets = [0, 0], sizes = [32, 128], strides = [1, 1]} : vector<33x128xf32> to vector<32x128xf32>
      %dot_general3A_714 = arith.constant dense<0.000000e+00> : vector<33x128xf32>
      %dot_general3A_715 = tpu.matmul %get3A_712, %slice3A_713, %dot_general3A_714 {dimension_numbers = #tpu.dot_dimension_numbers<[1], [0], [0], [1], [0, 0, 1, 1], [], []>, transpose_lhs_hint = false} : vector<33x32xf32>, vector<32x128xf32>, vector<33x128xf32> -> vector<33x128xf32>
      %slice3A_716 = vector.extract_strided_slice %dot_general3A_715 {offsets = [0, 0], sizes = [32, 128], strides = [1, 1]} : vector<33x128xf32> to vector<32x128xf32>
      %get3A_717 = arith.constant 0 : index
      %get3A_718 = arith.constant 2 : index
      %get3A_719 = arith.constant 0 : index
      %get3A_720 = arith.constant 64 : index
      %get3A_721 = vector.load %arg6[%get3A_717, %get3A_718, %get3A_719, %get3A_720] : memref<1x5x33x65xf32, #tpu.memory_space<vmem>>, vector<1x1x32x1xf32>
      %get3A_722 = vector.shape_cast %get3A_721 : vector<1x1x32x1xf32> to vector<32x1xf32>
      %add3A_723 = vector.broadcast %get3A_722 : vector<32x1xf32> to vector<32x128xf32>
      %add3A_724 = arith.addf %slice3A_716, %add3A_723 : vector<32x128xf32>
      %get3A_725 = arith.constant 0 : index
      %get3A_726 = arith.constant 2 : index
      %get3A_727 = arith.constant 0 : index
      %get3A_728 = arith.constant 0 : index
      %get3A_729 = vector.load %arg7[%get3A_725, %get3A_726, %get3A_727, %get3A_728] : memref<1x5x33x65xf32, #tpu.memory_space<vmem>>, vector<1x1x33x32xf32>
      %get3A_730 = vector.shape_cast %get3A_729 : vector<1x1x33x32xf32> to vector<33x32xf32>
      %slice3A_731 = vector.extract_strided_slice %max3A_424 {offsets = [0, 0], sizes = [32, 128], strides = [1, 1]} : vector<33x128xf32> to vector<32x128xf32>
      %dot_general3A_732 = arith.constant dense<0.000000e+00> : vector<33x128xf32>
      %dot_general3A_733 = tpu.matmul %get3A_730, %slice3A_731, %dot_general3A_732 {dimension_numbers = #tpu.dot_dimension_numbers<[1], [0], [0], [1], [0, 0, 1, 1], [], []>, transpose_lhs_hint = false} : vector<33x32xf32>, vector<32x128xf32>, vector<33x128xf32> -> vector<33x128xf32>
      %slice3A_734 = vector.extract_strided_slice %dot_general3A_733 {offsets = [0, 0], sizes = [32, 128], strides = [1, 1]} : vector<33x128xf32> to vector<32x128xf32>
      %get3A_735 = arith.constant 0 : index
      %get3A_736 = arith.constant 2 : index
      %get3A_737 = arith.constant 0 : index
      %get3A_738 = arith.constant 64 : index
      %get3A_739 = vector.load %arg7[%get3A_735, %get3A_736, %get3A_737, %get3A_738] : memref<1x5x33x65xf32, #tpu.memory_space<vmem>>, vector<1x1x32x1xf32>
      %get3A_740 = vector.shape_cast %get3A_739 : vector<1x1x32x1xf32> to vector<32x1xf32>
      %add3A_741 = vector.broadcast %get3A_740 : vector<32x1xf32> to vector<32x128xf32>
      %add3A_742 = arith.addf %slice3A_734, %add3A_741 : vector<32x128xf32>
      %get3A_743 = arith.constant 0 : index
      %get3A_744 = arith.constant 2 : index
      %get3A_745 = arith.constant 0 : index
      %get3A_746 = arith.constant 0 : index
      %get3A_747 = vector.load %arg8[%get3A_743, %get3A_744, %get3A_745, %get3A_746] : memref<1x5x33x65xf32, #tpu.memory_space<vmem>>, vector<1x1x33x32xf32>
      %get3A_748 = vector.shape_cast %get3A_747 : vector<1x1x33x32xf32> to vector<33x32xf32>
      %slice3A_749 = vector.extract_strided_slice %max3A_443 {offsets = [0, 0], sizes = [32, 128], strides = [1, 1]} : vector<33x128xf32> to vector<32x128xf32>
      %dot_general3A_750 = arith.constant dense<0.000000e+00> : vector<33x128xf32>
      %dot_general3A_751 = tpu.matmul %get3A_748, %slice3A_749, %dot_general3A_750 {dimension_numbers = #tpu.dot_dimension_numbers<[1], [0], [0], [1], [0, 0, 1, 1], [], []>, transpose_lhs_hint = false} : vector<33x32xf32>, vector<32x128xf32>, vector<33x128xf32> -> vector<33x128xf32>
      %slice3A_752 = vector.extract_strided_slice %dot_general3A_751 {offsets = [0, 0], sizes = [32, 128], strides = [1, 1]} : vector<33x128xf32> to vector<32x128xf32>
      %get3A_753 = arith.constant 0 : index
      %get3A_754 = arith.constant 2 : index
      %get3A_755 = arith.constant 0 : index
      %get3A_756 = arith.constant 64 : index
      %get3A_757 = vector.load %arg8[%get3A_753, %get3A_754, %get3A_755, %get3A_756] : memref<1x5x33x65xf32, #tpu.memory_space<vmem>>, vector<1x1x32x1xf32>
      %get3A_758 = vector.shape_cast %get3A_757 : vector<1x1x32x1xf32> to vector<32x1xf32>
      %add3A_759 = vector.broadcast %get3A_758 : vector<32x1xf32> to vector<32x128xf32>
      %add3A_760 = arith.addf %slice3A_752, %add3A_759 : vector<32x128xf32>
      %get3A_761 = arith.constant 0 : index
      %get3A_762 = arith.constant 2 : index
      %get3A_763 = arith.constant 0 : index
      %get3A_764 = arith.constant 0 : index
      %get3A_765 = vector.load %arg9[%get3A_761, %get3A_762, %get3A_763, %get3A_764] : memref<1x5x33x65xf32, #tpu.memory_space<vmem>>, vector<1x1x33x32xf32>
      %get3A_766 = vector.shape_cast %get3A_765 : vector<1x1x33x32xf32> to vector<33x32xf32>
      %slice3A_767 = vector.extract_strided_slice %max3A_462 {offsets = [0, 0], sizes = [32, 128], strides = [1, 1]} : vector<33x128xf32> to vector<32x128xf32>
      %dot_general3A_768 = arith.constant dense<0.000000e+00> : vector<33x128xf32>
      %dot_general3A_769 = tpu.matmul %get3A_766, %slice3A_767, %dot_general3A_768 {dimension_numbers = #tpu.dot_dimension_numbers<[1], [0], [0], [1], [0, 0, 1, 1], [], []>, transpose_lhs_hint = false} : vector<33x32xf32>, vector<32x128xf32>, vector<33x128xf32> -> vector<33x128xf32>
      %slice3A_770 = vector.extract_strided_slice %dot_general3A_769 {offsets = [0, 0], sizes = [32, 128], strides = [1, 1]} : vector<33x128xf32> to vector<32x128xf32>
      %get3A_771 = arith.constant 0 : index
      %get3A_772 = arith.constant 2 : index
      %get3A_773 = arith.constant 0 : index
      %get3A_774 = arith.constant 64 : index
      %get3A_775 = vector.load %arg9[%get3A_771, %get3A_772, %get3A_773, %get3A_774] : memref<1x5x33x65xf32, #tpu.memory_space<vmem>>, vector<1x1x32x1xf32>
      %get3A_776 = vector.shape_cast %get3A_775 : vector<1x1x32x1xf32> to vector<32x1xf32>
      %add3A_777 = vector.broadcast %get3A_776 : vector<32x1xf32> to vector<32x128xf32>
      %add3A_778 = arith.addf %slice3A_770, %add3A_777 : vector<32x128xf32>
      %get3A_779 = arith.constant 0 : index
      %get3A_780 = arith.constant 2 : index
      %get3A_781 = arith.constant 0 : index
      %get3A_782 = arith.constant 0 : index
      %get3A_783 = vector.load %arg10[%get3A_779, %get3A_780, %get3A_781, %get3A_782] : memref<1x5x33x65xf32, #tpu.memory_space<vmem>>, vector<1x1x33x32xf32>
      %get3A_784 = vector.shape_cast %get3A_783 : vector<1x1x33x32xf32> to vector<33x32xf32>
      %slice3A_785 = vector.extract_strided_slice %max3A_481 {offsets = [0, 0], sizes = [32, 128], strides = [1, 1]} : vector<33x128xf32> to vector<32x128xf32>
      %dot_general3A_786 = arith.constant dense<0.000000e+00> : vector<33x128xf32>
      %dot_general3A_787 = tpu.matmul %get3A_784, %slice3A_785, %dot_general3A_786 {dimension_numbers = #tpu.dot_dimension_numbers<[1], [0], [0], [1], [0, 0, 1, 1], [], []>, transpose_lhs_hint = false} : vector<33x32xf32>, vector<32x128xf32>, vector<33x128xf32> -> vector<33x128xf32>
      %slice3A_788 = vector.extract_strided_slice %dot_general3A_787 {offsets = [0, 0], sizes = [32, 128], strides = [1, 1]} : vector<33x128xf32> to vector<32x128xf32>
      %get3A_789 = arith.constant 0 : index
      %get3A_790 = arith.constant 2 : index
      %get3A_791 = arith.constant 0 : index
      %get3A_792 = arith.constant 64 : index
      %get3A_793 = vector.load %arg10[%get3A_789, %get3A_790, %get3A_791, %get3A_792] : memref<1x5x33x65xf32, #tpu.memory_space<vmem>>, vector<1x1x32x1xf32>
      %get3A_794 = vector.shape_cast %get3A_793 : vector<1x1x32x1xf32> to vector<32x1xf32>
      %add3A_795 = vector.broadcast %get3A_794 : vector<32x1xf32> to vector<32x128xf32>
      %add3A_796 = arith.addf %slice3A_788, %add3A_795 : vector<32x128xf32>
      %get3A_797 = arith.constant 0 : index
      %get3A_798 = arith.constant 2 : index
      %get3A_799 = arith.constant 0 : index
      %get3A_800 = arith.constant 0 : index
      %get3A_801 = vector.load %arg11[%get3A_797, %get3A_798, %get3A_799, %get3A_800] : memref<1x5x33x65xf32, #tpu.memory_space<vmem>>, vector<1x1x33x32xf32>
      %get3A_802 = vector.shape_cast %get3A_801 : vector<1x1x33x32xf32> to vector<33x32xf32>
      %slice3A_803 = vector.extract_strided_slice %max3A_500 {offsets = [0, 0], sizes = [32, 128], strides = [1, 1]} : vector<33x128xf32> to vector<32x128xf32>
      %dot_general3A_804 = arith.constant dense<0.000000e+00> : vector<33x128xf32>
      %dot_general3A_805 = tpu.matmul %get3A_802, %slice3A_803, %dot_general3A_804 {dimension_numbers = #tpu.dot_dimension_numbers<[1], [0], [0], [1], [0, 0, 1, 1], [], []>, transpose_lhs_hint = false} : vector<33x32xf32>, vector<32x128xf32>, vector<33x128xf32> -> vector<33x128xf32>
      %slice3A_806 = vector.extract_strided_slice %dot_general3A_805 {offsets = [0, 0], sizes = [32, 128], strides = [1, 1]} : vector<33x128xf32> to vector<32x128xf32>
      %get3A_807 = arith.constant 0 : index
      %get3A_808 = arith.constant 2 : index
      %get3A_809 = arith.constant 0 : index
      %get3A_810 = arith.constant 64 : index
      %get3A_811 = vector.load %arg11[%get3A_807, %get3A_808, %get3A_809, %get3A_810] : memref<1x5x33x65xf32, #tpu.memory_space<vmem>>, vector<1x1x32x1xf32>
      %get3A_812 = vector.shape_cast %get3A_811 : vector<1x1x32x1xf32> to vector<32x1xf32>
      %add3A_813 = vector.broadcast %get3A_812 : vector<32x1xf32> to vector<32x128xf32>
      %add3A_814 = arith.addf %slice3A_806, %add3A_813 : vector<32x128xf32>
      %get3A_815 = arith.constant 0 : index
      %get3A_816 = arith.constant 2 : index
      %get3A_817 = arith.constant 0 : index
      %get3A_818 = arith.constant 0 : index
      %get3A_819 = vector.load %arg12[%get3A_815, %get3A_816, %get3A_817, %get3A_818] : memref<1x5x33x65xf32, #tpu.memory_space<vmem>>, vector<1x1x33x32xf32>
      %get3A_820 = vector.shape_cast %get3A_819 : vector<1x1x33x32xf32> to vector<33x32xf32>
      %slice3A_821 = vector.extract_strided_slice %max3A_519 {offsets = [0, 0], sizes = [32, 128], strides = [1, 1]} : vector<33x128xf32> to vector<32x128xf32>
      %dot_general3A_822 = arith.constant dense<0.000000e+00> : vector<33x128xf32>
      %dot_general3A_823 = tpu.matmul %get3A_820, %slice3A_821, %dot_general3A_822 {dimension_numbers = #tpu.dot_dimension_numbers<[1], [0], [0], [1], [0, 0, 1, 1], [], []>, transpose_lhs_hint = false} : vector<33x32xf32>, vector<32x128xf32>, vector<33x128xf32> -> vector<33x128xf32>
      %slice3A_824 = vector.extract_strided_slice %dot_general3A_823 {offsets = [0, 0], sizes = [32, 128], strides = [1, 1]} : vector<33x128xf32> to vector<32x128xf32>
      %get3A_825 = arith.constant 0 : index
      %get3A_826 = arith.constant 2 : index
      %get3A_827 = arith.constant 0 : index
      %get3A_828 = arith.constant 64 : index
      %get3A_829 = vector.load %arg12[%get3A_825, %get3A_826, %get3A_827, %get3A_828] : memref<1x5x33x65xf32, #tpu.memory_space<vmem>>, vector<1x1x32x1xf32>
      %get3A_830 = vector.shape_cast %get3A_829 : vector<1x1x32x1xf32> to vector<32x1xf32>
      %add3A_831 = vector.broadcast %get3A_830 : vector<32x1xf32> to vector<32x128xf32>
      %add3A_832 = arith.addf %slice3A_824, %add3A_831 : vector<32x128xf32>
      %get3A_833 = arith.constant 0 : index
      %get3A_834 = arith.constant 2 : index
      %get3A_835 = arith.constant 0 : index
      %get3A_836 = arith.constant 0 : index
      %get3A_837 = vector.load %arg13[%get3A_833, %get3A_834, %get3A_835, %get3A_836] : memref<1x5x33x65xf32, #tpu.memory_space<vmem>>, vector<1x1x33x32xf32>
      %get3A_838 = vector.shape_cast %get3A_837 : vector<1x1x33x32xf32> to vector<33x32xf32>
      %slice3A_839 = vector.extract_strided_slice %max3A_538 {offsets = [0, 0], sizes = [32, 128], strides = [1, 1]} : vector<33x128xf32> to vector<32x128xf32>
      %dot_general3A_840 = arith.constant dense<0.000000e+00> : vector<33x128xf32>
      %dot_general3A_841 = tpu.matmul %get3A_838, %slice3A_839, %dot_general3A_840 {dimension_numbers = #tpu.dot_dimension_numbers<[1], [0], [0], [1], [0, 0, 1, 1], [], []>, transpose_lhs_hint = false} : vector<33x32xf32>, vector<32x128xf32>, vector<33x128xf32> -> vector<33x128xf32>
      %slice3A_842 = vector.extract_strided_slice %dot_general3A_841 {offsets = [0, 0], sizes = [32, 128], strides = [1, 1]} : vector<33x128xf32> to vector<32x128xf32>
      %get3A_843 = arith.constant 0 : index
      %get3A_844 = arith.constant 2 : index
      %get3A_845 = arith.constant 0 : index
      %get3A_846 = arith.constant 64 : index
      %get3A_847 = vector.load %arg13[%get3A_843, %get3A_844, %get3A_845, %get3A_846] : memref<1x5x33x65xf32, #tpu.memory_space<vmem>>, vector<1x1x32x1xf32>
      %get3A_848 = vector.shape_cast %get3A_847 : vector<1x1x32x1xf32> to vector<32x1xf32>
      %add3A_849 = vector.broadcast %get3A_848 : vector<32x1xf32> to vector<32x128xf32>
      %add3A_850 = arith.addf %slice3A_842, %add3A_849 : vector<32x128xf32>
      %get3A_851 = arith.constant 0 : index
      %get3A_852 = arith.constant 2 : index
      %get3A_853 = arith.constant 0 : index
      %get3A_854 = arith.constant 0 : index
      %get3A_855 = vector.load %arg14[%get3A_851, %get3A_852, %get3A_853, %get3A_854] : memref<1x5x33x65xf32, #tpu.memory_space<vmem>>, vector<1x1x33x32xf32>
      %get3A_856 = vector.shape_cast %get3A_855 : vector<1x1x33x32xf32> to vector<33x32xf32>
      %slice3A_857 = vector.extract_strided_slice %max3A_557 {offsets = [0, 0], sizes = [32, 128], strides = [1, 1]} : vector<33x128xf32> to vector<32x128xf32>
      %dot_general3A_858 = arith.constant dense<0.000000e+00> : vector<33x128xf32>
      %dot_general3A_859 = tpu.matmul %get3A_856, %slice3A_857, %dot_general3A_858 {dimension_numbers = #tpu.dot_dimension_numbers<[1], [0], [0], [1], [0, 0, 1, 1], [], []>, transpose_lhs_hint = false} : vector<33x32xf32>, vector<32x128xf32>, vector<33x128xf32> -> vector<33x128xf32>
      %slice3A_860 = vector.extract_strided_slice %dot_general3A_859 {offsets = [0, 0], sizes = [32, 128], strides = [1, 1]} : vector<33x128xf32> to vector<32x128xf32>
      %get3A_861 = arith.constant 0 : index
      %get3A_862 = arith.constant 2 : index
      %get3A_863 = arith.constant 0 : index
      %get3A_864 = arith.constant 64 : index
      %get3A_865 = vector.load %arg14[%get3A_861, %get3A_862, %get3A_863, %get3A_864] : memref<1x5x33x65xf32, #tpu.memory_space<vmem>>, vector<1x1x32x1xf32>
      %get3A_866 = vector.shape_cast %get3A_865 : vector<1x1x32x1xf32> to vector<32x1xf32>
      %add3A_867 = vector.broadcast %get3A_866 : vector<32x1xf32> to vector<32x128xf32>
      %add3A_868 = arith.addf %slice3A_860, %add3A_867 : vector<32x128xf32>
      %get3A_869 = arith.constant 0 : index
      %get3A_870 = arith.constant 2 : index
      %get3A_871 = arith.constant 0 : index
      %get3A_872 = arith.constant 0 : index
      %get3A_873 = vector.load %arg15[%get3A_869, %get3A_870, %get3A_871, %get3A_872] : memref<1x5x33x65xf32, #tpu.memory_space<vmem>>, vector<1x1x33x32xf32>
      %get3A_874 = vector.shape_cast %get3A_873 : vector<1x1x33x32xf32> to vector<33x32xf32>
      %slice3A_875 = vector.extract_strided_slice %max3A_576 {offsets = [0, 0], sizes = [32, 128], strides = [1, 1]} : vector<33x128xf32> to vector<32x128xf32>
      %dot_general3A_876 = arith.constant dense<0.000000e+00> : vector<33x128xf32>
      %dot_general3A_877 = tpu.matmul %get3A_874, %slice3A_875, %dot_general3A_876 {dimension_numbers = #tpu.dot_dimension_numbers<[1], [0], [0], [1], [0, 0, 1, 1], [], []>, transpose_lhs_hint = false} : vector<33x32xf32>, vector<32x128xf32>, vector<33x128xf32> -> vector<33x128xf32>
      %slice3A_878 = vector.extract_strided_slice %dot_general3A_877 {offsets = [0, 0], sizes = [32, 128], strides = [1, 1]} : vector<33x128xf32> to vector<32x128xf32>
      %get3A_879 = arith.constant 0 : index
      %get3A_880 = arith.constant 2 : index
      %get3A_881 = arith.constant 0 : index
      %get3A_882 = arith.constant 64 : index
      %get3A_883 = vector.load %arg15[%get3A_879, %get3A_880, %get3A_881, %get3A_882] : memref<1x5x33x65xf32, #tpu.memory_space<vmem>>, vector<1x1x32x1xf32>
      %get3A_884 = vector.shape_cast %get3A_883 : vector<1x1x32x1xf32> to vector<32x1xf32>
      %add3A_885 = vector.broadcast %get3A_884 : vector<32x1xf32> to vector<32x128xf32>
      %add3A_886 = arith.addf %slice3A_878, %add3A_885 : vector<32x128xf32>
      %get3A_887 = arith.constant 0 : index
      %get3A_888 = arith.constant 2 : index
      %get3A_889 = arith.constant 0 : index
      %get3A_890 = arith.constant 0 : index
      %get3A_891 = vector.load %arg16[%get3A_887, %get3A_888, %get3A_889, %get3A_890] : memref<1x5x33x65xf32, #tpu.memory_space<vmem>>, vector<1x1x33x32xf32>
      %get3A_892 = vector.shape_cast %get3A_891 : vector<1x1x33x32xf32> to vector<33x32xf32>
      %slice3A_893 = vector.extract_strided_slice %max3A_595 {offsets = [0, 0], sizes = [32, 128], strides = [1, 1]} : vector<33x128xf32> to vector<32x128xf32>
      %dot_general3A_894 = arith.constant dense<0.000000e+00> : vector<33x128xf32>
      %dot_general3A_895 = tpu.matmul %get3A_892, %slice3A_893, %dot_general3A_894 {dimension_numbers = #tpu.dot_dimension_numbers<[1], [0], [0], [1], [0, 0, 1, 1], [], []>, transpose_lhs_hint = false} : vector<33x32xf32>, vector<32x128xf32>, vector<33x128xf32> -> vector<33x128xf32>
      %slice3A_896 = vector.extract_strided_slice %dot_general3A_895 {offsets = [0, 0], sizes = [32, 128], strides = [1, 1]} : vector<33x128xf32> to vector<32x128xf32>
      %get3A_897 = arith.constant 0 : index
      %get3A_898 = arith.constant 2 : index
      %get3A_899 = arith.constant 0 : index
      %get3A_900 = arith.constant 64 : index
      %get3A_901 = vector.load %arg16[%get3A_897, %get3A_898, %get3A_899, %get3A_900] : memref<1x5x33x65xf32, #tpu.memory_space<vmem>>, vector<1x1x32x1xf32>
      %get3A_902 = vector.shape_cast %get3A_901 : vector<1x1x32x1xf32> to vector<32x1xf32>
      %add3A_903 = vector.broadcast %get3A_902 : vector<32x1xf32> to vector<32x128xf32>
      %add3A_904 = arith.addf %slice3A_896, %add3A_903 : vector<32x128xf32>
      %get3A_905 = arith.constant 0 : index
      %get3A_906 = arith.constant 2 : index
      %get3A_907 = arith.constant 0 : index
      %get3A_908 = arith.constant 0 : index
      %get3A_909 = vector.load %arg17[%get3A_905, %get3A_906, %get3A_907, %get3A_908] : memref<1x5x33x65xf32, #tpu.memory_space<vmem>>, vector<1x1x33x32xf32>
      %get3A_910 = vector.shape_cast %get3A_909 : vector<1x1x33x32xf32> to vector<33x32xf32>
      %slice3A_911 = vector.extract_strided_slice %max3A_614 {offsets = [0, 0], sizes = [32, 128], strides = [1, 1]} : vector<33x128xf32> to vector<32x128xf32>
      %dot_general3A_912 = arith.constant dense<0.000000e+00> : vector<33x128xf32>
      %dot_general3A_913 = tpu.matmul %get3A_910, %slice3A_911, %dot_general3A_912 {dimension_numbers = #tpu.dot_dimension_numbers<[1], [0], [0], [1], [0, 0, 1, 1], [], []>, transpose_lhs_hint = false} : vector<33x32xf32>, vector<32x128xf32>, vector<33x128xf32> -> vector<33x128xf32>
      %slice3A_914 = vector.extract_strided_slice %dot_general3A_913 {offsets = [0, 0], sizes = [32, 128], strides = [1, 1]} : vector<33x128xf32> to vector<32x128xf32>
      %get3A_915 = arith.constant 0 : index
      %get3A_916 = arith.constant 2 : index
      %get3A_917 = arith.constant 0 : index
      %get3A_918 = arith.constant 64 : index
      %get3A_919 = vector.load %arg17[%get3A_915, %get3A_916, %get3A_917, %get3A_918] : memref<1x5x33x65xf32, #tpu.memory_space<vmem>>, vector<1x1x32x1xf32>
      %get3A_920 = vector.shape_cast %get3A_919 : vector<1x1x32x1xf32> to vector<32x1xf32>
      %add3A_921 = vector.broadcast %get3A_920 : vector<32x1xf32> to vector<32x128xf32>
      %add3A_922 = arith.addf %slice3A_914, %add3A_921 : vector<32x128xf32>
      %get3A_923 = arith.constant 0 : index
      %get3A_924 = arith.constant 2 : index
      %get3A_925 = arith.constant 0 : index
      %get3A_926 = arith.constant 0 : index
      %get3A_927 = vector.load %arg18[%get3A_923, %get3A_924, %get3A_925, %get3A_926] : memref<1x5x33x65xf32, #tpu.memory_space<vmem>>, vector<1x1x33x32xf32>
      %get3A_928 = vector.shape_cast %get3A_927 : vector<1x1x33x32xf32> to vector<33x32xf32>
      %slice3A_929 = vector.extract_strided_slice %max3A_633 {offsets = [0, 0], sizes = [32, 128], strides = [1, 1]} : vector<33x128xf32> to vector<32x128xf32>
      %dot_general3A_930 = arith.constant dense<0.000000e+00> : vector<33x128xf32>
      %dot_general3A_931 = tpu.matmul %get3A_928, %slice3A_929, %dot_general3A_930 {dimension_numbers = #tpu.dot_dimension_numbers<[1], [0], [0], [1], [0, 0, 1, 1], [], []>, transpose_lhs_hint = false} : vector<33x32xf32>, vector<32x128xf32>, vector<33x128xf32> -> vector<33x128xf32>
      %slice3A_932 = vector.extract_strided_slice %dot_general3A_931 {offsets = [0, 0], sizes = [32, 128], strides = [1, 1]} : vector<33x128xf32> to vector<32x128xf32>
      %get3A_933 = arith.constant 0 : index
      %get3A_934 = arith.constant 2 : index
      %get3A_935 = arith.constant 0 : index
      %get3A_936 = arith.constant 64 : index
      %get3A_937 = vector.load %arg18[%get3A_933, %get3A_934, %get3A_935, %get3A_936] : memref<1x5x33x65xf32, #tpu.memory_space<vmem>>, vector<1x1x32x1xf32>
      %get3A_938 = vector.shape_cast %get3A_937 : vector<1x1x32x1xf32> to vector<32x1xf32>
      %add3A_939 = vector.broadcast %get3A_938 : vector<32x1xf32> to vector<32x128xf32>
      %add3A_940 = arith.addf %slice3A_932, %add3A_939 : vector<32x128xf32>
      %get3A_941 = arith.constant 0 : index
      %get3A_942 = arith.constant 2 : index
      %get3A_943 = arith.constant 0 : index
      %get3A_944 = arith.constant 0 : index
      %get3A_945 = vector.load %arg19[%get3A_941, %get3A_942, %get3A_943, %get3A_944] : memref<1x5x33x65xf32, #tpu.memory_space<vmem>>, vector<1x1x33x32xf32>
      %get3A_946 = vector.shape_cast %get3A_945 : vector<1x1x33x32xf32> to vector<33x32xf32>
      %slice3A_947 = vector.extract_strided_slice %max3A_652 {offsets = [0, 0], sizes = [32, 128], strides = [1, 1]} : vector<33x128xf32> to vector<32x128xf32>
      %dot_general3A_948 = arith.constant dense<0.000000e+00> : vector<33x128xf32>
      %dot_general3A_949 = tpu.matmul %get3A_946, %slice3A_947, %dot_general3A_948 {dimension_numbers = #tpu.dot_dimension_numbers<[1], [0], [0], [1], [0, 0, 1, 1], [], []>, transpose_lhs_hint = false} : vector<33x32xf32>, vector<32x128xf32>, vector<33x128xf32> -> vector<33x128xf32>
      %slice3A_950 = vector.extract_strided_slice %dot_general3A_949 {offsets = [0, 0], sizes = [32, 128], strides = [1, 1]} : vector<33x128xf32> to vector<32x128xf32>
      %get3A_951 = arith.constant 0 : index
      %get3A_952 = arith.constant 2 : index
      %get3A_953 = arith.constant 0 : index
      %get3A_954 = arith.constant 64 : index
      %get3A_955 = vector.load %arg19[%get3A_951, %get3A_952, %get3A_953, %get3A_954] : memref<1x5x33x65xf32, #tpu.memory_space<vmem>>, vector<1x1x32x1xf32>
      %get3A_956 = vector.shape_cast %get3A_955 : vector<1x1x32x1xf32> to vector<32x1xf32>
      %add3A_957 = vector.broadcast %get3A_956 : vector<32x1xf32> to vector<32x128xf32>
      %add3A_958 = arith.addf %slice3A_950, %add3A_957 : vector<32x128xf32>
      %get3A_959 = arith.constant 0 : index
      %get3A_960 = arith.constant 2 : index
      %get3A_961 = arith.constant 0 : index
      %get3A_962 = arith.constant 0 : index
      %get3A_963 = vector.load %arg20[%get3A_959, %get3A_960, %get3A_961, %get3A_962] : memref<1x5x33x65xf32, #tpu.memory_space<vmem>>, vector<1x1x33x32xf32>
      %get3A_964 = vector.shape_cast %get3A_963 : vector<1x1x33x32xf32> to vector<33x32xf32>
      %slice3A_965 = vector.extract_strided_slice %max3A_671 {offsets = [0, 0], sizes = [32, 128], strides = [1, 1]} : vector<33x128xf32> to vector<32x128xf32>
      %dot_general3A_966 = arith.constant dense<0.000000e+00> : vector<33x128xf32>
      %dot_general3A_967 = tpu.matmul %get3A_964, %slice3A_965, %dot_general3A_966 {dimension_numbers = #tpu.dot_dimension_numbers<[1], [0], [0], [1], [0, 0, 1, 1], [], []>, transpose_lhs_hint = false} : vector<33x32xf32>, vector<32x128xf32>, vector<33x128xf32> -> vector<33x128xf32>
      %slice3A_968 = vector.extract_strided_slice %dot_general3A_967 {offsets = [0, 0], sizes = [32, 128], strides = [1, 1]} : vector<33x128xf32> to vector<32x128xf32>
      %get3A_969 = arith.constant 0 : index
      %get3A_970 = arith.constant 2 : index
      %get3A_971 = arith.constant 0 : index
      %get3A_972 = arith.constant 64 : index
      %get3A_973 = vector.load %arg20[%get3A_969, %get3A_970, %get3A_971, %get3A_972] : memref<1x5x33x65xf32, #tpu.memory_space<vmem>>, vector<1x1x32x1xf32>
      %get3A_974 = vector.shape_cast %get3A_973 : vector<1x1x32x1xf32> to vector<32x1xf32>
      %add3A_975 = vector.broadcast %get3A_974 : vector<32x1xf32> to vector<32x128xf32>
      %add3A_976 = arith.addf %slice3A_968, %add3A_975 : vector<32x128xf32>
      %get3A_977 = arith.constant 0 : index
      %get3A_978 = arith.constant 2 : index
      %get3A_979 = arith.constant 0 : index
      %get3A_980 = arith.constant 0 : index
      %get3A_981 = vector.load %arg21[%get3A_977, %get3A_978, %get3A_979, %get3A_980] : memref<1x5x33x65xf32, #tpu.memory_space<vmem>>, vector<1x1x33x32xf32>
      %get3A_982 = vector.shape_cast %get3A_981 : vector<1x1x33x32xf32> to vector<33x32xf32>
      %slice3A_983 = vector.extract_strided_slice %max3A_690 {offsets = [0, 0], sizes = [32, 128], strides = [1, 1]} : vector<33x128xf32> to vector<32x128xf32>
      %dot_general3A_984 = arith.constant dense<0.000000e+00> : vector<33x128xf32>
      %dot_general3A_985 = tpu.matmul %get3A_982, %slice3A_983, %dot_general3A_984 {dimension_numbers = #tpu.dot_dimension_numbers<[1], [0], [0], [1], [0, 0, 1, 1], [], []>, transpose_lhs_hint = false} : vector<33x32xf32>, vector<32x128xf32>, vector<33x128xf32> -> vector<33x128xf32>
      %slice3A_986 = vector.extract_strided_slice %dot_general3A_985 {offsets = [0, 0], sizes = [32, 128], strides = [1, 1]} : vector<33x128xf32> to vector<32x128xf32>
      %get3A_987 = arith.constant 0 : index
      %get3A_988 = arith.constant 2 : index
      %get3A_989 = arith.constant 0 : index
      %get3A_990 = arith.constant 64 : index
      %get3A_991 = vector.load %arg21[%get3A_987, %get3A_988, %get3A_989, %get3A_990] : memref<1x5x33x65xf32, #tpu.memory_space<vmem>>, vector<1x1x32x1xf32>
      %get3A_992 = vector.shape_cast %get3A_991 : vector<1x1x32x1xf32> to vector<32x1xf32>
      %add3A_993 = vector.broadcast %get3A_992 : vector<32x1xf32> to vector<32x128xf32>
      %add3A_994 = arith.addf %slice3A_986, %add3A_993 : vector<32x128xf32>
      %concatenate3A_995 = tpu.concatenate %add3A_724, %concatenate3A_56 in 0 : vector<32x128xf32>, vector<27x128xf32> -> vector<59x128xf32>
      %concatenate3A_996 = tpu.concatenate %add3A_742, %concatenate3A_56 in 0 : vector<32x128xf32>, vector<27x128xf32> -> vector<59x128xf32>
      %concatenate3A_997 = tpu.concatenate %add3A_760, %concatenate3A_56 in 0 : vector<32x128xf32>, vector<27x128xf32> -> vector<59x128xf32>
      %concatenate3A_998 = tpu.concatenate %add3A_778, %concatenate3A_56 in 0 : vector<32x128xf32>, vector<27x128xf32> -> vector<59x128xf32>
      %concatenate3A_999 = tpu.concatenate %add3A_796, %concatenate3A_56 in 0 : vector<32x128xf32>, vector<27x128xf32> -> vector<59x128xf32>
      %concatenate3A_1000 = tpu.concatenate %add3A_814, %concatenate3A_56 in 0 : vector<32x128xf32>, vector<27x128xf32> -> vector<59x128xf32>
      %concatenate3A_1001 = tpu.concatenate %add3A_832, %concatenate3A_56 in 0 : vector<32x128xf32>, vector<27x128xf32> -> vector<59x128xf32>
      %concatenate3A_1002 = tpu.concatenate %add3A_850, %concatenate3A_56 in 0 : vector<32x128xf32>, vector<27x128xf32> -> vector<59x128xf32>
      %concatenate3A_1003 = tpu.concatenate %add3A_868, %concatenate3A_56 in 0 : vector<32x128xf32>, vector<27x128xf32> -> vector<59x128xf32>
      %concatenate3A_1004 = tpu.concatenate %add3A_886, %concatenate3A_56 in 0 : vector<32x128xf32>, vector<27x128xf32> -> vector<59x128xf32>
      %concatenate3A_1005 = tpu.concatenate %add3A_904, %concatenate3A_56 in 0 : vector<32x128xf32>, vector<27x128xf32> -> vector<59x128xf32>
      %concatenate3A_1006 = tpu.concatenate %add3A_922, %concatenate3A_56 in 0 : vector<32x128xf32>, vector<27x128xf32> -> vector<59x128xf32>
      %concatenate3A_1007 = tpu.concatenate %add3A_940, %concatenate3A_56 in 0 : vector<32x128xf32>, vector<27x128xf32> -> vector<59x128xf32>
      %concatenate3A_1008 = tpu.concatenate %add3A_958, %concatenate3A_56 in 0 : vector<32x128xf32>, vector<27x128xf32> -> vector<59x128xf32>
      %concatenate3A_1009 = tpu.concatenate %add3A_976, %concatenate3A_56 in 0 : vector<32x128xf32>, vector<27x128xf32> -> vector<59x128xf32>
      %concatenate3A_1010 = tpu.concatenate %add3A_994, %concatenate3A_56 in 0 : vector<32x128xf32>, vector<27x128xf32> -> vector<59x128xf32>
      %get3A_1011 = arith.constant 0 : index
      %get3A_1012 = arith.constant 3 : index
      %get3A_1013 = arith.constant 0 : index
      %get3A_1014 = arith.constant 0 : index
      %get3A_1015 = vector.load %arg6[%get3A_1011, %get3A_1012, %get3A_1013, %get3A_1014] : memref<1x5x33x65xf32, #tpu.memory_space<vmem>>, vector<1x1x33x59xf32>
      %get3A_1016 = vector.shape_cast %get3A_1015 : vector<1x1x33x59xf32> to vector<33x59xf32>
      %dot_general3A_1017 = arith.constant dense<0.000000e+00> : vector<33x128xf32>
      %dot_general3A_1018 = tpu.matmul %get3A_1016, %concatenate3A_995, %dot_general3A_1017 {dimension_numbers = #tpu.dot_dimension_numbers<[1], [0], [0], [1], [0, 0, 1, 1], [], []>, transpose_lhs_hint = false} : vector<33x59xf32>, vector<59x128xf32>, vector<33x128xf32> -> vector<33x128xf32>
      %slice3A_1019 = vector.extract_strided_slice %dot_general3A_1018 {offsets = [0, 0], sizes = [32, 128], strides = [1, 1]} : vector<33x128xf32> to vector<32x128xf32>
      %get3A_1020 = arith.constant 0 : index
      %get3A_1021 = arith.constant 3 : index
      %get3A_1022 = arith.constant 0 : index
      %get3A_1023 = arith.constant 64 : index
      %get3A_1024 = vector.load %arg6[%get3A_1020, %get3A_1021, %get3A_1022, %get3A_1023] : memref<1x5x33x65xf32, #tpu.memory_space<vmem>>, vector<1x1x32x1xf32>
      %get3A_1025 = vector.shape_cast %get3A_1024 : vector<1x1x32x1xf32> to vector<32x1xf32>
      %add3A_1026 = vector.broadcast %get3A_1025 : vector<32x1xf32> to vector<32x128xf32>
      %add3A_1027 = arith.addf %slice3A_1019, %add3A_1026 : vector<32x128xf32>
      %max3A_1028 = arith.constant 0.000000e+00 : f32
      %max3A_1029 = vector.broadcast %max3A_1028 : f32 to vector<32x128xf32>
      %max3A_1030 = arith.maximumf %add3A_1027, %max3A_1029 : vector<32x128xf32>
      %get3A_1031 = arith.constant 0 : index
      %get3A_1032 = arith.constant 3 : index
      %get3A_1033 = arith.constant 0 : index
      %get3A_1034 = arith.constant 0 : index
      %get3A_1035 = vector.load %arg7[%get3A_1031, %get3A_1032, %get3A_1033, %get3A_1034] : memref<1x5x33x65xf32, #tpu.memory_space<vmem>>, vector<1x1x33x59xf32>
      %get3A_1036 = vector.shape_cast %get3A_1035 : vector<1x1x33x59xf32> to vector<33x59xf32>
      %dot_general3A_1037 = arith.constant dense<0.000000e+00> : vector<33x128xf32>
      %dot_general3A_1038 = tpu.matmul %get3A_1036, %concatenate3A_996, %dot_general3A_1037 {dimension_numbers = #tpu.dot_dimension_numbers<[1], [0], [0], [1], [0, 0, 1, 1], [], []>, transpose_lhs_hint = false} : vector<33x59xf32>, vector<59x128xf32>, vector<33x128xf32> -> vector<33x128xf32>
      %slice3A_1039 = vector.extract_strided_slice %dot_general3A_1038 {offsets = [0, 0], sizes = [32, 128], strides = [1, 1]} : vector<33x128xf32> to vector<32x128xf32>
      %get3A_1040 = arith.constant 0 : index
      %get3A_1041 = arith.constant 3 : index
      %get3A_1042 = arith.constant 0 : index
      %get3A_1043 = arith.constant 64 : index
      %get3A_1044 = vector.load %arg7[%get3A_1040, %get3A_1041, %get3A_1042, %get3A_1043] : memref<1x5x33x65xf32, #tpu.memory_space<vmem>>, vector<1x1x32x1xf32>
      %get3A_1045 = vector.shape_cast %get3A_1044 : vector<1x1x32x1xf32> to vector<32x1xf32>
      %add3A_1046 = vector.broadcast %get3A_1045 : vector<32x1xf32> to vector<32x128xf32>
      %add3A_1047 = arith.addf %slice3A_1039, %add3A_1046 : vector<32x128xf32>
      %max3A_1048 = arith.constant 0.000000e+00 : f32
      %max3A_1049 = vector.broadcast %max3A_1048 : f32 to vector<32x128xf32>
      %max3A_1050 = arith.maximumf %add3A_1047, %max3A_1049 : vector<32x128xf32>
      %get3A_1051 = arith.constant 0 : index
      %get3A_1052 = arith.constant 3 : index
      %get3A_1053 = arith.constant 0 : index
      %get3A_1054 = arith.constant 0 : index
      %get3A_1055 = vector.load %arg8[%get3A_1051, %get3A_1052, %get3A_1053, %get3A_1054] : memref<1x5x33x65xf32, #tpu.memory_space<vmem>>, vector<1x1x33x59xf32>
      %get3A_1056 = vector.shape_cast %get3A_1055 : vector<1x1x33x59xf32> to vector<33x59xf32>
      %dot_general3A_1057 = arith.constant dense<0.000000e+00> : vector<33x128xf32>
      %dot_general3A_1058 = tpu.matmul %get3A_1056, %concatenate3A_997, %dot_general3A_1057 {dimension_numbers = #tpu.dot_dimension_numbers<[1], [0], [0], [1], [0, 0, 1, 1], [], []>, transpose_lhs_hint = false} : vector<33x59xf32>, vector<59x128xf32>, vector<33x128xf32> -> vector<33x128xf32>
      %slice3A_1059 = vector.extract_strided_slice %dot_general3A_1058 {offsets = [0, 0], sizes = [32, 128], strides = [1, 1]} : vector<33x128xf32> to vector<32x128xf32>
      %get3A_1060 = arith.constant 0 : index
      %get3A_1061 = arith.constant 3 : index
      %get3A_1062 = arith.constant 0 : index
      %get3A_1063 = arith.constant 64 : index
      %get3A_1064 = vector.load %arg8[%get3A_1060, %get3A_1061, %get3A_1062, %get3A_1063] : memref<1x5x33x65xf32, #tpu.memory_space<vmem>>, vector<1x1x32x1xf32>
      %get3A_1065 = vector.shape_cast %get3A_1064 : vector<1x1x32x1xf32> to vector<32x1xf32>
      %add3A_1066 = vector.broadcast %get3A_1065 : vector<32x1xf32> to vector<32x128xf32>
      %add3A_1067 = arith.addf %slice3A_1059, %add3A_1066 : vector<32x128xf32>
      %max3A_1068 = arith.constant 0.000000e+00 : f32
      %max3A_1069 = vector.broadcast %max3A_1068 : f32 to vector<32x128xf32>
      %max3A_1070 = arith.maximumf %add3A_1067, %max3A_1069 : vector<32x128xf32>
      %get3A_1071 = arith.constant 0 : index
      %get3A_1072 = arith.constant 3 : index
      %get3A_1073 = arith.constant 0 : index
      %get3A_1074 = arith.constant 0 : index
      %get3A_1075 = vector.load %arg9[%get3A_1071, %get3A_1072, %get3A_1073, %get3A_1074] : memref<1x5x33x65xf32, #tpu.memory_space<vmem>>, vector<1x1x33x59xf32>
      %get3A_1076 = vector.shape_cast %get3A_1075 : vector<1x1x33x59xf32> to vector<33x59xf32>
      %dot_general3A_1077 = arith.constant dense<0.000000e+00> : vector<33x128xf32>
      %dot_general3A_1078 = tpu.matmul %get3A_1076, %concatenate3A_998, %dot_general3A_1077 {dimension_numbers = #tpu.dot_dimension_numbers<[1], [0], [0], [1], [0, 0, 1, 1], [], []>, transpose_lhs_hint = false} : vector<33x59xf32>, vector<59x128xf32>, vector<33x128xf32> -> vector<33x128xf32>
      %slice3A_1079 = vector.extract_strided_slice %dot_general3A_1078 {offsets = [0, 0], sizes = [32, 128], strides = [1, 1]} : vector<33x128xf32> to vector<32x128xf32>
      %get3A_1080 = arith.constant 0 : index
      %get3A_1081 = arith.constant 3 : index
      %get3A_1082 = arith.constant 0 : index
      %get3A_1083 = arith.constant 64 : index
      %get3A_1084 = vector.load %arg9[%get3A_1080, %get3A_1081, %get3A_1082, %get3A_1083] : memref<1x5x33x65xf32, #tpu.memory_space<vmem>>, vector<1x1x32x1xf32>
      %get3A_1085 = vector.shape_cast %get3A_1084 : vector<1x1x32x1xf32> to vector<32x1xf32>
      %add3A_1086 = vector.broadcast %get3A_1085 : vector<32x1xf32> to vector<32x128xf32>
      %add3A_1087 = arith.addf %slice3A_1079, %add3A_1086 : vector<32x128xf32>
      %max3A_1088 = arith.constant 0.000000e+00 : f32
      %max3A_1089 = vector.broadcast %max3A_1088 : f32 to vector<32x128xf32>
      %max3A_1090 = arith.maximumf %add3A_1087, %max3A_1089 : vector<32x128xf32>
      %get3A_1091 = arith.constant 0 : index
      %get3A_1092 = arith.constant 3 : index
      %get3A_1093 = arith.constant 0 : index
      %get3A_1094 = arith.constant 0 : index
      %get3A_1095 = vector.load %arg10[%get3A_1091, %get3A_1092, %get3A_1093, %get3A_1094] : memref<1x5x33x65xf32, #tpu.memory_space<vmem>>, vector<1x1x33x59xf32>
      %get3A_1096 = vector.shape_cast %get3A_1095 : vector<1x1x33x59xf32> to vector<33x59xf32>
      %dot_general3A_1097 = arith.constant dense<0.000000e+00> : vector<33x128xf32>
      %dot_general3A_1098 = tpu.matmul %get3A_1096, %concatenate3A_999, %dot_general3A_1097 {dimension_numbers = #tpu.dot_dimension_numbers<[1], [0], [0], [1], [0, 0, 1, 1], [], []>, transpose_lhs_hint = false} : vector<33x59xf32>, vector<59x128xf32>, vector<33x128xf32> -> vector<33x128xf32>
      %slice3A_1099 = vector.extract_strided_slice %dot_general3A_1098 {offsets = [0, 0], sizes = [32, 128], strides = [1, 1]} : vector<33x128xf32> to vector<32x128xf32>
      %get3A_1100 = arith.constant 0 : index
      %get3A_1101 = arith.constant 3 : index
      %get3A_1102 = arith.constant 0 : index
      %get3A_1103 = arith.constant 64 : index
      %get3A_1104 = vector.load %arg10[%get3A_1100, %get3A_1101, %get3A_1102, %get3A_1103] : memref<1x5x33x65xf32, #tpu.memory_space<vmem>>, vector<1x1x32x1xf32>
      %get3A_1105 = vector.shape_cast %get3A_1104 : vector<1x1x32x1xf32> to vector<32x1xf32>
      %add3A_1106 = vector.broadcast %get3A_1105 : vector<32x1xf32> to vector<32x128xf32>
      %add3A_1107 = arith.addf %slice3A_1099, %add3A_1106 : vector<32x128xf32>
      %max3A_1108 = arith.constant 0.000000e+00 : f32
      %max3A_1109 = vector.broadcast %max3A_1108 : f32 to vector<32x128xf32>
      %max3A_1110 = arith.maximumf %add3A_1107, %max3A_1109 : vector<32x128xf32>
      %get3A_1111 = arith.constant 0 : index
      %get3A_1112 = arith.constant 3 : index
      %get3A_1113 = arith.constant 0 : index
      %get3A_1114 = arith.constant 0 : index
      %get3A_1115 = vector.load %arg11[%get3A_1111, %get3A_1112, %get3A_1113, %get3A_1114] : memref<1x5x33x65xf32, #tpu.memory_space<vmem>>, vector<1x1x33x59xf32>
      %get3A_1116 = vector.shape_cast %get3A_1115 : vector<1x1x33x59xf32> to vector<33x59xf32>
      %dot_general3A_1117 = arith.constant dense<0.000000e+00> : vector<33x128xf32>
      %dot_general3A_1118 = tpu.matmul %get3A_1116, %concatenate3A_1000, %dot_general3A_1117 {dimension_numbers = #tpu.dot_dimension_numbers<[1], [0], [0], [1], [0, 0, 1, 1], [], []>, transpose_lhs_hint = false} : vector<33x59xf32>, vector<59x128xf32>, vector<33x128xf32> -> vector<33x128xf32>
      %slice3A_1119 = vector.extract_strided_slice %dot_general3A_1118 {offsets = [0, 0], sizes = [32, 128], strides = [1, 1]} : vector<33x128xf32> to vector<32x128xf32>
      %get3A_1120 = arith.constant 0 : index
      %get3A_1121 = arith.constant 3 : index
      %get3A_1122 = arith.constant 0 : index
      %get3A_1123 = arith.constant 64 : index
      %get3A_1124 = vector.load %arg11[%get3A_1120, %get3A_1121, %get3A_1122, %get3A_1123] : memref<1x5x33x65xf32, #tpu.memory_space<vmem>>, vector<1x1x32x1xf32>
      %get3A_1125 = vector.shape_cast %get3A_1124 : vector<1x1x32x1xf32> to vector<32x1xf32>
      %add3A_1126 = vector.broadcast %get3A_1125 : vector<32x1xf32> to vector<32x128xf32>
      %add3A_1127 = arith.addf %slice3A_1119, %add3A_1126 : vector<32x128xf32>
      %max3A_1128 = arith.constant 0.000000e+00 : f32
      %max3A_1129 = vector.broadcast %max3A_1128 : f32 to vector<32x128xf32>
      %max3A_1130 = arith.maximumf %add3A_1127, %max3A_1129 : vector<32x128xf32>
      %get3A_1131 = arith.constant 0 : index
      %get3A_1132 = arith.constant 3 : index
      %get3A_1133 = arith.constant 0 : index
      %get3A_1134 = arith.constant 0 : index
      %get3A_1135 = vector.load %arg12[%get3A_1131, %get3A_1132, %get3A_1133, %get3A_1134] : memref<1x5x33x65xf32, #tpu.memory_space<vmem>>, vector<1x1x33x59xf32>
      %get3A_1136 = vector.shape_cast %get3A_1135 : vector<1x1x33x59xf32> to vector<33x59xf32>
      %dot_general3A_1137 = arith.constant dense<0.000000e+00> : vector<33x128xf32>
      %dot_general3A_1138 = tpu.matmul %get3A_1136, %concatenate3A_1001, %dot_general3A_1137 {dimension_numbers = #tpu.dot_dimension_numbers<[1], [0], [0], [1], [0, 0, 1, 1], [], []>, transpose_lhs_hint = false} : vector<33x59xf32>, vector<59x128xf32>, vector<33x128xf32> -> vector<33x128xf32>
      %slice3A_1139 = vector.extract_strided_slice %dot_general3A_1138 {offsets = [0, 0], sizes = [32, 128], strides = [1, 1]} : vector<33x128xf32> to vector<32x128xf32>
      %get3A_1140 = arith.constant 0 : index
      %get3A_1141 = arith.constant 3 : index
      %get3A_1142 = arith.constant 0 : index
      %get3A_1143 = arith.constant 64 : index
      %get3A_1144 = vector.load %arg12[%get3A_1140, %get3A_1141, %get3A_1142, %get3A_1143] : memref<1x5x33x65xf32, #tpu.memory_space<vmem>>, vector<1x1x32x1xf32>
      %get3A_1145 = vector.shape_cast %get3A_1144 : vector<1x1x32x1xf32> to vector<32x1xf32>
      %add3A_1146 = vector.broadcast %get3A_1145 : vector<32x1xf32> to vector<32x128xf32>
      %add3A_1147 = arith.addf %slice3A_1139, %add3A_1146 : vector<32x128xf32>
      %max3A_1148 = arith.constant 0.000000e+00 : f32
      %max3A_1149 = vector.broadcast %max3A_1148 : f32 to vector<32x128xf32>
      %max3A_1150 = arith.maximumf %add3A_1147, %max3A_1149 : vector<32x128xf32>
      %get3A_1151 = arith.constant 0 : index
      %get3A_1152 = arith.constant 3 : index
      %get3A_1153 = arith.constant 0 : index
      %get3A_1154 = arith.constant 0 : index
      %get3A_1155 = vector.load %arg13[%get3A_1151, %get3A_1152, %get3A_1153, %get3A_1154] : memref<1x5x33x65xf32, #tpu.memory_space<vmem>>, vector<1x1x33x59xf32>
      %get3A_1156 = vector.shape_cast %get3A_1155 : vector<1x1x33x59xf32> to vector<33x59xf32>
      %dot_general3A_1157 = arith.constant dense<0.000000e+00> : vector<33x128xf32>
      %dot_general3A_1158 = tpu.matmul %get3A_1156, %concatenate3A_1002, %dot_general3A_1157 {dimension_numbers = #tpu.dot_dimension_numbers<[1], [0], [0], [1], [0, 0, 1, 1], [], []>, transpose_lhs_hint = false} : vector<33x59xf32>, vector<59x128xf32>, vector<33x128xf32> -> vector<33x128xf32>
      %slice3A_1159 = vector.extract_strided_slice %dot_general3A_1158 {offsets = [0, 0], sizes = [32, 128], strides = [1, 1]} : vector<33x128xf32> to vector<32x128xf32>
      %get3A_1160 = arith.constant 0 : index
      %get3A_1161 = arith.constant 3 : index
      %get3A_1162 = arith.constant 0 : index
      %get3A_1163 = arith.constant 64 : index
      %get3A_1164 = vector.load %arg13[%get3A_1160, %get3A_1161, %get3A_1162, %get3A_1163] : memref<1x5x33x65xf32, #tpu.memory_space<vmem>>, vector<1x1x32x1xf32>
      %get3A_1165 = vector.shape_cast %get3A_1164 : vector<1x1x32x1xf32> to vector<32x1xf32>
      %add3A_1166 = vector.broadcast %get3A_1165 : vector<32x1xf32> to vector<32x128xf32>
      %add3A_1167 = arith.addf %slice3A_1159, %add3A_1166 : vector<32x128xf32>
      %max3A_1168 = arith.constant 0.000000e+00 : f32
      %max3A_1169 = vector.broadcast %max3A_1168 : f32 to vector<32x128xf32>
      %max3A_1170 = arith.maximumf %add3A_1167, %max3A_1169 : vector<32x128xf32>
      %get3A_1171 = arith.constant 0 : index
      %get3A_1172 = arith.constant 3 : index
      %get3A_1173 = arith.constant 0 : index
      %get3A_1174 = arith.constant 0 : index
      %get3A_1175 = vector.load %arg14[%get3A_1171, %get3A_1172, %get3A_1173, %get3A_1174] : memref<1x5x33x65xf32, #tpu.memory_space<vmem>>, vector<1x1x33x59xf32>
      %get3A_1176 = vector.shape_cast %get3A_1175 : vector<1x1x33x59xf32> to vector<33x59xf32>
      %dot_general3A_1177 = arith.constant dense<0.000000e+00> : vector<33x128xf32>
      %dot_general3A_1178 = tpu.matmul %get3A_1176, %concatenate3A_1003, %dot_general3A_1177 {dimension_numbers = #tpu.dot_dimension_numbers<[1], [0], [0], [1], [0, 0, 1, 1], [], []>, transpose_lhs_hint = false} : vector<33x59xf32>, vector<59x128xf32>, vector<33x128xf32> -> vector<33x128xf32>
      %slice3A_1179 = vector.extract_strided_slice %dot_general3A_1178 {offsets = [0, 0], sizes = [32, 128], strides = [1, 1]} : vector<33x128xf32> to vector<32x128xf32>
      %get3A_1180 = arith.constant 0 : index
      %get3A_1181 = arith.constant 3 : index
      %get3A_1182 = arith.constant 0 : index
      %get3A_1183 = arith.constant 64 : index
      %get3A_1184 = vector.load %arg14[%get3A_1180, %get3A_1181, %get3A_1182, %get3A_1183] : memref<1x5x33x65xf32, #tpu.memory_space<vmem>>, vector<1x1x32x1xf32>
      %get3A_1185 = vector.shape_cast %get3A_1184 : vector<1x1x32x1xf32> to vector<32x1xf32>
      %add3A_1186 = vector.broadcast %get3A_1185 : vector<32x1xf32> to vector<32x128xf32>
      %add3A_1187 = arith.addf %slice3A_1179, %add3A_1186 : vector<32x128xf32>
      %max3A_1188 = arith.constant 0.000000e+00 : f32
      %max3A_1189 = vector.broadcast %max3A_1188 : f32 to vector<32x128xf32>
      %max3A_1190 = arith.maximumf %add3A_1187, %max3A_1189 : vector<32x128xf32>
      %get3A_1191 = arith.constant 0 : index
      %get3A_1192 = arith.constant 3 : index
      %get3A_1193 = arith.constant 0 : index
      %get3A_1194 = arith.constant 0 : index
      %get3A_1195 = vector.load %arg15[%get3A_1191, %get3A_1192, %get3A_1193, %get3A_1194] : memref<1x5x33x65xf32, #tpu.memory_space<vmem>>, vector<1x1x33x59xf32>
      %get3A_1196 = vector.shape_cast %get3A_1195 : vector<1x1x33x59xf32> to vector<33x59xf32>
      %dot_general3A_1197 = arith.constant dense<0.000000e+00> : vector<33x128xf32>
      %dot_general3A_1198 = tpu.matmul %get3A_1196, %concatenate3A_1004, %dot_general3A_1197 {dimension_numbers = #tpu.dot_dimension_numbers<[1], [0], [0], [1], [0, 0, 1, 1], [], []>, transpose_lhs_hint = false} : vector<33x59xf32>, vector<59x128xf32>, vector<33x128xf32> -> vector<33x128xf32>
      %slice3A_1199 = vector.extract_strided_slice %dot_general3A_1198 {offsets = [0, 0], sizes = [32, 128], strides = [1, 1]} : vector<33x128xf32> to vector<32x128xf32>
      %get3A_1200 = arith.constant 0 : index
      %get3A_1201 = arith.constant 3 : index
      %get3A_1202 = arith.constant 0 : index
      %get3A_1203 = arith.constant 64 : index
      %get3A_1204 = vector.load %arg15[%get3A_1200, %get3A_1201, %get3A_1202, %get3A_1203] : memref<1x5x33x65xf32, #tpu.memory_space<vmem>>, vector<1x1x32x1xf32>
      %get3A_1205 = vector.shape_cast %get3A_1204 : vector<1x1x32x1xf32> to vector<32x1xf32>
      %add3A_1206 = vector.broadcast %get3A_1205 : vector<32x1xf32> to vector<32x128xf32>
      %add3A_1207 = arith.addf %slice3A_1199, %add3A_1206 : vector<32x128xf32>
      %max3A_1208 = arith.constant 0.000000e+00 : f32
      %max3A_1209 = vector.broadcast %max3A_1208 : f32 to vector<32x128xf32>
      %max3A_1210 = arith.maximumf %add3A_1207, %max3A_1209 : vector<32x128xf32>
      %get3A_1211 = arith.constant 0 : index
      %get3A_1212 = arith.constant 3 : index
      %get3A_1213 = arith.constant 0 : index
      %get3A_1214 = arith.constant 0 : index
      %get3A_1215 = vector.load %arg16[%get3A_1211, %get3A_1212, %get3A_1213, %get3A_1214] : memref<1x5x33x65xf32, #tpu.memory_space<vmem>>, vector<1x1x33x59xf32>
      %get3A_1216 = vector.shape_cast %get3A_1215 : vector<1x1x33x59xf32> to vector<33x59xf32>
      %dot_general3A_1217 = arith.constant dense<0.000000e+00> : vector<33x128xf32>
      %dot_general3A_1218 = tpu.matmul %get3A_1216, %concatenate3A_1005, %dot_general3A_1217 {dimension_numbers = #tpu.dot_dimension_numbers<[1], [0], [0], [1], [0, 0, 1, 1], [], []>, transpose_lhs_hint = false} : vector<33x59xf32>, vector<59x128xf32>, vector<33x128xf32> -> vector<33x128xf32>
      %slice3A_1219 = vector.extract_strided_slice %dot_general3A_1218 {offsets = [0, 0], sizes = [32, 128], strides = [1, 1]} : vector<33x128xf32> to vector<32x128xf32>
      %get3A_1220 = arith.constant 0 : index
      %get3A_1221 = arith.constant 3 : index
      %get3A_1222 = arith.constant 0 : index
      %get3A_1223 = arith.constant 64 : index
      %get3A_1224 = vector.load %arg16[%get3A_1220, %get3A_1221, %get3A_1222, %get3A_1223] : memref<1x5x33x65xf32, #tpu.memory_space<vmem>>, vector<1x1x32x1xf32>
      %get3A_1225 = vector.shape_cast %get3A_1224 : vector<1x1x32x1xf32> to vector<32x1xf32>
      %add3A_1226 = vector.broadcast %get3A_1225 : vector<32x1xf32> to vector<32x128xf32>
      %add3A_1227 = arith.addf %slice3A_1219, %add3A_1226 : vector<32x128xf32>
      %max3A_1228 = arith.constant 0.000000e+00 : f32
      %max3A_1229 = vector.broadcast %max3A_1228 : f32 to vector<32x128xf32>
      %max3A_1230 = arith.maximumf %add3A_1227, %max3A_1229 : vector<32x128xf32>
      %get3A_1231 = arith.constant 0 : index
      %get3A_1232 = arith.constant 3 : index
      %get3A_1233 = arith.constant 0 : index
      %get3A_1234 = arith.constant 0 : index
      %get3A_1235 = vector.load %arg17[%get3A_1231, %get3A_1232, %get3A_1233, %get3A_1234] : memref<1x5x33x65xf32, #tpu.memory_space<vmem>>, vector<1x1x33x59xf32>
      %get3A_1236 = vector.shape_cast %get3A_1235 : vector<1x1x33x59xf32> to vector<33x59xf32>
      %dot_general3A_1237 = arith.constant dense<0.000000e+00> : vector<33x128xf32>
      %dot_general3A_1238 = tpu.matmul %get3A_1236, %concatenate3A_1006, %dot_general3A_1237 {dimension_numbers = #tpu.dot_dimension_numbers<[1], [0], [0], [1], [0, 0, 1, 1], [], []>, transpose_lhs_hint = false} : vector<33x59xf32>, vector<59x128xf32>, vector<33x128xf32> -> vector<33x128xf32>
      %slice3A_1239 = vector.extract_strided_slice %dot_general3A_1238 {offsets = [0, 0], sizes = [32, 128], strides = [1, 1]} : vector<33x128xf32> to vector<32x128xf32>
      %get3A_1240 = arith.constant 0 : index
      %get3A_1241 = arith.constant 3 : index
      %get3A_1242 = arith.constant 0 : index
      %get3A_1243 = arith.constant 64 : index
      %get3A_1244 = vector.load %arg17[%get3A_1240, %get3A_1241, %get3A_1242, %get3A_1243] : memref<1x5x33x65xf32, #tpu.memory_space<vmem>>, vector<1x1x32x1xf32>
      %get3A_1245 = vector.shape_cast %get3A_1244 : vector<1x1x32x1xf32> to vector<32x1xf32>
      %add3A_1246 = vector.broadcast %get3A_1245 : vector<32x1xf32> to vector<32x128xf32>
      %add3A_1247 = arith.addf %slice3A_1239, %add3A_1246 : vector<32x128xf32>
      %max3A_1248 = arith.constant 0.000000e+00 : f32
      %max3A_1249 = vector.broadcast %max3A_1248 : f32 to vector<32x128xf32>
      %max3A_1250 = arith.maximumf %add3A_1247, %max3A_1249 : vector<32x128xf32>
      %get3A_1251 = arith.constant 0 : index
      %get3A_1252 = arith.constant 3 : index
      %get3A_1253 = arith.constant 0 : index
      %get3A_1254 = arith.constant 0 : index
      %get3A_1255 = vector.load %arg18[%get3A_1251, %get3A_1252, %get3A_1253, %get3A_1254] : memref<1x5x33x65xf32, #tpu.memory_space<vmem>>, vector<1x1x33x59xf32>
      %get3A_1256 = vector.shape_cast %get3A_1255 : vector<1x1x33x59xf32> to vector<33x59xf32>
      %dot_general3A_1257 = arith.constant dense<0.000000e+00> : vector<33x128xf32>
      %dot_general3A_1258 = tpu.matmul %get3A_1256, %concatenate3A_1007, %dot_general3A_1257 {dimension_numbers = #tpu.dot_dimension_numbers<[1], [0], [0], [1], [0, 0, 1, 1], [], []>, transpose_lhs_hint = false} : vector<33x59xf32>, vector<59x128xf32>, vector<33x128xf32> -> vector<33x128xf32>
      %slice3A_1259 = vector.extract_strided_slice %dot_general3A_1258 {offsets = [0, 0], sizes = [32, 128], strides = [1, 1]} : vector<33x128xf32> to vector<32x128xf32>
      %get3A_1260 = arith.constant 0 : index
      %get3A_1261 = arith.constant 3 : index
      %get3A_1262 = arith.constant 0 : index
      %get3A_1263 = arith.constant 64 : index
      %get3A_1264 = vector.load %arg18[%get3A_1260, %get3A_1261, %get3A_1262, %get3A_1263] : memref<1x5x33x65xf32, #tpu.memory_space<vmem>>, vector<1x1x32x1xf32>
      %get3A_1265 = vector.shape_cast %get3A_1264 : vector<1x1x32x1xf32> to vector<32x1xf32>
      %add3A_1266 = vector.broadcast %get3A_1265 : vector<32x1xf32> to vector<32x128xf32>
      %add3A_1267 = arith.addf %slice3A_1259, %add3A_1266 : vector<32x128xf32>
      %max3A_1268 = arith.constant 0.000000e+00 : f32
      %max3A_1269 = vector.broadcast %max3A_1268 : f32 to vector<32x128xf32>
      %max3A_1270 = arith.maximumf %add3A_1267, %max3A_1269 : vector<32x128xf32>
      %get3A_1271 = arith.constant 0 : index
      %get3A_1272 = arith.constant 3 : index
      %get3A_1273 = arith.constant 0 : index
      %get3A_1274 = arith.constant 0 : index
      %get3A_1275 = vector.load %arg19[%get3A_1271, %get3A_1272, %get3A_1273, %get3A_1274] : memref<1x5x33x65xf32, #tpu.memory_space<vmem>>, vector<1x1x33x59xf32>
      %get3A_1276 = vector.shape_cast %get3A_1275 : vector<1x1x33x59xf32> to vector<33x59xf32>
      %dot_general3A_1277 = arith.constant dense<0.000000e+00> : vector<33x128xf32>
      %dot_general3A_1278 = tpu.matmul %get3A_1276, %concatenate3A_1008, %dot_general3A_1277 {dimension_numbers = #tpu.dot_dimension_numbers<[1], [0], [0], [1], [0, 0, 1, 1], [], []>, transpose_lhs_hint = false} : vector<33x59xf32>, vector<59x128xf32>, vector<33x128xf32> -> vector<33x128xf32>
      %slice3A_1279 = vector.extract_strided_slice %dot_general3A_1278 {offsets = [0, 0], sizes = [32, 128], strides = [1, 1]} : vector<33x128xf32> to vector<32x128xf32>
      %get3A_1280 = arith.constant 0 : index
      %get3A_1281 = arith.constant 3 : index
      %get3A_1282 = arith.constant 0 : index
      %get3A_1283 = arith.constant 64 : index
      %get3A_1284 = vector.load %arg19[%get3A_1280, %get3A_1281, %get3A_1282, %get3A_1283] : memref<1x5x33x65xf32, #tpu.memory_space<vmem>>, vector<1x1x32x1xf32>
      %get3A_1285 = vector.shape_cast %get3A_1284 : vector<1x1x32x1xf32> to vector<32x1xf32>
      %add3A_1286 = vector.broadcast %get3A_1285 : vector<32x1xf32> to vector<32x128xf32>
      %add3A_1287 = arith.addf %slice3A_1279, %add3A_1286 : vector<32x128xf32>
      %max3A_1288 = arith.constant 0.000000e+00 : f32
      %max3A_1289 = vector.broadcast %max3A_1288 : f32 to vector<32x128xf32>
      %max3A_1290 = arith.maximumf %add3A_1287, %max3A_1289 : vector<32x128xf32>
      %get3A_1291 = arith.constant 0 : index
      %get3A_1292 = arith.constant 3 : index
      %get3A_1293 = arith.constant 0 : index
      %get3A_1294 = arith.constant 0 : index
      %get3A_1295 = vector.load %arg20[%get3A_1291, %get3A_1292, %get3A_1293, %get3A_1294] : memref<1x5x33x65xf32, #tpu.memory_space<vmem>>, vector<1x1x33x59xf32>
      %get3A_1296 = vector.shape_cast %get3A_1295 : vector<1x1x33x59xf32> to vector<33x59xf32>
      %dot_general3A_1297 = arith.constant dense<0.000000e+00> : vector<33x128xf32>
      %dot_general3A_1298 = tpu.matmul %get3A_1296, %concatenate3A_1009, %dot_general3A_1297 {dimension_numbers = #tpu.dot_dimension_numbers<[1], [0], [0], [1], [0, 0, 1, 1], [], []>, transpose_lhs_hint = false} : vector<33x59xf32>, vector<59x128xf32>, vector<33x128xf32> -> vector<33x128xf32>
      %slice3A_1299 = vector.extract_strided_slice %dot_general3A_1298 {offsets = [0, 0], sizes = [32, 128], strides = [1, 1]} : vector<33x128xf32> to vector<32x128xf32>
      %get3A_1300 = arith.constant 0 : index
      %get3A_1301 = arith.constant 3 : index
      %get3A_1302 = arith.constant 0 : index
      %get3A_1303 = arith.constant 64 : index
      %get3A_1304 = vector.load %arg20[%get3A_1300, %get3A_1301, %get3A_1302, %get3A_1303] : memref<1x5x33x65xf32, #tpu.memory_space<vmem>>, vector<1x1x32x1xf32>
      %get3A_1305 = vector.shape_cast %get3A_1304 : vector<1x1x32x1xf32> to vector<32x1xf32>
      %add3A_1306 = vector.broadcast %get3A_1305 : vector<32x1xf32> to vector<32x128xf32>
      %add3A_1307 = arith.addf %slice3A_1299, %add3A_1306 : vector<32x128xf32>
      %max3A_1308 = arith.constant 0.000000e+00 : f32
      %max3A_1309 = vector.broadcast %max3A_1308 : f32 to vector<32x128xf32>
      %max3A_1310 = arith.maximumf %add3A_1307, %max3A_1309 : vector<32x128xf32>
      %get3A_1311 = arith.constant 0 : index
      %get3A_1312 = arith.constant 3 : index
      %get3A_1313 = arith.constant 0 : index
      %get3A_1314 = arith.constant 0 : index
      %get3A_1315 = vector.load %arg21[%get3A_1311, %get3A_1312, %get3A_1313, %get3A_1314] : memref<1x5x33x65xf32, #tpu.memory_space<vmem>>, vector<1x1x33x59xf32>
      %get3A_1316 = vector.shape_cast %get3A_1315 : vector<1x1x33x59xf32> to vector<33x59xf32>
      %dot_general3A_1317 = arith.constant dense<0.000000e+00> : vector<33x128xf32>
      %dot_general3A_1318 = tpu.matmul %get3A_1316, %concatenate3A_1010, %dot_general3A_1317 {dimension_numbers = #tpu.dot_dimension_numbers<[1], [0], [0], [1], [0, 0, 1, 1], [], []>, transpose_lhs_hint = false} : vector<33x59xf32>, vector<59x128xf32>, vector<33x128xf32> -> vector<33x128xf32>
      %slice3A_1319 = vector.extract_strided_slice %dot_general3A_1318 {offsets = [0, 0], sizes = [32, 128], strides = [1, 1]} : vector<33x128xf32> to vector<32x128xf32>
      %get3A_1320 = arith.constant 0 : index
      %get3A_1321 = arith.constant 3 : index
      %get3A_1322 = arith.constant 0 : index
      %get3A_1323 = arith.constant 64 : index
      %get3A_1324 = vector.load %arg21[%get3A_1320, %get3A_1321, %get3A_1322, %get3A_1323] : memref<1x5x33x65xf32, #tpu.memory_space<vmem>>, vector<1x1x32x1xf32>
      %get3A_1325 = vector.shape_cast %get3A_1324 : vector<1x1x32x1xf32> to vector<32x1xf32>
      %add3A_1326 = vector.broadcast %get3A_1325 : vector<32x1xf32> to vector<32x128xf32>
      %add3A_1327 = arith.addf %slice3A_1319, %add3A_1326 : vector<32x128xf32>
      %max3A_1328 = arith.constant 0.000000e+00 : f32
      %max3A_1329 = vector.broadcast %max3A_1328 : f32 to vector<32x128xf32>
      %max3A_1330 = arith.maximumf %add3A_1327, %max3A_1329 : vector<32x128xf32>
      %get3A_1331 = arith.constant 0 : index
      %get3A_1332 = arith.constant 4 : index
      %get3A_1333 = arith.constant 0 : index
      %get3A_1334 = arith.constant 0 : index
      %get3A_1335 = vector.load %arg6[%get3A_1331, %get3A_1332, %get3A_1333, %get3A_1334] : memref<1x5x33x65xf32, #tpu.memory_space<vmem>>, vector<1x1x33x32xf32>
      %get3A_1336 = vector.shape_cast %get3A_1335 : vector<1x1x33x32xf32> to vector<33x32xf32>
      %dot_general3A_1337 = arith.constant dense<0.000000e+00> : vector<33x128xf32>
      %dot_general3A_1338 = tpu.matmul %get3A_1336, %max3A_1030, %dot_general3A_1337 {dimension_numbers = #tpu.dot_dimension_numbers<[1], [0], [0], [1], [0, 0, 1, 1], [], []>, transpose_lhs_hint = false} : vector<33x32xf32>, vector<32x128xf32>, vector<33x128xf32> -> vector<33x128xf32>
      %slice3A_1339 = vector.extract_strided_slice %dot_general3A_1338 {offsets = [0, 0], sizes = [3, 128], strides = [1, 1]} : vector<33x128xf32> to vector<3x128xf32>
      %get3A_1340 = arith.constant 0 : index
      %get3A_1341 = arith.constant 4 : index
      %get3A_1342 = arith.constant 0 : index
      %get3A_1343 = arith.constant 64 : index
      %get3A_1344 = vector.load %arg6[%get3A_1340, %get3A_1341, %get3A_1342, %get3A_1343] : memref<1x5x33x65xf32, #tpu.memory_space<vmem>>, vector<1x1x3x1xf32>
      %get3A_1345 = vector.shape_cast %get3A_1344 : vector<1x1x3x1xf32> to vector<3x1xf32>
      %add3A_1346 = vector.broadcast %get3A_1345 : vector<3x1xf32> to vector<3x128xf32>
      %add3A_1347 = arith.addf %slice3A_1339, %add3A_1346 : vector<3x128xf32>
      %logistic3A = arith.negf %add3A_1347 : vector<3x128xf32>
      %logistic3A_1348 = math.exp %logistic3A : vector<3x128xf32>
      %logistic3A_1349 = arith.constant 1.000000e+00 : f32
      %logistic3A_1350 = vector.broadcast %logistic3A_1349 : f32 to vector<3x128xf32>
      %logistic3A_1351 = arith.addf %logistic3A_1350, %logistic3A_1348 : vector<3x128xf32>
      %logistic3A_1352 = arith.divf %logistic3A_1350, %logistic3A_1351 : vector<3x128xf32>
      %get3A_1353 = arith.constant 0 : index
      %get3A_1354 = arith.constant 4 : index
      %get3A_1355 = arith.constant 0 : index
      %get3A_1356 = arith.constant 0 : index
      %get3A_1357 = vector.load %arg7[%get3A_1353, %get3A_1354, %get3A_1355, %get3A_1356] : memref<1x5x33x65xf32, #tpu.memory_space<vmem>>, vector<1x1x33x32xf32>
      %get3A_1358 = vector.shape_cast %get3A_1357 : vector<1x1x33x32xf32> to vector<33x32xf32>
      %dot_general3A_1359 = arith.constant dense<0.000000e+00> : vector<33x128xf32>
      %dot_general3A_1360 = tpu.matmul %get3A_1358, %max3A_1050, %dot_general3A_1359 {dimension_numbers = #tpu.dot_dimension_numbers<[1], [0], [0], [1], [0, 0, 1, 1], [], []>, transpose_lhs_hint = false} : vector<33x32xf32>, vector<32x128xf32>, vector<33x128xf32> -> vector<33x128xf32>
      %slice3A_1361 = vector.extract_strided_slice %dot_general3A_1360 {offsets = [0, 0], sizes = [3, 128], strides = [1, 1]} : vector<33x128xf32> to vector<3x128xf32>
      %get3A_1362 = arith.constant 0 : index
      %get3A_1363 = arith.constant 4 : index
      %get3A_1364 = arith.constant 0 : index
      %get3A_1365 = arith.constant 64 : index
      %get3A_1366 = vector.load %arg7[%get3A_1362, %get3A_1363, %get3A_1364, %get3A_1365] : memref<1x5x33x65xf32, #tpu.memory_space<vmem>>, vector<1x1x3x1xf32>
      %get3A_1367 = vector.shape_cast %get3A_1366 : vector<1x1x3x1xf32> to vector<3x1xf32>
      %add3A_1368 = vector.broadcast %get3A_1367 : vector<3x1xf32> to vector<3x128xf32>
      %add3A_1369 = arith.addf %slice3A_1361, %add3A_1368 : vector<3x128xf32>
      %logistic3A_1370 = arith.negf %add3A_1369 : vector<3x128xf32>
      %logistic3A_1371 = math.exp %logistic3A_1370 : vector<3x128xf32>
      %logistic3A_1372 = arith.constant 1.000000e+00 : f32
      %logistic3A_1373 = vector.broadcast %logistic3A_1372 : f32 to vector<3x128xf32>
      %logistic3A_1374 = arith.addf %logistic3A_1373, %logistic3A_1371 : vector<3x128xf32>
      %logistic3A_1375 = arith.divf %logistic3A_1373, %logistic3A_1374 : vector<3x128xf32>
      %get3A_1376 = arith.constant 0 : index
      %get3A_1377 = arith.constant 4 : index
      %get3A_1378 = arith.constant 0 : index
      %get3A_1379 = arith.constant 0 : index
      %get3A_1380 = vector.load %arg8[%get3A_1376, %get3A_1377, %get3A_1378, %get3A_1379] : memref<1x5x33x65xf32, #tpu.memory_space<vmem>>, vector<1x1x33x32xf32>
      %get3A_1381 = vector.shape_cast %get3A_1380 : vector<1x1x33x32xf32> to vector<33x32xf32>
      %dot_general3A_1382 = arith.constant dense<0.000000e+00> : vector<33x128xf32>
      %dot_general3A_1383 = tpu.matmul %get3A_1381, %max3A_1070, %dot_general3A_1382 {dimension_numbers = #tpu.dot_dimension_numbers<[1], [0], [0], [1], [0, 0, 1, 1], [], []>, transpose_lhs_hint = false} : vector<33x32xf32>, vector<32x128xf32>, vector<33x128xf32> -> vector<33x128xf32>
      %slice3A_1384 = vector.extract_strided_slice %dot_general3A_1383 {offsets = [0, 0], sizes = [3, 128], strides = [1, 1]} : vector<33x128xf32> to vector<3x128xf32>
      %get3A_1385 = arith.constant 0 : index
      %get3A_1386 = arith.constant 4 : index
      %get3A_1387 = arith.constant 0 : index
      %get3A_1388 = arith.constant 64 : index
      %get3A_1389 = vector.load %arg8[%get3A_1385, %get3A_1386, %get3A_1387, %get3A_1388] : memref<1x5x33x65xf32, #tpu.memory_space<vmem>>, vector<1x1x3x1xf32>
      %get3A_1390 = vector.shape_cast %get3A_1389 : vector<1x1x3x1xf32> to vector<3x1xf32>
      %add3A_1391 = vector.broadcast %get3A_1390 : vector<3x1xf32> to vector<3x128xf32>
      %add3A_1392 = arith.addf %slice3A_1384, %add3A_1391 : vector<3x128xf32>
      %logistic3A_1393 = arith.negf %add3A_1392 : vector<3x128xf32>
      %logistic3A_1394 = math.exp %logistic3A_1393 : vector<3x128xf32>
      %logistic3A_1395 = arith.constant 1.000000e+00 : f32
      %logistic3A_1396 = vector.broadcast %logistic3A_1395 : f32 to vector<3x128xf32>
      %logistic3A_1397 = arith.addf %logistic3A_1396, %logistic3A_1394 : vector<3x128xf32>
      %logistic3A_1398 = arith.divf %logistic3A_1396, %logistic3A_1397 : vector<3x128xf32>
      %get3A_1399 = arith.constant 0 : index
      %get3A_1400 = arith.constant 4 : index
      %get3A_1401 = arith.constant 0 : index
      %get3A_1402 = arith.constant 0 : index
      %get3A_1403 = vector.load %arg9[%get3A_1399, %get3A_1400, %get3A_1401, %get3A_1402] : memref<1x5x33x65xf32, #tpu.memory_space<vmem>>, vector<1x1x33x32xf32>
      %get3A_1404 = vector.shape_cast %get3A_1403 : vector<1x1x33x32xf32> to vector<33x32xf32>
      %dot_general3A_1405 = arith.constant dense<0.000000e+00> : vector<33x128xf32>
      %dot_general3A_1406 = tpu.matmul %get3A_1404, %max3A_1090, %dot_general3A_1405 {dimension_numbers = #tpu.dot_dimension_numbers<[1], [0], [0], [1], [0, 0, 1, 1], [], []>, transpose_lhs_hint = false} : vector<33x32xf32>, vector<32x128xf32>, vector<33x128xf32> -> vector<33x128xf32>
      %slice3A_1407 = vector.extract_strided_slice %dot_general3A_1406 {offsets = [0, 0], sizes = [3, 128], strides = [1, 1]} : vector<33x128xf32> to vector<3x128xf32>
      %get3A_1408 = arith.constant 0 : index
      %get3A_1409 = arith.constant 4 : index
      %get3A_1410 = arith.constant 0 : index
      %get3A_1411 = arith.constant 64 : index
      %get3A_1412 = vector.load %arg9[%get3A_1408, %get3A_1409, %get3A_1410, %get3A_1411] : memref<1x5x33x65xf32, #tpu.memory_space<vmem>>, vector<1x1x3x1xf32>
      %get3A_1413 = vector.shape_cast %get3A_1412 : vector<1x1x3x1xf32> to vector<3x1xf32>
      %add3A_1414 = vector.broadcast %get3A_1413 : vector<3x1xf32> to vector<3x128xf32>
      %add3A_1415 = arith.addf %slice3A_1407, %add3A_1414 : vector<3x128xf32>
      %logistic3A_1416 = arith.negf %add3A_1415 : vector<3x128xf32>
      %logistic3A_1417 = math.exp %logistic3A_1416 : vector<3x128xf32>
      %logistic3A_1418 = arith.constant 1.000000e+00 : f32
      %logistic3A_1419 = vector.broadcast %logistic3A_1418 : f32 to vector<3x128xf32>
      %logistic3A_1420 = arith.addf %logistic3A_1419, %logistic3A_1417 : vector<3x128xf32>
      %logistic3A_1421 = arith.divf %logistic3A_1419, %logistic3A_1420 : vector<3x128xf32>
      %get3A_1422 = arith.constant 0 : index
      %get3A_1423 = arith.constant 4 : index
      %get3A_1424 = arith.constant 0 : index
      %get3A_1425 = arith.constant 0 : index
      %get3A_1426 = vector.load %arg10[%get3A_1422, %get3A_1423, %get3A_1424, %get3A_1425] : memref<1x5x33x65xf32, #tpu.memory_space<vmem>>, vector<1x1x33x32xf32>
      %get3A_1427 = vector.shape_cast %get3A_1426 : vector<1x1x33x32xf32> to vector<33x32xf32>
      %dot_general3A_1428 = arith.constant dense<0.000000e+00> : vector<33x128xf32>
      %dot_general3A_1429 = tpu.matmul %get3A_1427, %max3A_1110, %dot_general3A_1428 {dimension_numbers = #tpu.dot_dimension_numbers<[1], [0], [0], [1], [0, 0, 1, 1], [], []>, transpose_lhs_hint = false} : vector<33x32xf32>, vector<32x128xf32>, vector<33x128xf32> -> vector<33x128xf32>
      %slice3A_1430 = vector.extract_strided_slice %dot_general3A_1429 {offsets = [0, 0], sizes = [3, 128], strides = [1, 1]} : vector<33x128xf32> to vector<3x128xf32>
      %get3A_1431 = arith.constant 0 : index
      %get3A_1432 = arith.constant 4 : index
      %get3A_1433 = arith.constant 0 : index
      %get3A_1434 = arith.constant 64 : index
      %get3A_1435 = vector.load %arg10[%get3A_1431, %get3A_1432, %get3A_1433, %get3A_1434] : memref<1x5x33x65xf32, #tpu.memory_space<vmem>>, vector<1x1x3x1xf32>
      %get3A_1436 = vector.shape_cast %get3A_1435 : vector<1x1x3x1xf32> to vector<3x1xf32>
      %add3A_1437 = vector.broadcast %get3A_1436 : vector<3x1xf32> to vector<3x128xf32>
      %add3A_1438 = arith.addf %slice3A_1430, %add3A_1437 : vector<3x128xf32>
      %logistic3A_1439 = arith.negf %add3A_1438 : vector<3x128xf32>
      %logistic3A_1440 = math.exp %logistic3A_1439 : vector<3x128xf32>
      %logistic3A_1441 = arith.constant 1.000000e+00 : f32
      %logistic3A_1442 = vector.broadcast %logistic3A_1441 : f32 to vector<3x128xf32>
      %logistic3A_1443 = arith.addf %logistic3A_1442, %logistic3A_1440 : vector<3x128xf32>
      %logistic3A_1444 = arith.divf %logistic3A_1442, %logistic3A_1443 : vector<3x128xf32>
      %get3A_1445 = arith.constant 0 : index
      %get3A_1446 = arith.constant 4 : index
      %get3A_1447 = arith.constant 0 : index
      %get3A_1448 = arith.constant 0 : index
      %get3A_1449 = vector.load %arg11[%get3A_1445, %get3A_1446, %get3A_1447, %get3A_1448] : memref<1x5x33x65xf32, #tpu.memory_space<vmem>>, vector<1x1x33x32xf32>
      %get3A_1450 = vector.shape_cast %get3A_1449 : vector<1x1x33x32xf32> to vector<33x32xf32>
      %dot_general3A_1451 = arith.constant dense<0.000000e+00> : vector<33x128xf32>
      %dot_general3A_1452 = tpu.matmul %get3A_1450, %max3A_1130, %dot_general3A_1451 {dimension_numbers = #tpu.dot_dimension_numbers<[1], [0], [0], [1], [0, 0, 1, 1], [], []>, transpose_lhs_hint = false} : vector<33x32xf32>, vector<32x128xf32>, vector<33x128xf32> -> vector<33x128xf32>
      %slice3A_1453 = vector.extract_strided_slice %dot_general3A_1452 {offsets = [0, 0], sizes = [3, 128], strides = [1, 1]} : vector<33x128xf32> to vector<3x128xf32>
      %get3A_1454 = arith.constant 0 : index
      %get3A_1455 = arith.constant 4 : index
      %get3A_1456 = arith.constant 0 : index
      %get3A_1457 = arith.constant 64 : index
      %get3A_1458 = vector.load %arg11[%get3A_1454, %get3A_1455, %get3A_1456, %get3A_1457] : memref<1x5x33x65xf32, #tpu.memory_space<vmem>>, vector<1x1x3x1xf32>
      %get3A_1459 = vector.shape_cast %get3A_1458 : vector<1x1x3x1xf32> to vector<3x1xf32>
      %add3A_1460 = vector.broadcast %get3A_1459 : vector<3x1xf32> to vector<3x128xf32>
      %add3A_1461 = arith.addf %slice3A_1453, %add3A_1460 : vector<3x128xf32>
      %logistic3A_1462 = arith.negf %add3A_1461 : vector<3x128xf32>
      %logistic3A_1463 = math.exp %logistic3A_1462 : vector<3x128xf32>
      %logistic3A_1464 = arith.constant 1.000000e+00 : f32
      %logistic3A_1465 = vector.broadcast %logistic3A_1464 : f32 to vector<3x128xf32>
      %logistic3A_1466 = arith.addf %logistic3A_1465, %logistic3A_1463 : vector<3x128xf32>
      %logistic3A_1467 = arith.divf %logistic3A_1465, %logistic3A_1466 : vector<3x128xf32>
      %get3A_1468 = arith.constant 0 : index
      %get3A_1469 = arith.constant 4 : index
      %get3A_1470 = arith.constant 0 : index
      %get3A_1471 = arith.constant 0 : index
      %get3A_1472 = vector.load %arg12[%get3A_1468, %get3A_1469, %get3A_1470, %get3A_1471] : memref<1x5x33x65xf32, #tpu.memory_space<vmem>>, vector<1x1x33x32xf32>
      %get3A_1473 = vector.shape_cast %get3A_1472 : vector<1x1x33x32xf32> to vector<33x32xf32>
      %dot_general3A_1474 = arith.constant dense<0.000000e+00> : vector<33x128xf32>
      %dot_general3A_1475 = tpu.matmul %get3A_1473, %max3A_1150, %dot_general3A_1474 {dimension_numbers = #tpu.dot_dimension_numbers<[1], [0], [0], [1], [0, 0, 1, 1], [], []>, transpose_lhs_hint = false} : vector<33x32xf32>, vector<32x128xf32>, vector<33x128xf32> -> vector<33x128xf32>
      %slice3A_1476 = vector.extract_strided_slice %dot_general3A_1475 {offsets = [0, 0], sizes = [3, 128], strides = [1, 1]} : vector<33x128xf32> to vector<3x128xf32>
      %get3A_1477 = arith.constant 0 : index
      %get3A_1478 = arith.constant 4 : index
      %get3A_1479 = arith.constant 0 : index
      %get3A_1480 = arith.constant 64 : index
      %get3A_1481 = vector.load %arg12[%get3A_1477, %get3A_1478, %get3A_1479, %get3A_1480] : memref<1x5x33x65xf32, #tpu.memory_space<vmem>>, vector<1x1x3x1xf32>
      %get3A_1482 = vector.shape_cast %get3A_1481 : vector<1x1x3x1xf32> to vector<3x1xf32>
      %add3A_1483 = vector.broadcast %get3A_1482 : vector<3x1xf32> to vector<3x128xf32>
      %add3A_1484 = arith.addf %slice3A_1476, %add3A_1483 : vector<3x128xf32>
      %logistic3A_1485 = arith.negf %add3A_1484 : vector<3x128xf32>
      %logistic3A_1486 = math.exp %logistic3A_1485 : vector<3x128xf32>
      %logistic3A_1487 = arith.constant 1.000000e+00 : f32
      %logistic3A_1488 = vector.broadcast %logistic3A_1487 : f32 to vector<3x128xf32>
      %logistic3A_1489 = arith.addf %logistic3A_1488, %logistic3A_1486 : vector<3x128xf32>
      %logistic3A_1490 = arith.divf %logistic3A_1488, %logistic3A_1489 : vector<3x128xf32>
      %get3A_1491 = arith.constant 0 : index
      %get3A_1492 = arith.constant 4 : index
      %get3A_1493 = arith.constant 0 : index
      %get3A_1494 = arith.constant 0 : index
      %get3A_1495 = vector.load %arg13[%get3A_1491, %get3A_1492, %get3A_1493, %get3A_1494] : memref<1x5x33x65xf32, #tpu.memory_space<vmem>>, vector<1x1x33x32xf32>
      %get3A_1496 = vector.shape_cast %get3A_1495 : vector<1x1x33x32xf32> to vector<33x32xf32>
      %dot_general3A_1497 = arith.constant dense<0.000000e+00> : vector<33x128xf32>
      %dot_general3A_1498 = tpu.matmul %get3A_1496, %max3A_1170, %dot_general3A_1497 {dimension_numbers = #tpu.dot_dimension_numbers<[1], [0], [0], [1], [0, 0, 1, 1], [], []>, transpose_lhs_hint = false} : vector<33x32xf32>, vector<32x128xf32>, vector<33x128xf32> -> vector<33x128xf32>
      %slice3A_1499 = vector.extract_strided_slice %dot_general3A_1498 {offsets = [0, 0], sizes = [3, 128], strides = [1, 1]} : vector<33x128xf32> to vector<3x128xf32>
      %get3A_1500 = arith.constant 0 : index
      %get3A_1501 = arith.constant 4 : index
      %get3A_1502 = arith.constant 0 : index
      %get3A_1503 = arith.constant 64 : index
      %get3A_1504 = vector.load %arg13[%get3A_1500, %get3A_1501, %get3A_1502, %get3A_1503] : memref<1x5x33x65xf32, #tpu.memory_space<vmem>>, vector<1x1x3x1xf32>
      %get3A_1505 = vector.shape_cast %get3A_1504 : vector<1x1x3x1xf32> to vector<3x1xf32>
      %add3A_1506 = vector.broadcast %get3A_1505 : vector<3x1xf32> to vector<3x128xf32>
      %add3A_1507 = arith.addf %slice3A_1499, %add3A_1506 : vector<3x128xf32>
      %logistic3A_1508 = arith.negf %add3A_1507 : vector<3x128xf32>
      %logistic3A_1509 = math.exp %logistic3A_1508 : vector<3x128xf32>
      %logistic3A_1510 = arith.constant 1.000000e+00 : f32
      %logistic3A_1511 = vector.broadcast %logistic3A_1510 : f32 to vector<3x128xf32>
      %logistic3A_1512 = arith.addf %logistic3A_1511, %logistic3A_1509 : vector<3x128xf32>
      %logistic3A_1513 = arith.divf %logistic3A_1511, %logistic3A_1512 : vector<3x128xf32>
      %get3A_1514 = arith.constant 0 : index
      %get3A_1515 = arith.constant 4 : index
      %get3A_1516 = arith.constant 0 : index
      %get3A_1517 = arith.constant 0 : index
      %get3A_1518 = vector.load %arg14[%get3A_1514, %get3A_1515, %get3A_1516, %get3A_1517] : memref<1x5x33x65xf32, #tpu.memory_space<vmem>>, vector<1x1x33x32xf32>
      %get3A_1519 = vector.shape_cast %get3A_1518 : vector<1x1x33x32xf32> to vector<33x32xf32>
      %dot_general3A_1520 = arith.constant dense<0.000000e+00> : vector<33x128xf32>
      %dot_general3A_1521 = tpu.matmul %get3A_1519, %max3A_1190, %dot_general3A_1520 {dimension_numbers = #tpu.dot_dimension_numbers<[1], [0], [0], [1], [0, 0, 1, 1], [], []>, transpose_lhs_hint = false} : vector<33x32xf32>, vector<32x128xf32>, vector<33x128xf32> -> vector<33x128xf32>
      %slice3A_1522 = vector.extract_strided_slice %dot_general3A_1521 {offsets = [0, 0], sizes = [3, 128], strides = [1, 1]} : vector<33x128xf32> to vector<3x128xf32>
      %get3A_1523 = arith.constant 0 : index
      %get3A_1524 = arith.constant 4 : index
      %get3A_1525 = arith.constant 0 : index
      %get3A_1526 = arith.constant 64 : index
      %get3A_1527 = vector.load %arg14[%get3A_1523, %get3A_1524, %get3A_1525, %get3A_1526] : memref<1x5x33x65xf32, #tpu.memory_space<vmem>>, vector<1x1x3x1xf32>
      %get3A_1528 = vector.shape_cast %get3A_1527 : vector<1x1x3x1xf32> to vector<3x1xf32>
      %add3A_1529 = vector.broadcast %get3A_1528 : vector<3x1xf32> to vector<3x128xf32>
      %add3A_1530 = arith.addf %slice3A_1522, %add3A_1529 : vector<3x128xf32>
      %logistic3A_1531 = arith.negf %add3A_1530 : vector<3x128xf32>
      %logistic3A_1532 = math.exp %logistic3A_1531 : vector<3x128xf32>
      %logistic3A_1533 = arith.constant 1.000000e+00 : f32
      %logistic3A_1534 = vector.broadcast %logistic3A_1533 : f32 to vector<3x128xf32>
      %logistic3A_1535 = arith.addf %logistic3A_1534, %logistic3A_1532 : vector<3x128xf32>
      %logistic3A_1536 = arith.divf %logistic3A_1534, %logistic3A_1535 : vector<3x128xf32>
      %get3A_1537 = arith.constant 0 : index
      %get3A_1538 = arith.constant 4 : index
      %get3A_1539 = arith.constant 0 : index
      %get3A_1540 = arith.constant 0 : index
      %get3A_1541 = vector.load %arg15[%get3A_1537, %get3A_1538, %get3A_1539, %get3A_1540] : memref<1x5x33x65xf32, #tpu.memory_space<vmem>>, vector<1x1x33x32xf32>
      %get3A_1542 = vector.shape_cast %get3A_1541 : vector<1x1x33x32xf32> to vector<33x32xf32>
      %dot_general3A_1543 = arith.constant dense<0.000000e+00> : vector<33x128xf32>
      %dot_general3A_1544 = tpu.matmul %get3A_1542, %max3A_1210, %dot_general3A_1543 {dimension_numbers = #tpu.dot_dimension_numbers<[1], [0], [0], [1], [0, 0, 1, 1], [], []>, transpose_lhs_hint = false} : vector<33x32xf32>, vector<32x128xf32>, vector<33x128xf32> -> vector<33x128xf32>
      %slice3A_1545 = vector.extract_strided_slice %dot_general3A_1544 {offsets = [0, 0], sizes = [3, 128], strides = [1, 1]} : vector<33x128xf32> to vector<3x128xf32>
      %get3A_1546 = arith.constant 0 : index
      %get3A_1547 = arith.constant 4 : index
      %get3A_1548 = arith.constant 0 : index
      %get3A_1549 = arith.constant 64 : index
      %get3A_1550 = vector.load %arg15[%get3A_1546, %get3A_1547, %get3A_1548, %get3A_1549] : memref<1x5x33x65xf32, #tpu.memory_space<vmem>>, vector<1x1x3x1xf32>
      %get3A_1551 = vector.shape_cast %get3A_1550 : vector<1x1x3x1xf32> to vector<3x1xf32>
      %add3A_1552 = vector.broadcast %get3A_1551 : vector<3x1xf32> to vector<3x128xf32>
      %add3A_1553 = arith.addf %slice3A_1545, %add3A_1552 : vector<3x128xf32>
      %logistic3A_1554 = arith.negf %add3A_1553 : vector<3x128xf32>
      %logistic3A_1555 = math.exp %logistic3A_1554 : vector<3x128xf32>
      %logistic3A_1556 = arith.constant 1.000000e+00 : f32
      %logistic3A_1557 = vector.broadcast %logistic3A_1556 : f32 to vector<3x128xf32>
      %logistic3A_1558 = arith.addf %logistic3A_1557, %logistic3A_1555 : vector<3x128xf32>
      %logistic3A_1559 = arith.divf %logistic3A_1557, %logistic3A_1558 : vector<3x128xf32>
      %get3A_1560 = arith.constant 0 : index
      %get3A_1561 = arith.constant 4 : index
      %get3A_1562 = arith.constant 0 : index
      %get3A_1563 = arith.constant 0 : index
      %get3A_1564 = vector.load %arg16[%get3A_1560, %get3A_1561, %get3A_1562, %get3A_1563] : memref<1x5x33x65xf32, #tpu.memory_space<vmem>>, vector<1x1x33x32xf32>
      %get3A_1565 = vector.shape_cast %get3A_1564 : vector<1x1x33x32xf32> to vector<33x32xf32>
      %dot_general3A_1566 = arith.constant dense<0.000000e+00> : vector<33x128xf32>
      %dot_general3A_1567 = tpu.matmul %get3A_1565, %max3A_1230, %dot_general3A_1566 {dimension_numbers = #tpu.dot_dimension_numbers<[1], [0], [0], [1], [0, 0, 1, 1], [], []>, transpose_lhs_hint = false} : vector<33x32xf32>, vector<32x128xf32>, vector<33x128xf32> -> vector<33x128xf32>
      %slice3A_1568 = vector.extract_strided_slice %dot_general3A_1567 {offsets = [0, 0], sizes = [3, 128], strides = [1, 1]} : vector<33x128xf32> to vector<3x128xf32>
      %get3A_1569 = arith.constant 0 : index
      %get3A_1570 = arith.constant 4 : index
      %get3A_1571 = arith.constant 0 : index
      %get3A_1572 = arith.constant 64 : index
      %get3A_1573 = vector.load %arg16[%get3A_1569, %get3A_1570, %get3A_1571, %get3A_1572] : memref<1x5x33x65xf32, #tpu.memory_space<vmem>>, vector<1x1x3x1xf32>
      %get3A_1574 = vector.shape_cast %get3A_1573 : vector<1x1x3x1xf32> to vector<3x1xf32>
      %add3A_1575 = vector.broadcast %get3A_1574 : vector<3x1xf32> to vector<3x128xf32>
      %add3A_1576 = arith.addf %slice3A_1568, %add3A_1575 : vector<3x128xf32>
      %logistic3A_1577 = arith.negf %add3A_1576 : vector<3x128xf32>
      %logistic3A_1578 = math.exp %logistic3A_1577 : vector<3x128xf32>
      %logistic3A_1579 = arith.constant 1.000000e+00 : f32
      %logistic3A_1580 = vector.broadcast %logistic3A_1579 : f32 to vector<3x128xf32>
      %logistic3A_1581 = arith.addf %logistic3A_1580, %logistic3A_1578 : vector<3x128xf32>
      %logistic3A_1582 = arith.divf %logistic3A_1580, %logistic3A_1581 : vector<3x128xf32>
      %get3A_1583 = arith.constant 0 : index
      %get3A_1584 = arith.constant 4 : index
      %get3A_1585 = arith.constant 0 : index
      %get3A_1586 = arith.constant 0 : index
      %get3A_1587 = vector.load %arg17[%get3A_1583, %get3A_1584, %get3A_1585, %get3A_1586] : memref<1x5x33x65xf32, #tpu.memory_space<vmem>>, vector<1x1x33x32xf32>
      %get3A_1588 = vector.shape_cast %get3A_1587 : vector<1x1x33x32xf32> to vector<33x32xf32>
      %dot_general3A_1589 = arith.constant dense<0.000000e+00> : vector<33x128xf32>
      %dot_general3A_1590 = tpu.matmul %get3A_1588, %max3A_1250, %dot_general3A_1589 {dimension_numbers = #tpu.dot_dimension_numbers<[1], [0], [0], [1], [0, 0, 1, 1], [], []>, transpose_lhs_hint = false} : vector<33x32xf32>, vector<32x128xf32>, vector<33x128xf32> -> vector<33x128xf32>
      %slice3A_1591 = vector.extract_strided_slice %dot_general3A_1590 {offsets = [0, 0], sizes = [3, 128], strides = [1, 1]} : vector<33x128xf32> to vector<3x128xf32>
      %get3A_1592 = arith.constant 0 : index
      %get3A_1593 = arith.constant 4 : index
      %get3A_1594 = arith.constant 0 : index
      %get3A_1595 = arith.constant 64 : index
      %get3A_1596 = vector.load %arg17[%get3A_1592, %get3A_1593, %get3A_1594, %get3A_1595] : memref<1x5x33x65xf32, #tpu.memory_space<vmem>>, vector<1x1x3x1xf32>
      %get3A_1597 = vector.shape_cast %get3A_1596 : vector<1x1x3x1xf32> to vector<3x1xf32>
      %add3A_1598 = vector.broadcast %get3A_1597 : vector<3x1xf32> to vector<3x128xf32>
      %add3A_1599 = arith.addf %slice3A_1591, %add3A_1598 : vector<3x128xf32>
      %logistic3A_1600 = arith.negf %add3A_1599 : vector<3x128xf32>
      %logistic3A_1601 = math.exp %logistic3A_1600 : vector<3x128xf32>
      %logistic3A_1602 = arith.constant 1.000000e+00 : f32
      %logistic3A_1603 = vector.broadcast %logistic3A_1602 : f32 to vector<3x128xf32>
      %logistic3A_1604 = arith.addf %logistic3A_1603, %logistic3A_1601 : vector<3x128xf32>
      %logistic3A_1605 = arith.divf %logistic3A_1603, %logistic3A_1604 : vector<3x128xf32>
      %get3A_1606 = arith.constant 0 : index
      %get3A_1607 = arith.constant 4 : index
      %get3A_1608 = arith.constant 0 : index
      %get3A_1609 = arith.constant 0 : index
      %get3A_1610 = vector.load %arg18[%get3A_1606, %get3A_1607, %get3A_1608, %get3A_1609] : memref<1x5x33x65xf32, #tpu.memory_space<vmem>>, vector<1x1x33x32xf32>
      %get3A_1611 = vector.shape_cast %get3A_1610 : vector<1x1x33x32xf32> to vector<33x32xf32>
      %dot_general3A_1612 = arith.constant dense<0.000000e+00> : vector<33x128xf32>
      %dot_general3A_1613 = tpu.matmul %get3A_1611, %max3A_1270, %dot_general3A_1612 {dimension_numbers = #tpu.dot_dimension_numbers<[1], [0], [0], [1], [0, 0, 1, 1], [], []>, transpose_lhs_hint = false} : vector<33x32xf32>, vector<32x128xf32>, vector<33x128xf32> -> vector<33x128xf32>
      %slice3A_1614 = vector.extract_strided_slice %dot_general3A_1613 {offsets = [0, 0], sizes = [3, 128], strides = [1, 1]} : vector<33x128xf32> to vector<3x128xf32>
      %get3A_1615 = arith.constant 0 : index
      %get3A_1616 = arith.constant 4 : index
      %get3A_1617 = arith.constant 0 : index
      %get3A_1618 = arith.constant 64 : index
      %get3A_1619 = vector.load %arg18[%get3A_1615, %get3A_1616, %get3A_1617, %get3A_1618] : memref<1x5x33x65xf32, #tpu.memory_space<vmem>>, vector<1x1x3x1xf32>
      %get3A_1620 = vector.shape_cast %get3A_1619 : vector<1x1x3x1xf32> to vector<3x1xf32>
      %add3A_1621 = vector.broadcast %get3A_1620 : vector<3x1xf32> to vector<3x128xf32>
      %add3A_1622 = arith.addf %slice3A_1614, %add3A_1621 : vector<3x128xf32>
      %logistic3A_1623 = arith.negf %add3A_1622 : vector<3x128xf32>
      %logistic3A_1624 = math.exp %logistic3A_1623 : vector<3x128xf32>
      %logistic3A_1625 = arith.constant 1.000000e+00 : f32
      %logistic3A_1626 = vector.broadcast %logistic3A_1625 : f32 to vector<3x128xf32>
      %logistic3A_1627 = arith.addf %logistic3A_1626, %logistic3A_1624 : vector<3x128xf32>
      %logistic3A_1628 = arith.divf %logistic3A_1626, %logistic3A_1627 : vector<3x128xf32>
      %get3A_1629 = arith.constant 0 : index
      %get3A_1630 = arith.constant 4 : index
      %get3A_1631 = arith.constant 0 : index
      %get3A_1632 = arith.constant 0 : index
      %get3A_1633 = vector.load %arg19[%get3A_1629, %get3A_1630, %get3A_1631, %get3A_1632] : memref<1x5x33x65xf32, #tpu.memory_space<vmem>>, vector<1x1x33x32xf32>
      %get3A_1634 = vector.shape_cast %get3A_1633 : vector<1x1x33x32xf32> to vector<33x32xf32>
      %dot_general3A_1635 = arith.constant dense<0.000000e+00> : vector<33x128xf32>
      %dot_general3A_1636 = tpu.matmul %get3A_1634, %max3A_1290, %dot_general3A_1635 {dimension_numbers = #tpu.dot_dimension_numbers<[1], [0], [0], [1], [0, 0, 1, 1], [], []>, transpose_lhs_hint = false} : vector<33x32xf32>, vector<32x128xf32>, vector<33x128xf32> -> vector<33x128xf32>
      %slice3A_1637 = vector.extract_strided_slice %dot_general3A_1636 {offsets = [0, 0], sizes = [3, 128], strides = [1, 1]} : vector<33x128xf32> to vector<3x128xf32>
      %get3A_1638 = arith.constant 0 : index
      %get3A_1639 = arith.constant 4 : index
      %get3A_1640 = arith.constant 0 : index
      %get3A_1641 = arith.constant 64 : index
      %get3A_1642 = vector.load %arg19[%get3A_1638, %get3A_1639, %get3A_1640, %get3A_1641] : memref<1x5x33x65xf32, #tpu.memory_space<vmem>>, vector<1x1x3x1xf32>
      %get3A_1643 = vector.shape_cast %get3A_1642 : vector<1x1x3x1xf32> to vector<3x1xf32>
      %add3A_1644 = vector.broadcast %get3A_1643 : vector<3x1xf32> to vector<3x128xf32>
      %add3A_1645 = arith.addf %slice3A_1637, %add3A_1644 : vector<3x128xf32>
      %logistic3A_1646 = arith.negf %add3A_1645 : vector<3x128xf32>
      %logistic3A_1647 = math.exp %logistic3A_1646 : vector<3x128xf32>
      %logistic3A_1648 = arith.constant 1.000000e+00 : f32
      %logistic3A_1649 = vector.broadcast %logistic3A_1648 : f32 to vector<3x128xf32>
      %logistic3A_1650 = arith.addf %logistic3A_1649, %logistic3A_1647 : vector<3x128xf32>
      %logistic3A_1651 = arith.divf %logistic3A_1649, %logistic3A_1650 : vector<3x128xf32>
      %get3A_1652 = arith.constant 0 : index
      %get3A_1653 = arith.constant 4 : index
      %get3A_1654 = arith.constant 0 : index
      %get3A_1655 = arith.constant 0 : index
      %get3A_1656 = vector.load %arg20[%get3A_1652, %get3A_1653, %get3A_1654, %get3A_1655] : memref<1x5x33x65xf32, #tpu.memory_space<vmem>>, vector<1x1x33x32xf32>
      %get3A_1657 = vector.shape_cast %get3A_1656 : vector<1x1x33x32xf32> to vector<33x32xf32>
      %dot_general3A_1658 = arith.constant dense<0.000000e+00> : vector<33x128xf32>
      %dot_general3A_1659 = tpu.matmul %get3A_1657, %max3A_1310, %dot_general3A_1658 {dimension_numbers = #tpu.dot_dimension_numbers<[1], [0], [0], [1], [0, 0, 1, 1], [], []>, transpose_lhs_hint = false} : vector<33x32xf32>, vector<32x128xf32>, vector<33x128xf32> -> vector<33x128xf32>
      %slice3A_1660 = vector.extract_strided_slice %dot_general3A_1659 {offsets = [0, 0], sizes = [3, 128], strides = [1, 1]} : vector<33x128xf32> to vector<3x128xf32>
      %get3A_1661 = arith.constant 0 : index
      %get3A_1662 = arith.constant 4 : index
      %get3A_1663 = arith.constant 0 : index
      %get3A_1664 = arith.constant 64 : index
      %get3A_1665 = vector.load %arg20[%get3A_1661, %get3A_1662, %get3A_1663, %get3A_1664] : memref<1x5x33x65xf32, #tpu.memory_space<vmem>>, vector<1x1x3x1xf32>
      %get3A_1666 = vector.shape_cast %get3A_1665 : vector<1x1x3x1xf32> to vector<3x1xf32>
      %add3A_1667 = vector.broadcast %get3A_1666 : vector<3x1xf32> to vector<3x128xf32>
      %add3A_1668 = arith.addf %slice3A_1660, %add3A_1667 : vector<3x128xf32>
      %logistic3A_1669 = arith.negf %add3A_1668 : vector<3x128xf32>
      %logistic3A_1670 = math.exp %logistic3A_1669 : vector<3x128xf32>
      %logistic3A_1671 = arith.constant 1.000000e+00 : f32
      %logistic3A_1672 = vector.broadcast %logistic3A_1671 : f32 to vector<3x128xf32>
      %logistic3A_1673 = arith.addf %logistic3A_1672, %logistic3A_1670 : vector<3x128xf32>
      %logistic3A_1674 = arith.divf %logistic3A_1672, %logistic3A_1673 : vector<3x128xf32>
      %get3A_1675 = arith.constant 0 : index
      %get3A_1676 = arith.constant 4 : index
      %get3A_1677 = arith.constant 0 : index
      %get3A_1678 = arith.constant 0 : index
      %get3A_1679 = vector.load %arg21[%get3A_1675, %get3A_1676, %get3A_1677, %get3A_1678] : memref<1x5x33x65xf32, #tpu.memory_space<vmem>>, vector<1x1x33x32xf32>
      %get3A_1680 = vector.shape_cast %get3A_1679 : vector<1x1x33x32xf32> to vector<33x32xf32>
      %dot_general3A_1681 = arith.constant dense<0.000000e+00> : vector<33x128xf32>
      %dot_general3A_1682 = tpu.matmul %get3A_1680, %max3A_1330, %dot_general3A_1681 {dimension_numbers = #tpu.dot_dimension_numbers<[1], [0], [0], [1], [0, 0, 1, 1], [], []>, transpose_lhs_hint = false} : vector<33x32xf32>, vector<32x128xf32>, vector<33x128xf32> -> vector<33x128xf32>
      %slice3A_1683 = vector.extract_strided_slice %dot_general3A_1682 {offsets = [0, 0], sizes = [3, 128], strides = [1, 1]} : vector<33x128xf32> to vector<3x128xf32>
      %get3A_1684 = arith.constant 0 : index
      %get3A_1685 = arith.constant 4 : index
      %get3A_1686 = arith.constant 0 : index
      %get3A_1687 = arith.constant 64 : index
      %get3A_1688 = vector.load %arg21[%get3A_1684, %get3A_1685, %get3A_1686, %get3A_1687] : memref<1x5x33x65xf32, #tpu.memory_space<vmem>>, vector<1x1x3x1xf32>
      %get3A_1689 = vector.shape_cast %get3A_1688 : vector<1x1x3x1xf32> to vector<3x1xf32>
      %add3A_1690 = vector.broadcast %get3A_1689 : vector<3x1xf32> to vector<3x128xf32>
      %add3A_1691 = arith.addf %slice3A_1683, %add3A_1690 : vector<3x128xf32>
      %logistic3A_1692 = arith.negf %add3A_1691 : vector<3x128xf32>
      %logistic3A_1693 = math.exp %logistic3A_1692 : vector<3x128xf32>
      %logistic3A_1694 = arith.constant 1.000000e+00 : f32
      %logistic3A_1695 = vector.broadcast %logistic3A_1694 : f32 to vector<3x128xf32>
      %logistic3A_1696 = arith.addf %logistic3A_1695, %logistic3A_1693 : vector<3x128xf32>
      %logistic3A_1697 = arith.divf %logistic3A_1695, %logistic3A_1696 : vector<3x128xf32>
      %get3A_1698 = arith.constant 0 : index
      %get3A_1699 = arith.constant 0 : index
      %get3A_1700 = vector.load %arg22[%get3A_1698, %get3A_1699] : memref<4x128xf32, #tpu.memory_space<vmem>>, vector<4x128xf32>
      %concatenate3A_1701 = tpu.concatenate %logistic3A_1352, %slice3A_691 in 0 : vector<3x128xf32>, vector<1x128xf32> -> vector<4x128xf32>
      %jit3A = arith.constant 0.000000e+00 : f32
      %broadcast_in_dim3A = vector.shape_cast %and3A_69 : vector<1x128xi1> to vector<1x128xi1>
      %broadcast_in_dim3A_1702 = vector.broadcast %broadcast_in_dim3A : vector<1x128xi1> to vector<4x128xi1>
      %broadcast_in_dim3A_1703 = vector.broadcast %jit3A : f32 to vector<4x128xf32>
      %select_n3A = arith.select %broadcast_in_dim3A_1702, %concatenate3A_1701, %broadcast_in_dim3A_1703 : vector<4x128xi1>, vector<4x128xf32>
      %mul3A_1704 = arith.constant 16 : i32
      %mul3A_1705 = arith.muli %arg0, %mul3A_1704 : i32
      %add3A_1706 = arith.constant 0 : i32
      %add3A_1707 = arith.addi %mul3A_1705, %add3A_1706 : i32
      %get3A_1708 = arith.index_cast %add3A_1707 : i32 to index
      %get3A_1709 = memref.load %arg3[%get3A_1708] : memref<8192xi32, #tpu.memory_space<smem>>
      %mul3A_1710 = arith.constant 16 : i32
      %mul3A_1711 = arith.muli %arg0, %mul3A_1710 : i32
      %add3A_1712 = arith.constant 0 : i32
      %add3A_1713 = arith.addi %mul3A_1711, %add3A_1712 : i32
      %get3A_1714 = arith.index_cast %add3A_1713 : i32 to index
      %get3A_1715 = memref.load %arg4[%get3A_1714] : memref<8192xi32, #tpu.memory_space<smem>>
      %ge3A = vector.broadcast %get3A_1709 : i32 to vector<4x128xi32>
      %ge3A_1716 = arith.cmpi sge, %iota3A, %ge3A : vector<4x128xi32>
      %lt3A_1717 = vector.broadcast %get3A_1715 : i32 to vector<4x128xi32>
      %lt3A_1718 = arith.cmpi slt, %iota3A, %lt3A_1717 : vector<4x128xi32>
      %and3A_1719 = arith.andi %ge3A_1716, %lt3A_1718 : vector<4x128xi1>
      %select_n3A_1720 = arith.select %and3A_1719, %select_n3A, %get3A_1700 : vector<4x128xi1>, vector<4x128xf32>
      %concatenate3A_1721 = tpu.concatenate %logistic3A_1375, %slice3A_692 in 0 : vector<3x128xf32>, vector<1x128xf32> -> vector<4x128xf32>
      %jit3A_1722 = arith.constant 0.000000e+00 : f32
      %broadcast_in_dim3A_1723 = vector.shape_cast %and3A_69 : vector<1x128xi1> to vector<1x128xi1>
      %broadcast_in_dim3A_1724 = vector.broadcast %broadcast_in_dim3A_1723 : vector<1x128xi1> to vector<4x128xi1>
      %broadcast_in_dim3A_1725 = vector.broadcast %jit3A_1722 : f32 to vector<4x128xf32>
      %select_n3A_1726 = arith.select %broadcast_in_dim3A_1724, %concatenate3A_1721, %broadcast_in_dim3A_1725 : vector<4x128xi1>, vector<4x128xf32>
      %mul3A_1727 = arith.constant 16 : i32
      %mul3A_1728 = arith.muli %arg0, %mul3A_1727 : i32
      %add3A_1729 = arith.constant 1 : i32
      %add3A_1730 = arith.addi %mul3A_1728, %add3A_1729 : i32
      %get3A_1731 = arith.index_cast %add3A_1730 : i32 to index
      %get3A_1732 = memref.load %arg3[%get3A_1731] : memref<8192xi32, #tpu.memory_space<smem>>
      %mul3A_1733 = arith.constant 16 : i32
      %mul3A_1734 = arith.muli %arg0, %mul3A_1733 : i32
      %add3A_1735 = arith.constant 1 : i32
      %add3A_1736 = arith.addi %mul3A_1734, %add3A_1735 : i32
      %get3A_1737 = arith.index_cast %add3A_1736 : i32 to index
      %get3A_1738 = memref.load %arg4[%get3A_1737] : memref<8192xi32, #tpu.memory_space<smem>>
      %ge3A_1739 = vector.broadcast %get3A_1732 : i32 to vector<4x128xi32>
      %ge3A_1740 = arith.cmpi sge, %iota3A, %ge3A_1739 : vector<4x128xi32>
      %lt3A_1741 = vector.broadcast %get3A_1738 : i32 to vector<4x128xi32>
      %lt3A_1742 = arith.cmpi slt, %iota3A, %lt3A_1741 : vector<4x128xi32>
      %and3A_1743 = arith.andi %ge3A_1740, %lt3A_1742 : vector<4x128xi1>
      %select_n3A_1744 = arith.select %and3A_1743, %select_n3A_1726, %select_n3A_1720 : vector<4x128xi1>, vector<4x128xf32>
      %concatenate3A_1745 = tpu.concatenate %logistic3A_1398, %slice3A_693 in 0 : vector<3x128xf32>, vector<1x128xf32> -> vector<4x128xf32>
      %jit3A_1746 = arith.constant 0.000000e+00 : f32
      %broadcast_in_dim3A_1747 = vector.shape_cast %and3A_69 : vector<1x128xi1> to vector<1x128xi1>
      %broadcast_in_dim3A_1748 = vector.broadcast %broadcast_in_dim3A_1747 : vector<1x128xi1> to vector<4x128xi1>
      %broadcast_in_dim3A_1749 = vector.broadcast %jit3A_1746 : f32 to vector<4x128xf32>
      %select_n3A_1750 = arith.select %broadcast_in_dim3A_1748, %concatenate3A_1745, %broadcast_in_dim3A_1749 : vector<4x128xi1>, vector<4x128xf32>
      %mul3A_1751 = arith.constant 16 : i32
      %mul3A_1752 = arith.muli %arg0, %mul3A_1751 : i32
      %add3A_1753 = arith.constant 2 : i32
      %add3A_1754 = arith.addi %mul3A_1752, %add3A_1753 : i32
      %get3A_1755 = arith.index_cast %add3A_1754 : i32 to index
      %get3A_1756 = memref.load %arg3[%get3A_1755] : memref<8192xi32, #tpu.memory_space<smem>>
      %mul3A_1757 = arith.constant 16 : i32
      %mul3A_1758 = arith.muli %arg0, %mul3A_1757 : i32
      %add3A_1759 = arith.constant 2 : i32
      %add3A_1760 = arith.addi %mul3A_1758, %add3A_1759 : i32
      %get3A_1761 = arith.index_cast %add3A_1760 : i32 to index
      %get3A_1762 = memref.load %arg4[%get3A_1761] : memref<8192xi32, #tpu.memory_space<smem>>
      %ge3A_1763 = vector.broadcast %get3A_1756 : i32 to vector<4x128xi32>
      %ge3A_1764 = arith.cmpi sge, %iota3A, %ge3A_1763 : vector<4x128xi32>
      %lt3A_1765 = vector.broadcast %get3A_1762 : i32 to vector<4x128xi32>
      %lt3A_1766 = arith.cmpi slt, %iota3A, %lt3A_1765 : vector<4x128xi32>
      %and3A_1767 = arith.andi %ge3A_1764, %lt3A_1766 : vector<4x128xi1>
      %select_n3A_1768 = arith.select %and3A_1767, %select_n3A_1750, %select_n3A_1744 : vector<4x128xi1>, vector<4x128xf32>
      %concatenate3A_1769 = tpu.concatenate %logistic3A_1421, %slice3A_694 in 0 : vector<3x128xf32>, vector<1x128xf32> -> vector<4x128xf32>
      %jit3A_1770 = arith.constant 0.000000e+00 : f32
      %broadcast_in_dim3A_1771 = vector.shape_cast %and3A_69 : vector<1x128xi1> to vector<1x128xi1>
      %broadcast_in_dim3A_1772 = vector.broadcast %broadcast_in_dim3A_1771 : vector<1x128xi1> to vector<4x128xi1>
      %broadcast_in_dim3A_1773 = vector.broadcast %jit3A_1770 : f32 to vector<4x128xf32>
      %select_n3A_1774 = arith.select %broadcast_in_dim3A_1772, %concatenate3A_1769, %broadcast_in_dim3A_1773 : vector<4x128xi1>, vector<4x128xf32>
      %mul3A_1775 = arith.constant 16 : i32
      %mul3A_1776 = arith.muli %arg0, %mul3A_1775 : i32
      %add3A_1777 = arith.constant 3 : i32
      %add3A_1778 = arith.addi %mul3A_1776, %add3A_1777 : i32
      %get3A_1779 = arith.index_cast %add3A_1778 : i32 to index
      %get3A_1780 = memref.load %arg3[%get3A_1779] : memref<8192xi32, #tpu.memory_space<smem>>
      %mul3A_1781 = arith.constant 16 : i32
      %mul3A_1782 = arith.muli %arg0, %mul3A_1781 : i32
      %add3A_1783 = arith.constant 3 : i32
      %add3A_1784 = arith.addi %mul3A_1782, %add3A_1783 : i32
      %get3A_1785 = arith.index_cast %add3A_1784 : i32 to index
      %get3A_1786 = memref.load %arg4[%get3A_1785] : memref<8192xi32, #tpu.memory_space<smem>>
      %ge3A_1787 = vector.broadcast %get3A_1780 : i32 to vector<4x128xi32>
      %ge3A_1788 = arith.cmpi sge, %iota3A, %ge3A_1787 : vector<4x128xi32>
      %lt3A_1789 = vector.broadcast %get3A_1786 : i32 to vector<4x128xi32>
      %lt3A_1790 = arith.cmpi slt, %iota3A, %lt3A_1789 : vector<4x128xi32>
      %and3A_1791 = arith.andi %ge3A_1788, %lt3A_1790 : vector<4x128xi1>
      %select_n3A_1792 = arith.select %and3A_1791, %select_n3A_1774, %select_n3A_1768 : vector<4x128xi1>, vector<4x128xf32>
      %concatenate3A_1793 = tpu.concatenate %logistic3A_1444, %slice3A_695 in 0 : vector<3x128xf32>, vector<1x128xf32> -> vector<4x128xf32>
      %jit3A_1794 = arith.constant 0.000000e+00 : f32
      %broadcast_in_dim3A_1795 = vector.shape_cast %and3A_69 : vector<1x128xi1> to vector<1x128xi1>
      %broadcast_in_dim3A_1796 = vector.broadcast %broadcast_in_dim3A_1795 : vector<1x128xi1> to vector<4x128xi1>
      %broadcast_in_dim3A_1797 = vector.broadcast %jit3A_1794 : f32 to vector<4x128xf32>
      %select_n3A_1798 = arith.select %broadcast_in_dim3A_1796, %concatenate3A_1793, %broadcast_in_dim3A_1797 : vector<4x128xi1>, vector<4x128xf32>
      %mul3A_1799 = arith.constant 16 : i32
      %mul3A_1800 = arith.muli %arg0, %mul3A_1799 : i32
      %add3A_1801 = arith.constant 4 : i32
      %add3A_1802 = arith.addi %mul3A_1800, %add3A_1801 : i32
      %get3A_1803 = arith.index_cast %add3A_1802 : i32 to index
      %get3A_1804 = memref.load %arg3[%get3A_1803] : memref<8192xi32, #tpu.memory_space<smem>>
      %mul3A_1805 = arith.constant 16 : i32
      %mul3A_1806 = arith.muli %arg0, %mul3A_1805 : i32
      %add3A_1807 = arith.constant 4 : i32
      %add3A_1808 = arith.addi %mul3A_1806, %add3A_1807 : i32
      %get3A_1809 = arith.index_cast %add3A_1808 : i32 to index
      %get3A_1810 = memref.load %arg4[%get3A_1809] : memref<8192xi32, #tpu.memory_space<smem>>
      %ge3A_1811 = vector.broadcast %get3A_1804 : i32 to vector<4x128xi32>
      %ge3A_1812 = arith.cmpi sge, %iota3A, %ge3A_1811 : vector<4x128xi32>
      %lt3A_1813 = vector.broadcast %get3A_1810 : i32 to vector<4x128xi32>
      %lt3A_1814 = arith.cmpi slt, %iota3A, %lt3A_1813 : vector<4x128xi32>
      %and3A_1815 = arith.andi %ge3A_1812, %lt3A_1814 : vector<4x128xi1>
      %select_n3A_1816 = arith.select %and3A_1815, %select_n3A_1798, %select_n3A_1792 : vector<4x128xi1>, vector<4x128xf32>
      %concatenate3A_1817 = tpu.concatenate %logistic3A_1467, %slice3A_696 in 0 : vector<3x128xf32>, vector<1x128xf32> -> vector<4x128xf32>
      %jit3A_1818 = arith.constant 0.000000e+00 : f32
      %broadcast_in_dim3A_1819 = vector.shape_cast %and3A_69 : vector<1x128xi1> to vector<1x128xi1>
      %broadcast_in_dim3A_1820 = vector.broadcast %broadcast_in_dim3A_1819 : vector<1x128xi1> to vector<4x128xi1>
      %broadcast_in_dim3A_1821 = vector.broadcast %jit3A_1818 : f32 to vector<4x128xf32>
      %select_n3A_1822 = arith.select %broadcast_in_dim3A_1820, %concatenate3A_1817, %broadcast_in_dim3A_1821 : vector<4x128xi1>, vector<4x128xf32>
      %mul3A_1823 = arith.constant 16 : i32
      %mul3A_1824 = arith.muli %arg0, %mul3A_1823 : i32
      %add3A_1825 = arith.constant 5 : i32
      %add3A_1826 = arith.addi %mul3A_1824, %add3A_1825 : i32
      %get3A_1827 = arith.index_cast %add3A_1826 : i32 to index
      %get3A_1828 = memref.load %arg3[%get3A_1827] : memref<8192xi32, #tpu.memory_space<smem>>
      %mul3A_1829 = arith.constant 16 : i32
      %mul3A_1830 = arith.muli %arg0, %mul3A_1829 : i32
      %add3A_1831 = arith.constant 5 : i32
      %add3A_1832 = arith.addi %mul3A_1830, %add3A_1831 : i32
      %get3A_1833 = arith.index_cast %add3A_1832 : i32 to index
      %get3A_1834 = memref.load %arg4[%get3A_1833] : memref<8192xi32, #tpu.memory_space<smem>>
      %ge3A_1835 = vector.broadcast %get3A_1828 : i32 to vector<4x128xi32>
      %ge3A_1836 = arith.cmpi sge, %iota3A, %ge3A_1835 : vector<4x128xi32>
      %lt3A_1837 = vector.broadcast %get3A_1834 : i32 to vector<4x128xi32>
      %lt3A_1838 = arith.cmpi slt, %iota3A, %lt3A_1837 : vector<4x128xi32>
      %and3A_1839 = arith.andi %ge3A_1836, %lt3A_1838 : vector<4x128xi1>
      %select_n3A_1840 = arith.select %and3A_1839, %select_n3A_1822, %select_n3A_1816 : vector<4x128xi1>, vector<4x128xf32>
      %concatenate3A_1841 = tpu.concatenate %logistic3A_1490, %slice3A_697 in 0 : vector<3x128xf32>, vector<1x128xf32> -> vector<4x128xf32>
      %jit3A_1842 = arith.constant 0.000000e+00 : f32
      %broadcast_in_dim3A_1843 = vector.shape_cast %and3A_69 : vector<1x128xi1> to vector<1x128xi1>
      %broadcast_in_dim3A_1844 = vector.broadcast %broadcast_in_dim3A_1843 : vector<1x128xi1> to vector<4x128xi1>
      %broadcast_in_dim3A_1845 = vector.broadcast %jit3A_1842 : f32 to vector<4x128xf32>
      %select_n3A_1846 = arith.select %broadcast_in_dim3A_1844, %concatenate3A_1841, %broadcast_in_dim3A_1845 : vector<4x128xi1>, vector<4x128xf32>
      %mul3A_1847 = arith.constant 16 : i32
      %mul3A_1848 = arith.muli %arg0, %mul3A_1847 : i32
      %add3A_1849 = arith.constant 6 : i32
      %add3A_1850 = arith.addi %mul3A_1848, %add3A_1849 : i32
      %get3A_1851 = arith.index_cast %add3A_1850 : i32 to index
      %get3A_1852 = memref.load %arg3[%get3A_1851] : memref<8192xi32, #tpu.memory_space<smem>>
      %mul3A_1853 = arith.constant 16 : i32
      %mul3A_1854 = arith.muli %arg0, %mul3A_1853 : i32
      %add3A_1855 = arith.constant 6 : i32
      %add3A_1856 = arith.addi %mul3A_1854, %add3A_1855 : i32
      %get3A_1857 = arith.index_cast %add3A_1856 : i32 to index
      %get3A_1858 = memref.load %arg4[%get3A_1857] : memref<8192xi32, #tpu.memory_space<smem>>
      %ge3A_1859 = vector.broadcast %get3A_1852 : i32 to vector<4x128xi32>
      %ge3A_1860 = arith.cmpi sge, %iota3A, %ge3A_1859 : vector<4x128xi32>
      %lt3A_1861 = vector.broadcast %get3A_1858 : i32 to vector<4x128xi32>
      %lt3A_1862 = arith.cmpi slt, %iota3A, %lt3A_1861 : vector<4x128xi32>
      %and3A_1863 = arith.andi %ge3A_1860, %lt3A_1862 : vector<4x128xi1>
      %select_n3A_1864 = arith.select %and3A_1863, %select_n3A_1846, %select_n3A_1840 : vector<4x128xi1>, vector<4x128xf32>
      %concatenate3A_1865 = tpu.concatenate %logistic3A_1513, %slice3A_698 in 0 : vector<3x128xf32>, vector<1x128xf32> -> vector<4x128xf32>
      %jit3A_1866 = arith.constant 0.000000e+00 : f32
      %broadcast_in_dim3A_1867 = vector.shape_cast %and3A_69 : vector<1x128xi1> to vector<1x128xi1>
      %broadcast_in_dim3A_1868 = vector.broadcast %broadcast_in_dim3A_1867 : vector<1x128xi1> to vector<4x128xi1>
      %broadcast_in_dim3A_1869 = vector.broadcast %jit3A_1866 : f32 to vector<4x128xf32>
      %select_n3A_1870 = arith.select %broadcast_in_dim3A_1868, %concatenate3A_1865, %broadcast_in_dim3A_1869 : vector<4x128xi1>, vector<4x128xf32>
      %mul3A_1871 = arith.constant 16 : i32
      %mul3A_1872 = arith.muli %arg0, %mul3A_1871 : i32
      %add3A_1873 = arith.constant 7 : i32
      %add3A_1874 = arith.addi %mul3A_1872, %add3A_1873 : i32
      %get3A_1875 = arith.index_cast %add3A_1874 : i32 to index
      %get3A_1876 = memref.load %arg3[%get3A_1875] : memref<8192xi32, #tpu.memory_space<smem>>
      %mul3A_1877 = arith.constant 16 : i32
      %mul3A_1878 = arith.muli %arg0, %mul3A_1877 : i32
      %add3A_1879 = arith.constant 7 : i32
      %add3A_1880 = arith.addi %mul3A_1878, %add3A_1879 : i32
      %get3A_1881 = arith.index_cast %add3A_1880 : i32 to index
      %get3A_1882 = memref.load %arg4[%get3A_1881] : memref<8192xi32, #tpu.memory_space<smem>>
      %ge3A_1883 = vector.broadcast %get3A_1876 : i32 to vector<4x128xi32>
      %ge3A_1884 = arith.cmpi sge, %iota3A, %ge3A_1883 : vector<4x128xi32>
      %lt3A_1885 = vector.broadcast %get3A_1882 : i32 to vector<4x128xi32>
      %lt3A_1886 = arith.cmpi slt, %iota3A, %lt3A_1885 : vector<4x128xi32>
      %and3A_1887 = arith.andi %ge3A_1884, %lt3A_1886 : vector<4x128xi1>
      %select_n3A_1888 = arith.select %and3A_1887, %select_n3A_1870, %select_n3A_1864 : vector<4x128xi1>, vector<4x128xf32>
      %concatenate3A_1889 = tpu.concatenate %logistic3A_1536, %slice3A_699 in 0 : vector<3x128xf32>, vector<1x128xf32> -> vector<4x128xf32>
      %jit3A_1890 = arith.constant 0.000000e+00 : f32
      %broadcast_in_dim3A_1891 = vector.shape_cast %and3A_69 : vector<1x128xi1> to vector<1x128xi1>
      %broadcast_in_dim3A_1892 = vector.broadcast %broadcast_in_dim3A_1891 : vector<1x128xi1> to vector<4x128xi1>
      %broadcast_in_dim3A_1893 = vector.broadcast %jit3A_1890 : f32 to vector<4x128xf32>
      %select_n3A_1894 = arith.select %broadcast_in_dim3A_1892, %concatenate3A_1889, %broadcast_in_dim3A_1893 : vector<4x128xi1>, vector<4x128xf32>
      %mul3A_1895 = arith.constant 16 : i32
      %mul3A_1896 = arith.muli %arg0, %mul3A_1895 : i32
      %add3A_1897 = arith.constant 8 : i32
      %add3A_1898 = arith.addi %mul3A_1896, %add3A_1897 : i32
      %get3A_1899 = arith.index_cast %add3A_1898 : i32 to index
      %get3A_1900 = memref.load %arg3[%get3A_1899] : memref<8192xi32, #tpu.memory_space<smem>>
      %mul3A_1901 = arith.constant 16 : i32
      %mul3A_1902 = arith.muli %arg0, %mul3A_1901 : i32
      %add3A_1903 = arith.constant 8 : i32
      %add3A_1904 = arith.addi %mul3A_1902, %add3A_1903 : i32
      %get3A_1905 = arith.index_cast %add3A_1904 : i32 to index
      %get3A_1906 = memref.load %arg4[%get3A_1905] : memref<8192xi32, #tpu.memory_space<smem>>
      %ge3A_1907 = vector.broadcast %get3A_1900 : i32 to vector<4x128xi32>
      %ge3A_1908 = arith.cmpi sge, %iota3A, %ge3A_1907 : vector<4x128xi32>
      %lt3A_1909 = vector.broadcast %get3A_1906 : i32 to vector<4x128xi32>
      %lt3A_1910 = arith.cmpi slt, %iota3A, %lt3A_1909 : vector<4x128xi32>
      %and3A_1911 = arith.andi %ge3A_1908, %lt3A_1910 : vector<4x128xi1>
      %select_n3A_1912 = arith.select %and3A_1911, %select_n3A_1894, %select_n3A_1888 : vector<4x128xi1>, vector<4x128xf32>
      %concatenate3A_1913 = tpu.concatenate %logistic3A_1559, %slice3A_700 in 0 : vector<3x128xf32>, vector<1x128xf32> -> vector<4x128xf32>
      %jit3A_1914 = arith.constant 0.000000e+00 : f32
      %broadcast_in_dim3A_1915 = vector.shape_cast %and3A_69 : vector<1x128xi1> to vector<1x128xi1>
      %broadcast_in_dim3A_1916 = vector.broadcast %broadcast_in_dim3A_1915 : vector<1x128xi1> to vector<4x128xi1>
      %broadcast_in_dim3A_1917 = vector.broadcast %jit3A_1914 : f32 to vector<4x128xf32>
      %select_n3A_1918 = arith.select %broadcast_in_dim3A_1916, %concatenate3A_1913, %broadcast_in_dim3A_1917 : vector<4x128xi1>, vector<4x128xf32>
      %mul3A_1919 = arith.constant 16 : i32
      %mul3A_1920 = arith.muli %arg0, %mul3A_1919 : i32
      %add3A_1921 = arith.constant 9 : i32
      %add3A_1922 = arith.addi %mul3A_1920, %add3A_1921 : i32
      %get3A_1923 = arith.index_cast %add3A_1922 : i32 to index
      %get3A_1924 = memref.load %arg3[%get3A_1923] : memref<8192xi32, #tpu.memory_space<smem>>
      %mul3A_1925 = arith.constant 16 : i32
      %mul3A_1926 = arith.muli %arg0, %mul3A_1925 : i32
      %add3A_1927 = arith.constant 9 : i32
      %add3A_1928 = arith.addi %mul3A_1926, %add3A_1927 : i32
      %get3A_1929 = arith.index_cast %add3A_1928 : i32 to index
      %get3A_1930 = memref.load %arg4[%get3A_1929] : memref<8192xi32, #tpu.memory_space<smem>>
      %ge3A_1931 = vector.broadcast %get3A_1924 : i32 to vector<4x128xi32>
      %ge3A_1932 = arith.cmpi sge, %iota3A, %ge3A_1931 : vector<4x128xi32>
      %lt3A_1933 = vector.broadcast %get3A_1930 : i32 to vector<4x128xi32>
      %lt3A_1934 = arith.cmpi slt, %iota3A, %lt3A_1933 : vector<4x128xi32>
      %and3A_1935 = arith.andi %ge3A_1932, %lt3A_1934 : vector<4x128xi1>
      %select_n3A_1936 = arith.select %and3A_1935, %select_n3A_1918, %select_n3A_1912 : vector<4x128xi1>, vector<4x128xf32>
      %concatenate3A_1937 = tpu.concatenate %logistic3A_1582, %slice3A_701 in 0 : vector<3x128xf32>, vector<1x128xf32> -> vector<4x128xf32>
      %jit3A_1938 = arith.constant 0.000000e+00 : f32
      %broadcast_in_dim3A_1939 = vector.shape_cast %and3A_69 : vector<1x128xi1> to vector<1x128xi1>
      %broadcast_in_dim3A_1940 = vector.broadcast %broadcast_in_dim3A_1939 : vector<1x128xi1> to vector<4x128xi1>
      %broadcast_in_dim3A_1941 = vector.broadcast %jit3A_1938 : f32 to vector<4x128xf32>
      %select_n3A_1942 = arith.select %broadcast_in_dim3A_1940, %concatenate3A_1937, %broadcast_in_dim3A_1941 : vector<4x128xi1>, vector<4x128xf32>
      %mul3A_1943 = arith.constant 16 : i32
      %mul3A_1944 = arith.muli %arg0, %mul3A_1943 : i32
      %add3A_1945 = arith.constant 10 : i32
      %add3A_1946 = arith.addi %mul3A_1944, %add3A_1945 : i32
      %get3A_1947 = arith.index_cast %add3A_1946 : i32 to index
      %get3A_1948 = memref.load %arg3[%get3A_1947] : memref<8192xi32, #tpu.memory_space<smem>>
      %mul3A_1949 = arith.constant 16 : i32
      %mul3A_1950 = arith.muli %arg0, %mul3A_1949 : i32
      %add3A_1951 = arith.constant 10 : i32
      %add3A_1952 = arith.addi %mul3A_1950, %add3A_1951 : i32
      %get3A_1953 = arith.index_cast %add3A_1952 : i32 to index
      %get3A_1954 = memref.load %arg4[%get3A_1953] : memref<8192xi32, #tpu.memory_space<smem>>
      %ge3A_1955 = vector.broadcast %get3A_1948 : i32 to vector<4x128xi32>
      %ge3A_1956 = arith.cmpi sge, %iota3A, %ge3A_1955 : vector<4x128xi32>
      %lt3A_1957 = vector.broadcast %get3A_1954 : i32 to vector<4x128xi32>
      %lt3A_1958 = arith.cmpi slt, %iota3A, %lt3A_1957 : vector<4x128xi32>
      %and3A_1959 = arith.andi %ge3A_1956, %lt3A_1958 : vector<4x128xi1>
      %select_n3A_1960 = arith.select %and3A_1959, %select_n3A_1942, %select_n3A_1936 : vector<4x128xi1>, vector<4x128xf32>
      %concatenate3A_1961 = tpu.concatenate %logistic3A_1605, %slice3A_702 in 0 : vector<3x128xf32>, vector<1x128xf32> -> vector<4x128xf32>
      %jit3A_1962 = arith.constant 0.000000e+00 : f32
      %broadcast_in_dim3A_1963 = vector.shape_cast %and3A_69 : vector<1x128xi1> to vector<1x128xi1>
      %broadcast_in_dim3A_1964 = vector.broadcast %broadcast_in_dim3A_1963 : vector<1x128xi1> to vector<4x128xi1>
      %broadcast_in_dim3A_1965 = vector.broadcast %jit3A_1962 : f32 to vector<4x128xf32>
      %select_n3A_1966 = arith.select %broadcast_in_dim3A_1964, %concatenate3A_1961, %broadcast_in_dim3A_1965 : vector<4x128xi1>, vector<4x128xf32>
      %mul3A_1967 = arith.constant 16 : i32
      %mul3A_1968 = arith.muli %arg0, %mul3A_1967 : i32
      %add3A_1969 = arith.constant 11 : i32
      %add3A_1970 = arith.addi %mul3A_1968, %add3A_1969 : i32
      %get3A_1971 = arith.index_cast %add3A_1970 : i32 to index
      %get3A_1972 = memref.load %arg3[%get3A_1971] : memref<8192xi32, #tpu.memory_space<smem>>
      %mul3A_1973 = arith.constant 16 : i32
      %mul3A_1974 = arith.muli %arg0, %mul3A_1973 : i32
      %add3A_1975 = arith.constant 11 : i32
      %add3A_1976 = arith.addi %mul3A_1974, %add3A_1975 : i32
      %get3A_1977 = arith.index_cast %add3A_1976 : i32 to index
      %get3A_1978 = memref.load %arg4[%get3A_1977] : memref<8192xi32, #tpu.memory_space<smem>>
      %ge3A_1979 = vector.broadcast %get3A_1972 : i32 to vector<4x128xi32>
      %ge3A_1980 = arith.cmpi sge, %iota3A, %ge3A_1979 : vector<4x128xi32>
      %lt3A_1981 = vector.broadcast %get3A_1978 : i32 to vector<4x128xi32>
      %lt3A_1982 = arith.cmpi slt, %iota3A, %lt3A_1981 : vector<4x128xi32>
      %and3A_1983 = arith.andi %ge3A_1980, %lt3A_1982 : vector<4x128xi1>
      %select_n3A_1984 = arith.select %and3A_1983, %select_n3A_1966, %select_n3A_1960 : vector<4x128xi1>, vector<4x128xf32>
      %concatenate3A_1985 = tpu.concatenate %logistic3A_1628, %slice3A_703 in 0 : vector<3x128xf32>, vector<1x128xf32> -> vector<4x128xf32>
      %jit3A_1986 = arith.constant 0.000000e+00 : f32
      %broadcast_in_dim3A_1987 = vector.shape_cast %and3A_69 : vector<1x128xi1> to vector<1x128xi1>
      %broadcast_in_dim3A_1988 = vector.broadcast %broadcast_in_dim3A_1987 : vector<1x128xi1> to vector<4x128xi1>
      %broadcast_in_dim3A_1989 = vector.broadcast %jit3A_1986 : f32 to vector<4x128xf32>
      %select_n3A_1990 = arith.select %broadcast_in_dim3A_1988, %concatenate3A_1985, %broadcast_in_dim3A_1989 : vector<4x128xi1>, vector<4x128xf32>
      %mul3A_1991 = arith.constant 16 : i32
      %mul3A_1992 = arith.muli %arg0, %mul3A_1991 : i32
      %add3A_1993 = arith.constant 12 : i32
      %add3A_1994 = arith.addi %mul3A_1992, %add3A_1993 : i32
      %get3A_1995 = arith.index_cast %add3A_1994 : i32 to index
      %get3A_1996 = memref.load %arg3[%get3A_1995] : memref<8192xi32, #tpu.memory_space<smem>>
      %mul3A_1997 = arith.constant 16 : i32
      %mul3A_1998 = arith.muli %arg0, %mul3A_1997 : i32
      %add3A_1999 = arith.constant 12 : i32
      %add3A_2000 = arith.addi %mul3A_1998, %add3A_1999 : i32
      %get3A_2001 = arith.index_cast %add3A_2000 : i32 to index
      %get3A_2002 = memref.load %arg4[%get3A_2001] : memref<8192xi32, #tpu.memory_space<smem>>
      %ge3A_2003 = vector.broadcast %get3A_1996 : i32 to vector<4x128xi32>
      %ge3A_2004 = arith.cmpi sge, %iota3A, %ge3A_2003 : vector<4x128xi32>
      %lt3A_2005 = vector.broadcast %get3A_2002 : i32 to vector<4x128xi32>
      %lt3A_2006 = arith.cmpi slt, %iota3A, %lt3A_2005 : vector<4x128xi32>
      %and3A_2007 = arith.andi %ge3A_2004, %lt3A_2006 : vector<4x128xi1>
      %select_n3A_2008 = arith.select %and3A_2007, %select_n3A_1990, %select_n3A_1984 : vector<4x128xi1>, vector<4x128xf32>
      %concatenate3A_2009 = tpu.concatenate %logistic3A_1651, %slice3A_704 in 0 : vector<3x128xf32>, vector<1x128xf32> -> vector<4x128xf32>
      %jit3A_2010 = arith.constant 0.000000e+00 : f32
      %broadcast_in_dim3A_2011 = vector.shape_cast %and3A_69 : vector<1x128xi1> to vector<1x128xi1>
      %broadcast_in_dim3A_2012 = vector.broadcast %broadcast_in_dim3A_2011 : vector<1x128xi1> to vector<4x128xi1>
      %broadcast_in_dim3A_2013 = vector.broadcast %jit3A_2010 : f32 to vector<4x128xf32>
      %select_n3A_2014 = arith.select %broadcast_in_dim3A_2012, %concatenate3A_2009, %broadcast_in_dim3A_2013 : vector<4x128xi1>, vector<4x128xf32>
      %mul3A_2015 = arith.constant 16 : i32
      %mul3A_2016 = arith.muli %arg0, %mul3A_2015 : i32
      %add3A_2017 = arith.constant 13 : i32
      %add3A_2018 = arith.addi %mul3A_2016, %add3A_2017 : i32
      %get3A_2019 = arith.index_cast %add3A_2018 : i32 to index
      %get3A_2020 = memref.load %arg3[%get3A_2019] : memref<8192xi32, #tpu.memory_space<smem>>
      %mul3A_2021 = arith.constant 16 : i32
      %mul3A_2022 = arith.muli %arg0, %mul3A_2021 : i32
      %add3A_2023 = arith.constant 13 : i32
      %add3A_2024 = arith.addi %mul3A_2022, %add3A_2023 : i32
      %get3A_2025 = arith.index_cast %add3A_2024 : i32 to index
      %get3A_2026 = memref.load %arg4[%get3A_2025] : memref<8192xi32, #tpu.memory_space<smem>>
      %ge3A_2027 = vector.broadcast %get3A_2020 : i32 to vector<4x128xi32>
      %ge3A_2028 = arith.cmpi sge, %iota3A, %ge3A_2027 : vector<4x128xi32>
      %lt3A_2029 = vector.broadcast %get3A_2026 : i32 to vector<4x128xi32>
      %lt3A_2030 = arith.cmpi slt, %iota3A, %lt3A_2029 : vector<4x128xi32>
      %and3A_2031 = arith.andi %ge3A_2028, %lt3A_2030 : vector<4x128xi1>
      %select_n3A_2032 = arith.select %and3A_2031, %select_n3A_2014, %select_n3A_2008 : vector<4x128xi1>, vector<4x128xf32>
      %concatenate3A_2033 = tpu.concatenate %logistic3A_1674, %slice3A_705 in 0 : vector<3x128xf32>, vector<1x128xf32> -> vector<4x128xf32>
      %jit3A_2034 = arith.constant 0.000000e+00 : f32
      %broadcast_in_dim3A_2035 = vector.shape_cast %and3A_69 : vector<1x128xi1> to vector<1x128xi1>
      %broadcast_in_dim3A_2036 = vector.broadcast %broadcast_in_dim3A_2035 : vector<1x128xi1> to vector<4x128xi1>
      %broadcast_in_dim3A_2037 = vector.broadcast %jit3A_2034 : f32 to vector<4x128xf32>
      %select_n3A_2038 = arith.select %broadcast_in_dim3A_2036, %concatenate3A_2033, %broadcast_in_dim3A_2037 : vector<4x128xi1>, vector<4x128xf32>
      %mul3A_2039 = arith.constant 16 : i32
      %mul3A_2040 = arith.muli %arg0, %mul3A_2039 : i32
      %add3A_2041 = arith.constant 14 : i32
      %add3A_2042 = arith.addi %mul3A_2040, %add3A_2041 : i32
      %get3A_2043 = arith.index_cast %add3A_2042 : i32 to index
      %get3A_2044 = memref.load %arg3[%get3A_2043] : memref<8192xi32, #tpu.memory_space<smem>>
      %mul3A_2045 = arith.constant 16 : i32
      %mul3A_2046 = arith.muli %arg0, %mul3A_2045 : i32
      %add3A_2047 = arith.constant 14 : i32
      %add3A_2048 = arith.addi %mul3A_2046, %add3A_2047 : i32
      %get3A_2049 = arith.index_cast %add3A_2048 : i32 to index
      %get3A_2050 = memref.load %arg4[%get3A_2049] : memref<8192xi32, #tpu.memory_space<smem>>
      %ge3A_2051 = vector.broadcast %get3A_2044 : i32 to vector<4x128xi32>
      %ge3A_2052 = arith.cmpi sge, %iota3A, %ge3A_2051 : vector<4x128xi32>
      %lt3A_2053 = vector.broadcast %get3A_2050 : i32 to vector<4x128xi32>
      %lt3A_2054 = arith.cmpi slt, %iota3A, %lt3A_2053 : vector<4x128xi32>
      %and3A_2055 = arith.andi %ge3A_2052, %lt3A_2054 : vector<4x128xi1>
      %select_n3A_2056 = arith.select %and3A_2055, %select_n3A_2038, %select_n3A_2032 : vector<4x128xi1>, vector<4x128xf32>
      %concatenate3A_2057 = tpu.concatenate %logistic3A_1697, %slice3A_706 in 0 : vector<3x128xf32>, vector<1x128xf32> -> vector<4x128xf32>
      %jit3A_2058 = arith.constant 0.000000e+00 : f32
      %broadcast_in_dim3A_2059 = vector.shape_cast %and3A_69 : vector<1x128xi1> to vector<1x128xi1>
      %broadcast_in_dim3A_2060 = vector.broadcast %broadcast_in_dim3A_2059 : vector<1x128xi1> to vector<4x128xi1>
      %broadcast_in_dim3A_2061 = vector.broadcast %jit3A_2058 : f32 to vector<4x128xf32>
      %select_n3A_2062 = arith.select %broadcast_in_dim3A_2060, %concatenate3A_2057, %broadcast_in_dim3A_2061 : vector<4x128xi1>, vector<4x128xf32>
      %mul3A_2063 = arith.constant 16 : i32
      %mul3A_2064 = arith.muli %arg0, %mul3A_2063 : i32
      %add3A_2065 = arith.constant 15 : i32
      %add3A_2066 = arith.addi %mul3A_2064, %add3A_2065 : i32
      %get3A_2067 = arith.index_cast %add3A_2066 : i32 to index
      %get3A_2068 = memref.load %arg3[%get3A_2067] : memref<8192xi32, #tpu.memory_space<smem>>
      %mul3A_2069 = arith.constant 16 : i32
      %mul3A_2070 = arith.muli %arg0, %mul3A_2069 : i32
      %add3A_2071 = arith.constant 15 : i32
      %add3A_2072 = arith.addi %mul3A_2070, %add3A_2071 : i32
      %get3A_2073 = arith.index_cast %add3A_2072 : i32 to index
      %get3A_2074 = memref.load %arg4[%get3A_2073] : memref<8192xi32, #tpu.memory_space<smem>>
      %ge3A_2075 = vector.broadcast %get3A_2068 : i32 to vector<4x128xi32>
      %ge3A_2076 = arith.cmpi sge, %iota3A, %ge3A_2075 : vector<4x128xi32>
      %lt3A_2077 = vector.broadcast %get3A_2074 : i32 to vector<4x128xi32>
      %lt3A_2078 = arith.cmpi slt, %iota3A, %lt3A_2077 : vector<4x128xi32>
      %and3A_2079 = arith.andi %ge3A_2076, %lt3A_2078 : vector<4x128xi1>
      %select_n3A_2080 = arith.select %and3A_2079, %select_n3A_2062, %select_n3A_2056 : vector<4x128xi1>, vector<4x128xf32>
      %swap3A = arith.constant 0 : index
      %swap3A_2081 = arith.constant 0 : index
      %swap3A_2082 = vector.load %arg22[%swap3A, %swap3A_2081] : memref<4x128xf32, #tpu.memory_space<vmem>>, vector<4x128xf32>
      tpu.vector_store %arg22[%swap3A, %swap3A_2081], %select_n3A_2080 {strides = array<i32>} : memref<4x128xf32, #tpu.memory_space<vmem>>, vector<4x128xf32>,
    } else {
    }
    return
  }
  func.func @transform_0(%arg0: i32, %arg1: memref<512xi32, #tpu.memory_space<smem>>, %arg2: memref<8192xi32, #tpu.memory_space<smem>>, %arg3: memref<8192xi32, #tpu.memory_space<smem>>, %arg4: memref<8192xi32, #tpu.memory_space<smem>>) -> (i32, i32) {
    %get3A = arith.index_cast %arg0 : i32 to index
    %get3A_0 = memref.load %arg1[%get3A] : memref<512xi32, #tpu.memory_space<smem>>
    %c0_i32 = arith.constant 0 : i32
    %c0_i32_1 = arith.constant 0 : i32
    return %c0_i32, %get3A_0 : i32, i32
  }
  func.func @transform_1(%arg0: i32, %arg1: memref<512xi32, #tpu.memory_space<smem>>, %arg2: memref<8192xi32, #tpu.memory_space<smem>>, %arg3: memref<8192xi32, #tpu.memory_space<smem>>, %arg4: memref<8192xi32, #tpu.memory_space<smem>>) -> (i32, i32, i32, i32) {
    %mul3A = arith.constant 16 : i32
    %mul3A_0 = arith.muli %arg0, %mul3A : i32
    %add3A = arith.constant 0 : i32
    %add3A_1 = arith.addi %mul3A_0, %add3A : i32
    %get3A = arith.index_cast %add3A_1 : i32 to index
    %get3A_2 = memref.load %arg2[%get3A] : memref<8192xi32, #tpu.memory_space<smem>>
    %c0_i32 = arith.constant 0 : i32
    %c0_i32_3 = arith.constant 0 : i32
    %c0_i32_4 = arith.constant 0 : i32
    %c0_i32_5 = arith.constant 0 : i32
    return %get3A_2, %c0_i32, %c0_i32_3, %c0_i32_4 : i32, i32, i32, i32
  }
  func.func @transform_2(%arg0: i32, %arg1: memref<512xi32, #tpu.memory_space<smem>>, %arg2: memref<8192xi32, #tpu.memory_space<smem>>, %arg3: memref<8192xi32, #tpu.memory_space<smem>>, %arg4: memref<8192xi32, #tpu.memory_space<smem>>) -> (i32, i32, i32, i32) {
    %mul3A = arith.constant 16 : i32
    %mul3A_0 = arith.muli %arg0, %mul3A : i32
    %add3A = arith.constant 1 : i32
    %add3A_1 = arith.addi %mul3A_0, %add3A : i32
    %get3A = arith.index_cast %add3A_1 : i32 to index
    %get3A_2 = memref.load %arg2[%get3A] : memref<8192xi32, #tpu.memory_space<smem>>
    %c0_i32 = arith.constant 0 : i32
    %c0_i32_3 = arith.constant 0 : i32
    %c0_i32_4 = arith.constant 0 : i32
    %c0_i32_5 = arith.constant 0 : i32
    return %get3A_2, %c0_i32, %c0_i32_3, %c0_i32_4 : i32, i32, i32, i32
  }
  func.func @transform_3(%arg0: i32, %arg1: memref<512xi32, #tpu.memory_space<smem>>, %arg2: memref<8192xi32, #tpu.memory_space<smem>>, %arg3: memref<8192xi32, #tpu.memory_space<smem>>, %arg4: memref<8192xi32, #tpu.memory_space<smem>>) -> (i32, i32, i32, i32) {
    %mul3A = arith.constant 16 : i32
    %mul3A_0 = arith.muli %arg0, %mul3A : i32
    %add3A = arith.constant 2 : i32
    %add3A_1 = arith.addi %mul3A_0, %add3A : i32
    %get3A = arith.index_cast %add3A_1 : i32 to index
    %get3A_2 = memref.load %arg2[%get3A] : memref<8192xi32, #tpu.memory_space<smem>>
    %c0_i32 = arith.constant 0 : i32
    %c0_i32_3 = arith.constant 0 : i32
    %c0_i32_4 = arith.constant 0 : i32
    %c0_i32_5 = arith.constant 0 : i32
    return %get3A_2, %c0_i32, %c0_i32_3, %c0_i32_4 : i32, i32, i32, i32
  }
  func.func @transform_4(%arg0: i32, %arg1: memref<512xi32, #tpu.memory_space<smem>>, %arg2: memref<8192xi32, #tpu.memory_space<smem>>, %arg3: memref<8192xi32, #tpu.memory_space<smem>>, %arg4: memref<8192xi32, #tpu.memory_space<smem>>) -> (i32, i32, i32, i32) {
    %mul3A = arith.constant 16 : i32
    %mul3A_0 = arith.muli %arg0, %mul3A : i32
    %add3A = arith.constant 3 : i32
    %add3A_1 = arith.addi %mul3A_0, %add3A : i32
    %get3A = arith.index_cast %add3A_1 : i32 to index
    %get3A_2 = memref.load %arg2[%get3A] : memref<8192xi32, #tpu.memory_space<smem>>
    %c0_i32 = arith.constant 0 : i32
    %c0_i32_3 = arith.constant 0 : i32
    %c0_i32_4 = arith.constant 0 : i32
    %c0_i32_5 = arith.constant 0 : i32
    return %get3A_2, %c0_i32, %c0_i32_3, %c0_i32_4 : i32, i32, i32, i32
  }
  func.func @transform_5(%arg0: i32, %arg1: memref<512xi32, #tpu.memory_space<smem>>, %arg2: memref<8192xi32, #tpu.memory_space<smem>>, %arg3: memref<8192xi32, #tpu.memory_space<smem>>, %arg4: memref<8192xi32, #tpu.memory_space<smem>>) -> (i32, i32, i32, i32) {
    %mul3A = arith.constant 16 : i32
    %mul3A_0 = arith.muli %arg0, %mul3A : i32
    %add3A = arith.constant 4 : i32
    %add3A_1 = arith.addi %mul3A_0, %add3A : i32
    %get3A = arith.index_cast %add3A_1 : i32 to index
    %get3A_2 = memref.load %arg2[%get3A] : memref<8192xi32, #tpu.memory_space<smem>>
    %c0_i32 = arith.constant 0 : i32
    %c0_i32_3 = arith.constant 0 : i32
    %c0_i32_4 = arith.constant 0 : i32
    %c0_i32_5 = arith.constant 0 : i32
    return %get3A_2, %c0_i32, %c0_i32_3, %c0_i32_4 : i32, i32, i32, i32
  }
  func.func @transform_6(%arg0: i32, %arg1: memref<512xi32, #tpu.memory_space<smem>>, %arg2: memref<8192xi32, #tpu.memory_space<smem>>, %arg3: memref<8192xi32, #tpu.memory_space<smem>>, %arg4: memref<8192xi32, #tpu.memory_space<smem>>) -> (i32, i32, i32, i32) {
    %mul3A = arith.constant 16 : i32
    %mul3A_0 = arith.muli %arg0, %mul3A : i32
    %add3A = arith.constant 5 : i32
    %add3A_1 = arith.addi %mul3A_0, %add3A : i32
    %get3A = arith.index_cast %add3A_1 : i32 to index
    %get3A_2 = memref.load %arg2[%get3A] : memref<8192xi32, #tpu.memory_space<smem>>
    %c0_i32 = arith.constant 0 : i32
    %c0_i32_3 = arith.constant 0 : i32
    %c0_i32_4 = arith.constant 0 : i32
    %c0_i32_5 = arith.constant 0 : i32
    return %get3A_2, %c0_i32, %c0_i32_3, %c0_i32_4 : i32, i32, i32, i32
  }
  func.func @transform_7(%arg0: i32, %arg1: memref<512xi32, #tpu.memory_space<smem>>, %arg2: memref<8192xi32, #tpu.memory_space<smem>>, %arg3: memref<8192xi32, #tpu.memory_space<smem>>, %arg4: memref<8192xi32, #tpu.memory_space<smem>>) -> (i32, i32, i32, i32) {
    %mul3A = arith.constant 16 : i32
    %mul3A_0 = arith.muli %arg0, %mul3A : i32
    %add3A = arith.constant 6 : i32
    %add3A_1 = arith.addi %mul3A_0, %add3A : i32
    %get3A = arith.index_cast %add3A_1 : i32 to index
    %get3A_2 = memref.load %arg2[%get3A] : memref<8192xi32, #tpu.memory_space<smem>>
    %c0_i32 = arith.constant 0 : i32
    %c0_i32_3 = arith.constant 0 : i32
    %c0_i32_4 = arith.constant 0 : i32
    %c0_i32_5 = arith.constant 0 : i32
    return %get3A_2, %c0_i32, %c0_i32_3, %c0_i32_4 : i32, i32, i32, i32
  }
  func.func @transform_8(%arg0: i32, %arg1: memref<512xi32, #tpu.memory_space<smem>>, %arg2: memref<8192xi32, #tpu.memory_space<smem>>, %arg3: memref<8192xi32, #tpu.memory_space<smem>>, %arg4: memref<8192xi32, #tpu.memory_space<smem>>) -> (i32, i32, i32, i32) {
    %mul3A = arith.constant 16 : i32
    %mul3A_0 = arith.muli %arg0, %mul3A : i32
    %add3A = arith.constant 7 : i32
    %add3A_1 = arith.addi %mul3A_0, %add3A : i32
    %get3A = arith.index_cast %add3A_1 : i32 to index
    %get3A_2 = memref.load %arg2[%get3A] : memref<8192xi32, #tpu.memory_space<smem>>
    %c0_i32 = arith.constant 0 : i32
    %c0_i32_3 = arith.constant 0 : i32
    %c0_i32_4 = arith.constant 0 : i32
    %c0_i32_5 = arith.constant 0 : i32
    return %get3A_2, %c0_i32, %c0_i32_3, %c0_i32_4 : i32, i32, i32, i32
  }
  func.func @transform_9(%arg0: i32, %arg1: memref<512xi32, #tpu.memory_space<smem>>, %arg2: memref<8192xi32, #tpu.memory_space<smem>>, %arg3: memref<8192xi32, #tpu.memory_space<smem>>, %arg4: memref<8192xi32, #tpu.memory_space<smem>>) -> (i32, i32, i32, i32) {
    %mul3A = arith.constant 16 : i32
    %mul3A_0 = arith.muli %arg0, %mul3A : i32
    %add3A = arith.constant 8 : i32
    %add3A_1 = arith.addi %mul3A_0, %add3A : i32
    %get3A = arith.index_cast %add3A_1 : i32 to index
    %get3A_2 = memref.load %arg2[%get3A] : memref<8192xi32, #tpu.memory_space<smem>>
    %c0_i32 = arith.constant 0 : i32
    %c0_i32_3 = arith.constant 0 : i32
    %c0_i32_4 = arith.constant 0 : i32
    %c0_i32_5 = arith.constant 0 : i32
    return %get3A_2, %c0_i32, %c0_i32_3, %c0_i32_4 : i32, i32, i32, i32
  }
  func.func @transform_10(%arg0: i32, %arg1: memref<512xi32, #tpu.memory_space<smem>>, %arg2: memref<8192xi32, #tpu.memory_space<smem>>, %arg3: memref<8192xi32, #tpu.memory_space<smem>>, %arg4: memref<8192xi32, #tpu.memory_space<smem>>) -> (i32, i32, i32, i32) {
    %mul3A = arith.constant 16 : i32
    %mul3A_0 = arith.muli %arg0, %mul3A : i32
    %add3A = arith.constant 9 : i32
    %add3A_1 = arith.addi %mul3A_0, %add3A : i32
    %get3A = arith.index_cast %add3A_1 : i32 to index
    %get3A_2 = memref.load %arg2[%get3A] : memref<8192xi32, #tpu.memory_space<smem>>
    %c0_i32 = arith.constant 0 : i32
    %c0_i32_3 = arith.constant 0 : i32
    %c0_i32_4 = arith.constant 0 : i32
    %c0_i32_5 = arith.constant 0 : i32
    return %get3A_2, %c0_i32, %c0_i32_3, %c0_i32_4 : i32, i32, i32, i32
  }
  func.func @transform_11(%arg0: i32, %arg1: memref<512xi32, #tpu.memory_space<smem>>, %arg2: memref<8192xi32, #tpu.memory_space<smem>>, %arg3: memref<8192xi32, #tpu.memory_space<smem>>, %arg4: memref<8192xi32, #tpu.memory_space<smem>>) -> (i32, i32, i32, i32) {
    %mul3A = arith.constant 16 : i32
    %mul3A_0 = arith.muli %arg0, %mul3A : i32
    %add3A = arith.constant 10 : i32
    %add3A_1 = arith.addi %mul3A_0, %add3A : i32
    %get3A = arith.index_cast %add3A_1 : i32 to index
    %get3A_2 = memref.load %arg2[%get3A] : memref<8192xi32, #tpu.memory_space<smem>>
    %c0_i32 = arith.constant 0 : i32
    %c0_i32_3 = arith.constant 0 : i32
    %c0_i32_4 = arith.constant 0 : i32
    %c0_i32_5 = arith.constant 0 : i32
    return %get3A_2, %c0_i32, %c0_i32_3, %c0_i32_4 : i32, i32, i32, i32
  }
  func.func @transform_12(%arg0: i32, %arg1: memref<512xi32, #tpu.memory_space<smem>>, %arg2: memref<8192xi32, #tpu.memory_space<smem>>, %arg3: memref<8192xi32, #tpu.memory_space<smem>>, %arg4: memref<8192xi32, #tpu.memory_space<smem>>) -> (i32, i32, i32, i32) {
    %mul3A = arith.constant 16 : i32
    %mul3A_0 = arith.muli %arg0, %mul3A : i32
    %add3A = arith.constant 11 : i32
    %add3A_1 = arith.addi %mul3A_0, %add3A : i32
    %get3A = arith.index_cast %add3A_1 : i32 to index
    %get3A_2 = memref.load %arg2[%get3A] : memref<8192xi32, #tpu.memory_space<smem>>
    %c0_i32 = arith.constant 0 : i32
    %c0_i32_3 = arith.constant 0 : i32
    %c0_i32_4 = arith.constant 0 : i32
    %c0_i32_5 = arith.constant 0 : i32
    return %get3A_2, %c0_i32, %c0_i32_3, %c0_i32_4 : i32, i32, i32, i32
  }
  func.func @transform_13(%arg0: i32, %arg1: memref<512xi32, #tpu.memory_space<smem>>, %arg2: memref<8192xi32, #tpu.memory_space<smem>>, %arg3: memref<8192xi32, #tpu.memory_space<smem>>, %arg4: memref<8192xi32, #tpu.memory_space<smem>>) -> (i32, i32, i32, i32) {
    %mul3A = arith.constant 16 : i32
    %mul3A_0 = arith.muli %arg0, %mul3A : i32
    %add3A = arith.constant 12 : i32
    %add3A_1 = arith.addi %mul3A_0, %add3A : i32
    %get3A = arith.index_cast %add3A_1 : i32 to index
    %get3A_2 = memref.load %arg2[%get3A] : memref<8192xi32, #tpu.memory_space<smem>>
    %c0_i32 = arith.constant 0 : i32
    %c0_i32_3 = arith.constant 0 : i32
    %c0_i32_4 = arith.constant 0 : i32
    %c0_i32_5 = arith.constant 0 : i32
    return %get3A_2, %c0_i32, %c0_i32_3, %c0_i32_4 : i32, i32, i32, i32
  }
  func.func @transform_14(%arg0: i32, %arg1: memref<512xi32, #tpu.memory_space<smem>>, %arg2: memref<8192xi32, #tpu.memory_space<smem>>, %arg3: memref<8192xi32, #tpu.memory_space<smem>>, %arg4: memref<8192xi32, #tpu.memory_space<smem>>) -> (i32, i32, i32, i32) {
    %mul3A = arith.constant 16 : i32
    %mul3A_0 = arith.muli %arg0, %mul3A : i32
    %add3A = arith.constant 13 : i32
    %add3A_1 = arith.addi %mul3A_0, %add3A : i32
    %get3A = arith.index_cast %add3A_1 : i32 to index
    %get3A_2 = memref.load %arg2[%get3A] : memref<8192xi32, #tpu.memory_space<smem>>
    %c0_i32 = arith.constant 0 : i32
    %c0_i32_3 = arith.constant 0 : i32
    %c0_i32_4 = arith.constant 0 : i32
    %c0_i32_5 = arith.constant 0 : i32
    return %get3A_2, %c0_i32, %c0_i32_3, %c0_i32_4 : i32, i32, i32, i32
  }
  func.func @transform_15(%arg0: i32, %arg1: memref<512xi32, #tpu.memory_space<smem>>, %arg2: memref<8192xi32, #tpu.memory_space<smem>>, %arg3: memref<8192xi32, #tpu.memory_space<smem>>, %arg4: memref<8192xi32, #tpu.memory_space<smem>>) -> (i32, i32, i32, i32) {
    %mul3A = arith.constant 16 : i32
    %mul3A_0 = arith.muli %arg0, %mul3A : i32
    %add3A = arith.constant 14 : i32
    %add3A_1 = arith.addi %mul3A_0, %add3A : i32
    %get3A = arith.index_cast %add3A_1 : i32 to index
    %get3A_2 = memref.load %arg2[%get3A] : memref<8192xi32, #tpu.memory_space<smem>>
    %c0_i32 = arith.constant 0 : i32
    %c0_i32_3 = arith.constant 0 : i32
    %c0_i32_4 = arith.constant 0 : i32
    %c0_i32_5 = arith.constant 0 : i32
    return %get3A_2, %c0_i32, %c0_i32_3, %c0_i32_4 : i32, i32, i32, i32
  }
  func.func @transform_16(%arg0: i32, %arg1: memref<512xi32, #tpu.memory_space<smem>>, %arg2: memref<8192xi32, #tpu.memory_space<smem>>, %arg3: memref<8192xi32, #tpu.memory_space<smem>>, %arg4: memref<8192xi32, #tpu.memory_space<smem>>) -> (i32, i32, i32, i32) {
    %mul3A = arith.constant 16 : i32
    %mul3A_0 = arith.muli %arg0, %mul3A : i32
    %add3A = arith.constant 15 : i32
    %add3A_1 = arith.addi %mul3A_0, %add3A : i32
    %get3A = arith.index_cast %add3A_1 : i32 to index
    %get3A_2 = memref.load %arg2[%get3A] : memref<8192xi32, #tpu.memory_space<smem>>
    %c0_i32 = arith.constant 0 : i32
    %c0_i32_3 = arith.constant 0 : i32
    %c0_i32_4 = arith.constant 0 : i32
    %c0_i32_5 = arith.constant 0 : i32
    return %get3A_2, %c0_i32, %c0_i32_3, %c0_i32_4 : i32, i32, i32, i32
  }
  func.func @transform_17(%arg0: i32, %arg1: memref<512xi32, #tpu.memory_space<smem>>, %arg2: memref<8192xi32, #tpu.memory_space<smem>>, %arg3: memref<8192xi32, #tpu.memory_space<smem>>, %arg4: memref<8192xi32, #tpu.memory_space<smem>>) -> (i32, i32) {
    %get3A = arith.index_cast %arg0 : i32 to index
    %get3A_0 = memref.load %arg1[%get3A] : memref<512xi32, #tpu.memory_space<smem>>
    %c0_i32 = arith.constant 0 : i32
    %c0_i32_1 = arith.constant 0 : i32
    return %c0_i32, %get3A_0 : i32, i32
  }
}

</mosaic_0001>

<sc_bundles>
// kernel: gather_offload_async_start.1
scs
__scs_entry_jumppad:
0x0: {  	(pc) =	sbr.rel $0x88, $3  }
0x1: {  	(tag) =	ssettag $0x0;
	lr =	simm.s32 $0x1  }
0x2: {  	[smem:$0x3F95] =	sst lr;
	_ =	strace $0xD0000000  }
0x3: {  	_ = 	snop  }
0x4: {  	_ = 	snop  }
0x5: {  	_ = 	snop  }
0x6: {  	_ = 	snop  }
0x7: {  	_ = 	snop  }
__scs_overlays_trampoline_lowered:
0x8: {  	[smem:$0x3FA4] =	sst s0  }
0x9: {  	[smem:$0x3FA5] =	sst s1  }
0xa: {  	[smem:$0x3FA6] =	sst s2  }
0xb: {  	[smem:$0x3FA7] =	sst s3  }
0xc: {  	[smem:$0x3FA8] =	sst s4  }
0xd: {  	[smem:$0x3FA9] =	sst s5  }
0xe: {  	[smem:$0x3FAA] =	sst s6  }
0xf: {  	[smem:$0x3FAB] =	sst s7  }
0x10: {  	[smem:$0x3FAC] =	sst s8  }
0x11: {  	[smem:$0x3FAD] =	sst s9;
	s0 =	simm.s32 @!p0 $0x0  }
0x12: {  	s1 =	sld [smem:$0x3F93];
	s0 =	simm.s32 @p0 $0x1  }
0x13: {  	[smem:$0x3FAE] =	sst s0;
	s0 =	simm.s32 @!p1 $0x0  }
0x14: {  	s2 =	sld [smem:$0x3F92];
	s0 =	simm.s32 @p1 $0x1  }
0x15: {  	[smem:$0x3FAF] =	sst s0;
	s0 =	simm.s32 @!p2 $0x0  }
0x16: {  	s3 =	sld [smem:$0x3FDB];
	s0 =	simm.s32 @p2 $0x1  }
0x17: {  	s4 =	simm.s32 $0x1BF5;
	[smem:$0x3FB1] =	sst s0  }
0x18: {  	s0 =	sld [smem:$0x3F94];
	_ =	swait.ge [sflag:s4], $0x0  }
0x19: {  	s7 =	sld [smem:$0x3F95]  }
0x1a: {  	s8 =	sadd.s32 $0xFFFFE003, lr  }
0x1b: {  	s9 =	sadd.s32 $0xFFFFFEF7, lr;
	s5 =	simm.s32 $0xFFFFFFFF;
	p2 =	slt.u32 s8, $0xFFFFF086  }
0x1c: {  	p1 =	slt.u32 s9, $0xF7A;
	s5 =	simm.s32 @!p2 $0x0  }
0x1d: {  	s5 =	simm.s32 @p1 $0x1;
	p0 =	seq.s32 s7, s2  }
0x1e: {  	s7 =	smul.u32 @!p0 $0xF7A, s2;
	p2 =	seq.s32 @!p0 s5, $0x0  }
0x1f: {  	s9 =	smul.u32 $0xF7A, s1;
	s8 =	simm.s32 @!p0 $0x1BF5;
	p2 =	por !p2, p0  }
0x20: {  	[sflag:s8] =	ssyncset.s32 @!p0 $0xFFFFF086;
	s6 =	sadd.s32 @!p0 s3, s7;
	s7 =	simm.s32 @!p0 $0x108  }
0x21: {  	s3 =	sadd.s32 s3, s9;
	s6 =	sadd.s32 @!p0 $0x88, s6;
	s7 =	simm.s32 @p2 $0x1082  }
0x22: {  	[simem:s7], [sflag:s8] =	dma.local @!p0 [hbm:s6], $0xF7A  }
0x23: {  	s9 =	sor.u32 $0xD0000000, s2;
	s6 =	simm.s32 $0x108;
	_ =	swait.ge @!p0 [sflag:s8], $0x0  }
0x24: {  	s3 =	sadd.s32 $0x88, s3;
	s6 =	simm.s32 @!p1 $0x1082;
	[sflag:s4] =	ssyncset.s32 $0xFFFFF086  }
0x25: {  	[simem:s6], [sflag:s4] =	dma.local [hbm:s3], $0xF7A  }
0x26: {  	[smem:$0x3F95] =	sst s1;
	(tag) =	ssettag s2;
	_ =	strace s9  }
0x27: {  	s1 =	sld [smem:$0x3FA5]  }
0x28: {  	s2 =	sld [smem:$0x3FA6]  }
0x29: {  	s4 =	sld [smem:$0x3FA8]  }
0x2a: {  	p0 =	seq.s32 s5, $0x0;
	s5 =	sld [smem:$0x3FA9]  }
0x2b: {  	s6 =	sld [smem:$0x3FAA]  }
0x2c: {  	s7 =	sld [smem:$0x3FAB]  }
0x2d: {  	s3 =	simm.s32 $0x108;
	s8 =	sld [smem:$0x3FAC]  }
0x2e: {  	s3 =	simm.s32 @!p0 $0x1082;
	s9 =	sld [smem:$0x3FAD]  }
0x2f: {  	lr =	sadd.s32 s0, s3;
	s0 =	sld [smem:$0x3FA4]  }
0x30: {  	s3 =	sld [smem:$0x3FA7]  }
0x31: {  	[smem:$0x3FB0] =	sst s10  }
0x32: {  	s10 =	sld [smem:$0x3FAE];
	_ =	sdelay $0x3  }
0x33: {  	p0 =	seq.s32 s10, $0x1;
	s10 =	sld [smem:$0x3FB0];
	_ =	sdelay $0x3  }
0x34: {  	[smem:$0x3FB0] =	sst s10  }
0x35: {  	s10 =	sld [smem:$0x3FAF];
	_ =	sdelay $0x3  }
0x36: {  	p1 =	seq.s32 s10, $0x1;
	s10 =	sld [smem:$0x3FB0];
	_ =	sdelay $0x3  }
0x37: {  	[smem:$0x3FB0] =	sst s10  }
0x38: {  	s10 =	sld [smem:$0x3FB1]  }
0x39: {  	_ = 	snop;
	(pc) =	sbr.ind lr, $3  }
0x3a: {  	_ = 	snop  }
0x3b: {  	_ = 	snop  }
0x3c: {  	p2 =	seq.s32 s10, $0x1;
	s10 =	sld [smem:$0x3FB0]  }
0x3d: {  	_ =	shalt  }
0x3e: {  	_ =	shalt  }
0x3f: {  	_ =	shalt  }
0x40: {  	_ =	shalt  }
0x41: {  	_ =	shalt  }
0x42: {  	_ =	shalt  }
0x43: {  	_ =	shalt  }
0x44: {  	_ =	shalt  }
0x45: {  	_ =	shalt  }
0x46: {  	_ =	shalt  }
0x47: {  	_ =	shalt  }
0x48: {  	_ =	shalt  }
0x49: {  	_ =	shalt  }
0x4a: {  	_ =	shalt  }
0x4b: {  	_ =	shalt  }
0x4c: {  	_ =	shalt  }
0x4d: {  	_ =	shalt  }
0x4e: {  	_ =	shalt  }
0x4f: {  	_ =	shalt  }
0x50: {  	_ =	shalt  }
0x51: {  	_ =	shalt  }
0x52: {  	_ =	shalt  }
0x53: {  	_ =	shalt  }
0x54: {  	_ =	shalt  }
0x55: {  	_ =	shalt  }
0x56: {  	_ =	shalt  }
0x57: {  	_ =	shalt  }
0x58: {  	_ =	shalt  }
0x59: {  	_ =	shalt  }
0x5a: {  	_ =	shalt  }
0x5b: {  	_ =	shalt  }
0x5c: {  	_ =	shalt  }
0x5d: {  	_ =	shalt  }
0x5e: {  	_ =	shalt  }
0x5f: {  	_ =	shalt  }
0x60: {  	_ =	shalt  }
0x61: {  	_ =	shalt  }
0x62: {  	_ =	shalt  }
0x63: {  	_ =	shalt  }
0x64: {  	_ =	shalt  }
0x65: {  	_ =	shalt  }
0x66: {  	_ =	shalt  }
0x67: {  	_ =	shalt  }
0x68: {  	_ =	shalt  }
0x69: {  	_ =	shalt  }
0x6a: {  	_ =	shalt  }
0x6b: {  	_ =	shalt  }
0x6c: {  	_ =	shalt  }
0x6d: {  	_ =	shalt  }
0x6e: {  	_ =	shalt  }
0x6f: {  	_ =	shalt  }
0x70: {  	_ =	shalt  }
0x71: {  	_ =	shalt  }
0x72: {  	_ =	shalt  }
0x73: {  	_ =	shalt  }
0x74: {  	_ =	shalt  }
0x75: {  	_ =	shalt  }
0x76: {  	_ =	shalt  }
0x77: {  	_ =	shalt  }
0x78: {  	_ =	shalt  }
0x79: {  	_ =	shalt  }
0x7a: {  	_ =	shalt  }
0x7b: {  	_ =	shalt  }
0x7c: {  	_ =	shalt  }
0x7d: {  	_ =	shalt  }
0x7e: {  	_ =	shalt  }
0x7f: {  	_ =	shalt  }
0x80: {  	_ =	shalt  }
0x81: {  	_ =	shalt  }
0x82: {  	_ =	shalt  }
0x83: {  	_ =	shalt  }
0x84: {  	_ =	shalt  }
0x85: {  	_ =	shalt  }
0x86: {  	_ =	shalt  }
0x87: {  	_ =	shalt  }
.Lfunc_end0:
.L_simem_size_0:
called_computation.3_lowered:
.L_overlay_start_0:
0x88: {  	s2 =	sld [smem:$0x3FD9]  }
0x89: {  	s3 =	sld [smem:$0x3FFE];
	_ =	sdelay $0x1  }
0x8a: {  	s1 =	srdreg.scid  }
0x8b: {  	s0 =	sand.u32 $0x1, s1  }
0x8c: {  	s14 =	sshll.u32 s0, $0xA;
	s2 =	sadd.s32 s3, s2  }
0x8d: {  	s2 =	sadd.s32 s2, s14  }
0x8e: {  	[smem:$0x3FBC] =	sst s2  }
0x8f: {  	_ = 	snop  }
0x90: {  	s2 =	sld [smem:$0x3FD0];
	_ =	sdelay $0x2  }
0x91: {  	s15 =	simm.s32 $0xA;
	s4 =	simm.s32 $0x10  }
0x92: {  	[smem:s4], [sflag:s15] =	dma.local [hbm:s2], $0x1  }
0x93: {  	_ =	swait.eq [sflag:s15], $0x1  }
0x94: {  	[sflag:s15] =	ssyncset.done $0x0  }
0x95: {  	[sflag:s15] =	ssyncadd.s32 $0xFFFFFFFF  }
0x96: {  	s16 =	sld [smem:$0x11];
	(tm) =	ssettm $0x1  }
0x97: {  	s17 =	sld [smem:$0x3FFB];
	_ =	sdelay $0x3  }
0x98: {  	_ =	strace s17  }
0x99: {  	s3 =	sld [smem:$0x3FFC];
	_ =	sdelay $0x3  }
0x9a: {  	_ =	strace s3  }
0x9b: {  	s3 =	sld [smem:$0x3FFD];
	_ =	sdelay $0x3  }
0x9c: {  	_ =	strace s3  }
0x9d: {  	_ =	strace $0x8FFFFFFF  }
0x9e: {  	s18 =	sld [smem:$0x3FDB];
	_ =	sdelay $0x1  }
0x9f: {  	s19 =	simm.s32 $_scs_section_size  }
0xa0: {  	s5 =	simm.s32 $_size__tile_overlayer_lowered;
	s6 =	simm.s32 $_tile_overlayer_lowered  }
0xa1: {  	s22 =	simm.s32 $0x1BFF;
	s21 =	sshll.u32 s6, $0x1;
	s3 =	sadd.s32 s19, s18  }
0xa2: {  	s7 =	simm.s32 $0x0;
	s20 =	sshll.u32 s5, $0x1;
	s5 =	sadd.s32 s21, s3  }
0xa3: {  	[timem:s7], [sflag:s22] =	dma.local [hbm:s5], s20  }
0xa4: {  	_ =	swait.ge [sflag:s22], s20  }
0xa5: {  	s4 =	ssub.s32 $0x0, s20;
	[sflag:s22] =	ssyncset.done $0x0  }
0xa6: {  	[sflag:s22] =	ssyncadd.s32 s4;
	_ =	sdelay $0x1  }
0xa7: {  	s23 =	simm.s32 $0x1B8B  }
0xa8: {  	_ =	swait.ge [sflag:s23], $0x1  }
0xa9: {  	[sflag:s23] =	ssyncset.done $0x0  }
0xaa: {  	s25 =	simm.s32 $0x1B8E;
	s24 =	sld [smem:$0x3FFE];
	[sflag:s23] =	ssyncadd.s32 $0xFFFFFFFF  }
0xab: {  	s26 =	simm.s32 $execute0_lowered;
	[smem:$0x3FD2] =	sst s25  }
0xac: {  	s5 =	sshll.u32 s26, $0x1;
	_ =	strace $0x80000046;
	[dreg:$0x1] =	wrdreg $0xFFFFFFFF  }
0xad: {  	s28 =	simm.s32 $_size_execute0_lowered;
	s3 =	sadd.s32 s3, s5;
	[dreg:$0x0] =	wrdreg $0x0  }
0xae: {  	s5 =	sshll.u32 s28, $0x1;
	[dreg:$0x2] =	wrdreg s3  }
0xaf: {  	[dreg:$0x3] =	wrdreg s5  }
0xb0: {  	[dreg:$0x4] =	wrdreg $0xC0  }
0xb1: {  	_ =	task [dreg:s7], $0x5FFFF  }
0xb2: {  	[dreg:$0x1] =	wrdreg $0xFFFFFFFF  }
0xb3: {  	[dreg:$0x0] =	wrdreg $0x60  }
0xb4: {  	[dreg:$0x2] =	wrdreg s24  }
0xb5: {  	[dreg:$0x3] =	wrdreg s16  }
0xb6: {  	[dreg:$0x4] =	wrdreg $0x9  }
0xb7: {  	_ =	task.clear_ibuf [dreg:s7], $0x5FFFF;
	_ =	strace $0x90000046  }
0xb8: {  	s29 =	simm.s32 $0x9;
	_ =	strace $0x80000048  }
0xb9: {  	_ =	swait.ge [sflag:s29], $0x1  }
0xba: {  	[sflag:s29] =	ssyncadd.s32 $0xFFFFFFFF  }
0xbb: {  	_ =	strace $0x90000048  }
0xbc: {  	_ =	sfence  }
0xbd: {  	s30 =	sld [smem:$0x0];
	_ =	sdelay $0x2  }
0xbe: {  	s31 =	sshll.u32 s1, $0xD;
	s1 =	sshrl.u32 s1, $0x2  }
0xbf: {  	s3 =	sand.u32 $0x4000, s31;
	s1 =	sadd.s32 s1, s30  }
0xc0: {  	s0 =	sor.u32 s3, s0;
	s1 =	sshll.u32 s1, $0x11  }
0xc1: {  	s0 =	sor.u32 s1, s0  }
0xc2: {  	s0 =	sadd.s32 $0x8F2B, s0  }
0xc3: {  	[sflag:s0] =	ssyncadd.remote.s32 $0x1  }
0xc4: {  	_ =	sfence.sel $0xFFFF  }
0xc5: {  	[dreg:$0x0] =	wrdreg $0xFFFFFFFF;
	(pc) =	sbr.abs _section_cstart, $3  }
0xc6: {  	[dreg:$0x1] =	wrdreg $0xFFFFFFFF  }
0xc7: {  	_ =	task.clear_ibuf [dreg:s7], $0x2FFFF;
	_ =	strace $0x9FFFFFFF  }
0xc8: {  	(tm) =	ssettm $0x7FFFFFFF  }
0xc9: {  	_ =	shalt  }
tec
execute0_lowered:
.L_overlay_start_1:
0x0: {  	(tag) =	ssettag $0x1  }
0x1: {  	s1 =	srdreg.scid;
	s5 =	rddreg [dreg:$0x0]  }
0x2: {  	s0 =	stileid.u32;
	s2 =	rddreg [dreg:$0x1];
	s6 =	simm.s32 $0x1  }
0x3: {  	s9 =	simm.s32 $0x1;
	s10 =	simm.s32 $0x3;
	s1 =	sshll.u32 s1, $0x9  }
0x4: {  	s13 =	simm.s32 $0x0;
	s3 =	sshll.u32 s0, $0xA;
	s4 =	sand.u32 $0x200, s1  }
0x5: {  	s12 =	simm.s32 $0x0;
	s1 =	rddreg [dreg:$0x2];
	s3 =	sor.u32 s3, s4  }
0x6: {  	_ =	strace $0x80000047;
	s4 =	sadd.s32 $0x800, s5;
	s8 =	ssub.s32 $0x8000, s3  }
.Ltmp0:
0x7: {  	s5 =	sadd.s32 $0x2A00, s5;
	s7 =	sand.u32 $0x3E00, s8;
	(pc) =	sbr.rel .LBB2_1-.Ltmp0, $4  }
0x8: {  	[sflag:s6] =	ssyncpa.u1 $0x0;
	s11 =	smov.u32 s3;
	p0 =	sne.s32 s7, $0x0  }
0x9: {  	s8 =	sshrl.u32 s8, $0xE;
	s7 =	simm.s32 $0x2;
	s9 =	simm.s32 @!p0 $0x0  }
0xa: {  	[sflag:s7] =	ssyncpa.u1 $0x0;
	p0 =	por $0x0, $0x0;
	s8 =	sadd.s32 s9, s8  }
0xb: {  	vm0 =	vmmov $0xffff;
	[sflag:s10] =	ssyncpa.u1 $0x0;
	s10 =	simm.s32 $0x0;
	s9 =	sadd.s32 $0x1, s8  }
.LBB2_4:
0xc: {  	v2 =	vnsel vm1, $0x0, v2  }
0xd: {  	vm1 =	vgt.s32 v0, $0x0;
	v2 =	vmin.u32 v2, $0x7FFF  }
0xe: {  	v0 =	vnsel vm1, $0x0, v0  }
0xf: {  	v0 =	vmin.u32 v0, $0x7FFF  }
0x10: {  	[tilespmem:s15], [sflag:$0x1] =	stream.indirect_vreg.gather [hbm4b:s4+s10], $0x1, v1, vm0, $0x4038;
	[tilespmem:$0x800] =	vst v63  }
0x11: {  	(ifvalue) =	ssetifvalue $0x7FFFFFFF  }
0x12: {  	[tilespmem:s16], [sflag:$0x1] =	stream.indirect_vreg.gather [hbm4b:s4+s10], $0x1, v2, vm0, $0x4038;
	[tilespmem:$0x800] =	vst v63  }
0x13: {  	s29 =	sadd.s32 $0x10, s16;
	(ifvalue) =	ssetifvalue $0x7FFFFFFF  }
0x14: {  	[tilespmem:s29], [sflag:$0x1] =	stream.indirect_vreg.gather [hbm4b:s4+s10], $0x1, v0, vm0, $0x4038;
	[tilespmem:$0x800] =	vst v63  }
0x15: {  	_ =	swait.ge [sflag:s6], $0x200  }
0x16: {  	s30 =	sshrl.u32 s13, $0x3;
	[sflag:s6] =	ssyncset.done $0x0  }
0x17: {  	s31 =	sand.u32 $0x7, s13;
	s15 =	sadd.s32 s5, s30;
	[sflag:s6] =	ssyncadd.s32 $0xFFFFFE00  }
0x18: {  	[hbm4b:s15+s31] =	stream.linear.scatter [tilespmem:s14], [sflag:$0x3], $0x200, $0x38;
	[tilespmem:$0x800] =	vst v63  }
.LBB2_5:
0x19: {  	s15 =	sadd.s32 $0x4000, s11  }
0x1a: {  	p2 =	sgt.s32 s15, $0x7FFF  }
0x1b: {  	s15 =	smov.u32 @p2 s3;
	p2 =	sne.s32 s12, s9  }
.Ltmp1:
0x1c: {  	p1 =	slt.u32 s12, $0x2;
	(pc) =	sbr.rel @!p2 .LBB2_6-.Ltmp1, $4  }
0x1d: {  	s14 =	simm.s32 @!p1 $0x3  }
0x1e: {  	s16 =	sadd.s32 $0x1, s12;
	_ =	swait.ge @!p1 [sflag:s14], $0x200  }
0x1f: {  	s13 =	smov.u32 s11;
	p0 =	por !p0, !p0;
	[sflag:s14] =	ssyncset.done @!p1 $0x0  }
0x20: {  	s12 =	smov.u32 s16;
	s11 =	smov.u32 s15;
	[sflag:s14] =	ssyncadd.s32 @!p1 $0xFFFFFE00  }
.LBB2_1:
0x21: {  	p1 =	sge.u32 s12, s8  }
0x22: {  	s14 =	sxor.u32 @!p1 $0xFFFFFFFF, s12  }
0x23: {  	s31 =	sadd.s32 $0xFFFFFFFF, s12;
	s15 =	sshrl.u32 @!p1 s11, $0x3;
	s14 =	sshll.u32 @!p1 s14, $0x9  }
0x24: {  	s16 =	sand.u32 @!p1 $0x7, s11;
	s15 =	sadd.s32 @!p1 s2, s15;
	s14 =	sand.u32 @!p1 $0x200, s14  }
0x25: {  	[tilespmem:s14], [sflag:$0x2] =	stream.linear.gather @!p1 [hbm4b:s15+s16], $0x200, $0x38;
	[tilespmem:$0x800] =	vst v63  }
0x26: {  	p1 =	sge.u32 s31, s8  }
.Ltmp2:
0x27: {  	_ = 	snop;
	(pc) =	sbr.rel @p1 .LBB2_5-.Ltmp2, $1  }
0x28: {  	_ =	sdelay $0x3  }
0x29: {  	s14 =	simm.s32 $0x1  }
0x2a: {  	_ =	swait.ge [sflag:s7], $0x200;
	s14 =	simm.s32 @!p0 $0x0  }
0x2b: {  	[sflag:s7] =	ssyncset.done $0x0;
	s14 =	sshll.u32 s14, $0x9  }
0x2c: {  	[sflag:s7] =	ssyncadd.s32 $0xFFFFFE00;
	(ifvalue) =	ssetifvalue $0x7FFFFFFF;
	v0 =	vld.msk [tilespmem:s14+$0x0 ss:$0x1], $0xffff;
	_ =	sdelay $0x4  }
0x2d: {  	s15 =	sadd.s32 $0x10, s14;
	vm1 =	vgt.s32 v0, $0x0  }
0x2e: {  	v2 =	vld.msk [tilespmem:s15+$0x0 ss:$0x1], $0xffff;
	v1 =	vnsel vm1, $0x0, v0  }
0x2f: {  	v1 =	vmin.u32 v1, $0x7FFF;
	_ =	sdelay $0x1  }
0x30: {  	s16 =	sshll.u32 s12, $0x9;
	s18 =	simm.s32 $0x20  }
0x31: {  	s16 =	sand.u32 $0x200, s16;
	s17 =	sadd.s32 $0x10, s15;
	s15 =	sor.u32 $0x400, s14  }
0x32: {  	s14 =	sor.u32 $0x400, s16;
	s16 =	sadd.s32 $0x10, s15;
	v0 =	vld.msk [tilespmem:s17+$0x0 ss:$0x1], $0xffff;
	vm1 =	vgt.s32 v2, $0x0;
	(ifvalue) =	ssetifvalue $0x7FFFFFFF  }
.LBB2_3:
0x33: {  	[tilespmem:s15], [sflag:$0x1] =	stream.indirect_vreg.gather [hbm4b:s4+s10], $0x1, v1, vm0, $0x4038;
	[tilespmem:$0x800] =	vst v63  }
0x34: {  	s18 =	sadd.s32 $0x10, s18  }
0x35: {  	v2 =	vnsel vm1, $0x0, v2;
	p1 =	slt.u32 s18, $0x1F0  }
.Ltmp3:
0x36: {  	s15 =	smov.u32 s16;
	v1 =	vmin.u32 v2, $0x7FFF;
	(pc) =	sbr.rel @p1 .LBB2_3-.Ltmp3, $3  }
0x37: {  	_ =	sdelay $0x1  }
0x38: {  	s17 =	sadd.s32 $0x10, s17  }
0x39: {  	vm1 =	vgt.s32 v0, $0x0;
	s16 =	sadd.s32 $0x10, s16;
	v2 =	vmov v0;
	(ifvalue) =	ssetifvalue $0x7FFFFFFF;
	v0 =	vld.msk [tilespmem:s17+$0x0 ss:$0x1], $0xffff  }
.Ltmp4:
0x3a: {  	_ = 	snop;
	(pc) =	sbr.rel .LBB2_4-.Ltmp4, $1  }
0x3b: {  	_ =	sdelay $0x3  }
.LBB2_6:
0x3c: {  	_ =	sfence.sel $0x180000  }
0x3d: {  	s2 =	simm.s32 $0x2;
	[bflag:$0x0] =	sbarrier.arrive $0xFFFF  }
0x3e: {  	s30 =	simm.s32 $0x3;
	[sflag:s2] =	ssyncpa.u1 $0x1  }
0x3f: {  	s31 =	simm.s32 $0x1;
	[sflag:s30] =	ssyncpa.u1 $0x1  }
0x40: {  	[sflag:s31] =	ssyncpa.u1 $0x1  }
0x41: {  	p0 =	sne.s32 s0, $0x0;
	_ =	strace $0x90000047  }
0x42: {  	s0 =	sadd.s32 @!p0 $0x100000, s1;
	[bflag:$0x2] =	sbarrier.arrive $0xFFFF  }
0x43: {  	[sflag:s0] =	ssyncadd.tile.s32 @!p0 $0x1;
	_ =	shalt  }
.Lfunc_end2:
_tile_overlayer_lowered:
.L_overlay_start_2:
0x44: {  	(tag) =	ssettag $0x2  }
0x45: {  	s0 =	rddreg [dreg:$0x0];
	s2 =	stileid.u32  }
0x46: {  	s1 =	rddreg [dreg:$0x1];
	p0 =	sne.s32 s2, $0x0  }
0x47: {  	s3 =	rddreg [dreg:$0x2];
	[bflag:$0x3] =	sbarrier.arrive $0xFFFF;
	s2 =	simm.s32 @!p0 $0x1C01  }
0x48: {  	[timem:s3], [sflag:s2] =	dma.local @!p0 [hbm:s0], s1  }
0x49: {  	s0 =	simm.s32 @!p0 $0x1  }
0x4a: {  	_ =	swait.ge @!p0 [sflag:s0], s1  }
0x4b: {  	s1 =	ssub.s32 @!p0 $0x0, s1;
	[sflag:s0] =	ssyncset.done @!p0 $0x0  }
0x4c: {  	[sflag:s0] =	ssyncadd.s32 @!p0 s1  }
0x4d: {  	[bflag:$0x3] =	sbarrier.arrive $0xFFFF  }
0x4e: {  	_ =	shalt  }

// kernel: gather_offload_async_start.2
scs
__scs_entry_jumppad:
0x0: {  	(pc) =	sbr.rel $0x88, $3  }
0x1: {  	(tag) =	ssettag $0x0;
	lr =	simm.s32 $0x1  }
0x2: {  	[smem:$0x3F95] =	sst lr;
	_ =	strace $0xD0000000  }
0x3: {  	_ = 	snop  }
0x4: {  	_ = 	snop  }
0x5: {  	_ = 	snop  }
0x6: {  	_ = 	snop  }
0x7: {  	_ = 	snop  }
__scs_overlays_trampoline_lowered:
0x8: {  	[smem:$0x3FA4] =	sst s0  }
0x9: {  	[smem:$0x3FA5] =	sst s1  }
0xa: {  	[smem:$0x3FA6] =	sst s2  }
0xb: {  	[smem:$0x3FA7] =	sst s3  }
0xc: {  	[smem:$0x3FA8] =	sst s4  }
0xd: {  	[smem:$0x3FA9] =	sst s5  }
0xe: {  	[smem:$0x3FAA] =	sst s6  }
0xf: {  	[smem:$0x3FAB] =	sst s7  }
0x10: {  	[smem:$0x3FAC] =	sst s8  }
0x11: {  	[smem:$0x3FAD] =	sst s9;
	s0 =	simm.s32 @!p0 $0x0  }
0x12: {  	s1 =	sld [smem:$0x3F93];
	s0 =	simm.s32 @p0 $0x1  }
0x13: {  	[smem:$0x3FAE] =	sst s0;
	s0 =	simm.s32 @!p1 $0x0  }
0x14: {  	s2 =	sld [smem:$0x3F92];
	s0 =	simm.s32 @p1 $0x1  }
0x15: {  	[smem:$0x3FAF] =	sst s0;
	s0 =	simm.s32 @!p2 $0x0  }
0x16: {  	s3 =	sld [smem:$0x3FDB];
	s0 =	simm.s32 @p2 $0x1  }
0x17: {  	s4 =	simm.s32 $0x1BF5;
	[smem:$0x3FB1] =	sst s0  }
0x18: {  	s0 =	sld [smem:$0x3F94];
	_ =	swait.ge [sflag:s4], $0x0  }
0x19: {  	s7 =	sld [smem:$0x3F95]  }
0x1a: {  	s8 =	sadd.s32 $0xFFFFE003, lr  }
0x1b: {  	s9 =	sadd.s32 $0xFFFFFEF7, lr;
	s5 =	simm.s32 $0xFFFFFFFF;
	p2 =	slt.u32 s8, $0xFFFFF086  }
0x1c: {  	p1 =	slt.u32 s9, $0xF7A;
	s5 =	simm.s32 @!p2 $0x0  }
0x1d: {  	s5 =	simm.s32 @p1 $0x1;
	p0 =	seq.s32 s7, s2  }
0x1e: {  	s7 =	smul.u32 @!p0 $0xF7A, s2;
	p2 =	seq.s32 @!p0 s5, $0x0  }
0x1f: {  	s9 =	smul.u32 $0xF7A, s1;
	s8 =	simm.s32 @!p0 $0x1BF5;
	p2 =	por !p2, p0  }
0x20: {  	[sflag:s8] =	ssyncset.s32 @!p0 $0xFFFFF086;
	s6 =	sadd.s32 @!p0 s3, s7;
	s7 =	simm.s32 @!p0 $0x108  }
0x21: {  	s3 =	sadd.s32 s3, s9;
	s6 =	sadd.s32 @!p0 $0x88, s6;
	s7 =	simm.s32 @p2 $0x1082  }
0x22: {  	[simem:s7], [sflag:s8] =	dma.local @!p0 [hbm:s6], $0xF7A  }
0x23: {  	s9 =	sor.u32 $0xD0000000, s2;
	s6 =	simm.s32 $0x108;
	_ =	swait.ge @!p0 [sflag:s8], $0x0  }
0x24: {  	s3 =	sadd.s32 $0x88, s3;
	s6 =	simm.s32 @!p1 $0x1082;
	[sflag:s4] =	ssyncset.s32 $0xFFFFF086  }
0x25: {  	[simem:s6], [sflag:s4] =	dma.local [hbm:s3], $0xF7A  }
0x26: {  	[smem:$0x3F95] =	sst s1;
	(tag) =	ssettag s2;
	_ =	strace s9  }
0x27: {  	s1 =	sld [smem:$0x3FA5]  }
0x28: {  	s2 =	sld [smem:$0x3FA6]  }
0x29: {  	s4 =	sld [smem:$0x3FA8]  }
0x2a: {  	p0 =	seq.s32 s5, $0x0;
	s5 =	sld [smem:$0x3FA9]  }
0x2b: {  	s6 =	sld [smem:$0x3FAA]  }
0x2c: {  	s7 =	sld [smem:$0x3FAB]  }
0x2d: {  	s3 =	simm.s32 $0x108;
	s8 =	sld [smem:$0x3FAC]  }
0x2e: {  	s3 =	simm.s32 @!p0 $0x1082;
	s9 =	sld [smem:$0x3FAD]  }
0x2f: {  	lr =	sadd.s32 s0, s3;
	s0 =	sld [smem:$0x3FA4]  }
0x30: {  	s3 =	sld [smem:$0x3FA7]  }
0x31: {  	[smem:$0x3FB0] =	sst s10  }
0x32: {  	s10 =	sld [smem:$0x3FAE];
	_ =	sdelay $0x3  }
0x33: {  	p0 =	seq.s32 s10, $0x1;
	s10 =	sld [smem:$0x3FB0];
	_ =	sdelay $0x3  }
0x34: {  	[smem:$0x3FB0] =	sst s10  }
0x35: {  	s10 =	sld [smem:$0x3FAF];
	_ =	sdelay $0x3  }
0x36: {  	p1 =	seq.s32 s10, $0x1;
	s10 =	sld [smem:$0x3FB0];
	_ =	sdelay $0x3  }
0x37: {  	[smem:$0x3FB0] =	sst s10  }
0x38: {  	s10 =	sld [smem:$0x3FB1]  }
0x39: {  	_ = 	snop;
	(pc) =	sbr.ind lr, $3  }
0x3a: {  	_ = 	snop  }
0x3b: {  	_ = 	snop  }
0x3c: {  	p2 =	seq.s32 s10, $0x1;
	s10 =	sld [smem:$0x3FB0]  }
0x3d: {  	_ =	shalt  }
0x3e: {  	_ =	shalt  }
0x3f: {  	_ =	shalt  }
0x40: {  	_ =	shalt  }
0x41: {  	_ =	shalt  }
0x42: {  	_ =	shalt  }
0x43: {  	_ =	shalt  }
0x44: {  	_ =	shalt  }
0x45: {  	_ =	shalt  }
0x46: {  	_ =	shalt  }
0x47: {  	_ =	shalt  }
0x48: {  	_ =	shalt  }
0x49: {  	_ =	shalt  }
0x4a: {  	_ =	shalt  }
0x4b: {  	_ =	shalt  }
0x4c: {  	_ =	shalt  }
0x4d: {  	_ =	shalt  }
0x4e: {  	_ =	shalt  }
0x4f: {  	_ =	shalt  }
0x50: {  	_ =	shalt  }
0x51: {  	_ =	shalt  }
0x52: {  	_ =	shalt  }
0x53: {  	_ =	shalt  }
0x54: {  	_ =	shalt  }
0x55: {  	_ =	shalt  }
0x56: {  	_ =	shalt  }
0x57: {  	_ =	shalt  }
0x58: {  	_ =	shalt  }
0x59: {  	_ =	shalt  }
0x5a: {  	_ =	shalt  }
0x5b: {  	_ =	shalt  }
0x5c: {  	_ =	shalt  }
0x5d: {  	_ =	shalt  }
0x5e: {  	_ =	shalt  }
0x5f: {  	_ =	shalt  }
0x60: {  	_ =	shalt  }
0x61: {  	_ =	shalt  }
0x62: {  	_ =	shalt  }
0x63: {  	_ =	shalt  }
0x64: {  	_ =	shalt  }
0x65: {  	_ =	shalt  }
0x66: {  	_ =	shalt  }
0x67: {  	_ =	shalt  }
0x68: {  	_ =	shalt  }
0x69: {  	_ =	shalt  }
0x6a: {  	_ =	shalt  }
0x6b: {  	_ =	shalt  }
0x6c: {  	_ =	shalt  }
0x6d: {  	_ =	shalt  }
0x6e: {  	_ =	shalt  }
0x6f: {  	_ =	shalt  }
0x70: {  	_ =	shalt  }
0x71: {  	_ =	shalt  }
0x72: {  	_ =	shalt  }
0x73: {  	_ =	shalt  }
0x74: {  	_ =	shalt  }
0x75: {  	_ =	shalt  }
0x76: {  	_ =	shalt  }
0x77: {  	_ =	shalt  }
0x78: {  	_ =	shalt  }
0x79: {  	_ =	shalt  }
0x7a: {  	_ =	shalt  }
0x7b: {  	_ =	shalt  }
0x7c: {  	_ =	shalt  }
0x7d: {  	_ =	shalt  }
0x7e: {  	_ =	shalt  }
0x7f: {  	_ =	shalt  }
0x80: {  	_ =	shalt  }
0x81: {  	_ =	shalt  }
0x82: {  	_ =	shalt  }
0x83: {  	_ =	shalt  }
0x84: {  	_ =	shalt  }
0x85: {  	_ =	shalt  }
0x86: {  	_ =	shalt  }
0x87: {  	_ =	shalt  }
.Lfunc_end0:
.L_simem_size_0:
called_computation.4_lowered:
.L_overlay_start_0:
0x88: {  	s2 =	sld [smem:$0x3FD9]  }
0x89: {  	s3 =	sld [smem:$0x3FFE];
	_ =	sdelay $0x1  }
0x8a: {  	s1 =	srdreg.scid  }
0x8b: {  	s0 =	sand.u32 $0x1, s1  }
0x8c: {  	s14 =	sshll.u32 s0, $0xA;
	s2 =	sadd.s32 s3, s2  }
0x8d: {  	s2 =	sadd.s32 s2, s14  }
0x8e: {  	[smem:$0x3FBC] =	sst s2  }
0x8f: {  	_ = 	snop  }
0x90: {  	s2 =	sld [smem:$0x3FD0];
	_ =	sdelay $0x2  }
0x91: {  	s15 =	simm.s32 $0xA;
	s4 =	simm.s32 $0x10  }
0x92: {  	[smem:s4], [sflag:s15] =	dma.local [hbm:s2], $0x1  }
0x93: {  	_ =	swait.eq [sflag:s15], $0x1  }
0x94: {  	[sflag:s15] =	ssyncset.done $0x0  }
0x95: {  	[sflag:s15] =	ssyncadd.s32 $0xFFFFFFFF  }
0x96: {  	s16 =	sld [smem:$0x11];
	(tm) =	ssettm $0x1  }
0x97: {  	s17 =	sld [smem:$0x3FFB];
	_ =	sdelay $0x3  }
0x98: {  	_ =	strace s17  }
0x99: {  	s3 =	sld [smem:$0x3FFC];
	_ =	sdelay $0x3  }
0x9a: {  	_ =	strace s3  }
0x9b: {  	s3 =	sld [smem:$0x3FFD];
	_ =	sdelay $0x3  }
0x9c: {  	_ =	strace s3  }
0x9d: {  	_ =	strace $0x8FFFFFFF  }
0x9e: {  	s18 =	sld [smem:$0x3FDB];
	_ =	sdelay $0x1  }
0x9f: {  	s19 =	simm.s32 $_scs_section_size  }
0xa0: {  	s5 =	simm.s32 $_size__tile_overlayer_lowered;
	s6 =	simm.s32 $_tile_overlayer_lowered  }
0xa1: {  	s22 =	simm.s32 $0x1BFF;
	s21 =	sshll.u32 s6, $0x1;
	s3 =	sadd.s32 s19, s18  }
0xa2: {  	s7 =	simm.s32 $0x0;
	s20 =	sshll.u32 s5, $0x1;
	s5 =	sadd.s32 s21, s3  }
0xa3: {  	[timem:s7], [sflag:s22] =	dma.local [hbm:s5], s20  }
0xa4: {  	_ =	swait.ge [sflag:s22], s20  }
0xa5: {  	s4 =	ssub.s32 $0x0, s20;
	[sflag:s22] =	ssyncset.done $0x0  }
0xa6: {  	[sflag:s22] =	ssyncadd.s32 s4;
	_ =	sdelay $0x1  }
0xa7: {  	s23 =	simm.s32 $0x1B8B  }
0xa8: {  	_ =	swait.ge [sflag:s23], $0x1  }
0xa9: {  	[sflag:s23] =	ssyncset.done $0x0  }
0xaa: {  	s25 =	simm.s32 $0x1B8E;
	s24 =	sld [smem:$0x3FFE];
	[sflag:s23] =	ssyncadd.s32 $0xFFFFFFFF  }
0xab: {  	s26 =	simm.s32 $execute0_lowered;
	[smem:$0x3FD2] =	sst s25  }
0xac: {  	s5 =	sshll.u32 s26, $0x1;
	_ =	strace $0x80000052;
	[dreg:$0x1] =	wrdreg $0xFFFFFFFF  }
0xad: {  	s28 =	simm.s32 $_size_execute0_lowered;
	s3 =	sadd.s32 s3, s5;
	[dreg:$0x0] =	wrdreg $0x0  }
0xae: {  	s5 =	sshll.u32 s28, $0x1;
	[dreg:$0x2] =	wrdreg s3  }
0xaf: {  	[dreg:$0x3] =	wrdreg s5  }
0xb0: {  	[dreg:$0x4] =	wrdreg $0xC0  }
0xb1: {  	_ =	task [dreg:s7], $0x5FFFF  }
0xb2: {  	[dreg:$0x1] =	wrdreg $0xFFFFFFFF  }
0xb3: {  	[dreg:$0x0] =	wrdreg $0x60  }
0xb4: {  	[dreg:$0x2] =	wrdreg s24  }
0xb5: {  	[dreg:$0x3] =	wrdreg s16  }
0xb6: {  	[dreg:$0x4] =	wrdreg $0x9  }
0xb7: {  	_ =	task.clear_ibuf [dreg:s7], $0x5FFFF;
	_ =	strace $0x90000052  }
0xb8: {  	s29 =	simm.s32 $0x9;
	_ =	strace $0x80000054  }
0xb9: {  	_ =	swait.ge [sflag:s29], $0x1  }
0xba: {  	[sflag:s29] =	ssyncadd.s32 $0xFFFFFFFF  }
0xbb: {  	_ =	strace $0x90000054  }
0xbc: {  	_ =	sfence  }
0xbd: {  	s30 =	sld [smem:$0x0];
	_ =	sdelay $0x2  }
0xbe: {  	s31 =	sshll.u32 s1, $0xD;
	s1 =	sshrl.u32 s1, $0x2  }
0xbf: {  	s3 =	sand.u32 $0x4000, s31;
	s1 =	sadd.s32 s1, s30  }
0xc0: {  	s0 =	sor.u32 s3, s0;
	s1 =	sshll.u32 s1, $0x11  }
0xc1: {  	s0 =	sor.u32 s1, s0  }
0xc2: {  	s0 =	sadd.s32 $0x8F2B, s0  }
0xc3: {  	[sflag:s0] =	ssyncadd.remote.s32 $0x1  }
0xc4: {  	_ =	sfence.sel $0xFFFF  }
0xc5: {  	[dreg:$0x0] =	wrdreg $0xFFFFFFFF;
	(pc) =	sbr.abs _section_cstart, $3  }
0xc6: {  	[dreg:$0x1] =	wrdreg $0xFFFFFFFF  }
0xc7: {  	_ =	task.clear_ibuf [dreg:s7], $0x2FFFF;
	_ =	strace $0x9FFFFFFF  }
0xc8: {  	(tm) =	ssettm $0x7FFFFFFF  }
0xc9: {  	_ =	shalt  }
tec
execute0_lowered:
.L_overlay_start_1:
0x0: {  	(tag) =	ssettag $0x1  }
0x1: {  	s7 =	rddreg [dreg:$0x0]  }
0x2: {  	s2 =	rddreg [dreg:$0x1]  }
0x3: {  	s0 =	rddreg [dreg:$0x2]  }
0x4: {  	s1 =	srdreg.scid;
	_ =	strace $0x80000053;
	s4 =	simm.s32 $0x1  }
0x5: {  	s9 =	simm.s32 $0x3;
	s11 =	simm.s32 $0x0;
	s5 =	sshll.u32 s1, $0x4  }
.Ltmp0:
0x6: {  	s1 =	stileid.u32;
	s5 =	sand.u32 $0x10, s5;
	(pc) =	sbr.rel .LBB2_1-.Ltmp0, $4  }
0x7: {  	p0 =	por $0x0, $0x0;
	s3 =	sadd.s32 $0x3A00, s7;
	s6 =	sor.u32 s1, s5  }
0x8: {  	[sflag:s4] =	ssyncpa.u1 $0x0;
	s5 =	simm.s32 $0x2;
	s6 =	sshll.u32 s6, $0xA  }
0x9: {  	s7 =	sadd.s32 $0x83A00, s7;
	[sflag:s5] =	ssyncpa.u1 $0x0;
	s8 =	sadd.s32 $0x400, s6  }
0xa: {  	vm0 =	vmmov $0xff;
	vm1 =	vcmask $0x3F20;
	[sflag:s9] =	ssyncpa.u1 $0x0;
	s10 =	smov.u32 s6;
	s9 =	simm.s32 $0x0  }
.LBB2_7:
0xb: {  	p1 =	slt.u32 s9, $0x2;
	s11 =	sadd.s32 $0x100, s10  }
0xc: {  	s13 =	smov.u32 s6;
	s9 =	sadd.s32 $0x1, s9;
	p2 =	slt.s32 s11, s8  }
0xd: {  	s13 =	smov.u32 @p2 s11;
	p2 =	sne.s32 s9, $0x6  }
.Ltmp1:
0xe: {  	_ = 	snop;
	(pc) =	sbr.rel @!p2 .LBB2_8-.Ltmp1, $4  }
0xf: {  	s12 =	simm.s32 @!p1 $0x3  }
0x10: {  	_ =	swait.ge @!p1 [sflag:s12], $0x8000  }
0x11: {  	p0 =	por !p0, !p0;
	[sflag:s12] =	ssyncset.done @!p1 $0x0  }
0x12: {  	s11 =	smov.u32 s10;
	s10 =	smov.u32 s13;
	[sflag:s12] =	ssyncadd.s32 @!p1 $0xFFFF8000  }
.LBB2_1:
0x13: {  	p1 =	sgt.u32 s9, $0x3  }
0x14: {  	s12 =	sxor.u32 @!p1 $0xFFFFFFFF, s9  }
0x15: {  	s13 =	sshrl.u32 @!p1 s10, $0x3;
	s12 =	sshll.u32 @!p1 s12, $0x8  }
0x16: {  	s14 =	sand.u32 @!p1 $0x7, s10;
	s13 =	sadd.s32 @!p1 s2, s13;
	s12 =	sand.u32 @!p1 $0x100, s12  }
0x17: {  	[tilespmem:s12], [sflag:$0x2] =	stream.linear.gather @!p1 [hbm4b:s13+s14], $0x100, $0x38;
	[tilespmem:$0x10200] =	vst v63  }
0x18: {  	p1 =	seq.s32 s9, $0x0  }
0x19: {  	p2 =	seq.s32 @!p1 s9, $0x5  }
0x1a: {  	p1 =	por p1, p2  }
.Ltmp2:
0x1b: {  	_ = 	snop;
	(pc) =	sbr.rel @p1 .LBB2_7-.Ltmp2, $1  }
0x1c: {  	_ =	sdelay $0x3  }
0x1d: {  	s12 =	simm.s32 $0x1  }
0x1e: {  	_ =	swait.ge [sflag:s5], $0x100;
	s12 =	simm.s32 @!p0 $0x0  }
0x1f: {  	[sflag:s5] =	ssyncset.done $0x0;
	s14 =	sshll.u32 s12, $0x8  }
0x20: {  	[sflag:s5] =	ssyncadd.s32 $0xFFFFFF00;
	s13 =	sadd.s32 $0x0, s14  }
0x21: {  	v0 =	vld.msk [tilespmem:s13+$0x0 ss:$0x1], $0xffff;
	_ =	sdelay $0x4  }
0x22: {  	vm2 =	vgt.s32 v0, $0x0  }
0x23: {  	v0 =	vnsel vm2, $0x0, v0  }
0x24: {  	v0 =	vmin.u32 v0, $0x7FFF  }
0x25: {  	v0 =	vshll.u32 v0, $0x4;
	_ =	sdelay $0x2  }
0x26: {  	s12 =	sshll.u32 s12, $0xF  }
0x27: {  	s12 =	sor.u32 $0x200, s12  }
0x28: {  	[tilespmem:s12], [sflag:$0x1] =	stream.indirect_vreg.gather [hbm:s3], $0x80, v0, vm0, $0x38;
	[tilespmem:$0x10200] =	vst v63  }
0x29: {  	s15 =	sadd.s32 $0x10, s14;
	s13 =	sadd.s32 $0x400, s12  }
0x2a: {  	[tilespmem:s13], [sflag:$0x1] =	stream.indirect_vreg.gather [hbm:s3], $0x80, v0, vm1, $0x38;
	[tilespmem:$0x10200] =	vst v63  }
0x2b: {  	s16 =	simm.s32 $0x80;
	v0 =	vld.msk [tilespmem:s15+$0x0 ss:$0x1], $0xffff;
	s15 =	smov.u32 s12  }
.LBB2_3:
0x2c: {  	p1 =	sne.s32 s16, $0x3C0;
	_ =	sdelay $0x4  }
0x2d: {  	vm2 =	vgt.s32 v0, $0x0  }
0x2e: {  	v0 =	vnsel vm2, $0x0, v0  }
0x2f: {  	v0 =	vmin.u32 v0, $0x7FFF  }
0x30: {  	v0 =	vshll.u32 v0, $0x4;
	_ =	sdelay $0x3  }
.Ltmp3:
0x31: {  	s17 =	sshra.s32 s16, $0x2;
	s15 =	sadd.s32 $0x800, s15;
	(pc) =	sbr.rel @p1 .LBB2_3-.Ltmp3, $4  }
0x32: {  	[tilespmem:s15], [sflag:$0x1] =	stream.indirect_vreg.gather [hbm:s3], $0x80, v0, vm0, $0x38;
	[tilespmem:$0x10200] =	vst v63  }
0x33: {  	s17 =	sadd.s32 s17, s14;
	s18 =	sadd.s32 $0x400, s15  }
0x34: {  	[tilespmem:s18], [sflag:$0x1] =	stream.indirect_vreg.gather [hbm:s3], $0x80, v0, vm1, $0x38;
	[tilespmem:$0x10200] =	vst v63  }
0x35: {  	s16 =	sadd.s32 $0x40, s16;
	v0 =	vld.msk [tilespmem:s17+$0x0 ss:$0x1], $0xffff  }
0x36: {  	_ =	sdelay $0x3  }
0x37: {  	vm2 =	vgt.s32 v0, $0x0  }
0x38: {  	v0 =	vnsel vm2, $0x0, v0  }
0x39: {  	v0 =	vmin.u32 v0, $0x7FFF  }
0x3a: {  	v0 =	vshll.u32 v0, $0x4;
	_ =	sdelay $0x3  }
0x3b: {  	s14 =	sadd.s32 $0x800, s15  }
0x3c: {  	[tilespmem:s14], [sflag:$0x1] =	stream.indirect_vreg.gather [hbm:s3], $0x80, v0, vm0, $0x38;
	[tilespmem:$0x10200] =	vst v63  }
0x3d: {  	s14 =	sadd.s32 $0x400, s14  }
0x3e: {  	[tilespmem:s14], [sflag:$0x1] =	stream.indirect_vreg.gather [hbm:s3], $0x80, v0, vm1, $0x38;
	[tilespmem:$0x10200] =	vst v63  }
0x3f: {  	s11 =	sshll.u32 s11, $0x4;
	_ =	swait.ge [sflag:s4], $0x8000  }
0x40: {  	s11 =	sadd.s32 s11, s7;
	[sflag:s4] =	ssyncset.done $0x0  }
0x41: {  	s15 =	sadd.s32 $0x0, s11;
	s14 =	simm.s32 $0x80;
	[sflag:s4] =	ssyncadd.s32 $0xFFFF8000  }
.LBB2_5:
0x42: {  	[hbm:s15] =	stream.linear.scatter [tilespmem:s12], [sflag:$0x3], $0x400, $0x38;
	[tilespmem:$0x10200] =	vst v63  }
0x43: {  	s15 =	smov.u32 s14;
	s12 =	smov.u32 s13;
	p1 =	sne.s32 s14, $0xF80  }
.Ltmp4:
0x44: {  	s14 =	sadd.s32 $0x80, s14;
	(pc) =	sbr.rel @p1 .LBB2_5-.Ltmp4, $2  }
0x45: {  	_ =	sdelay $0x2  }
0x46: {  	s13 =	sadd.s32 $0x400, s13;
	s15 =	sadd.s32 s15, s11  }
.Ltmp5:
0x47: {  	(pc) =	sbr.rel .LBB2_7-.Ltmp5, $2  }
0x48: {  	_ =	sdelay $0x2  }
0x49: {  	[hbm:s15] =	stream.linear.scatter [tilespmem:s12], [sflag:$0x3], $0x400, $0x38;
	[tilespmem:$0x10200] =	vst v63  }
.LBB2_8:
0x4a: {  	_ =	sfence.sel $0x180000  }
0x4b: {  	s2 =	simm.s32 $0x2;
	[bflag:$0x0] =	sbarrier.arrive $0xFFFF  }
0x4c: {  	s30 =	simm.s32 $0x3;
	[sflag:s2] =	ssyncpa.u1 $0x1  }
0x4d: {  	s31 =	simm.s32 $0x1;
	[sflag:s30] =	ssyncpa.u1 $0x1  }
0x4e: {  	[sflag:s31] =	ssyncpa.u1 $0x1  }
0x4f: {  	p0 =	sne.s32 s1, $0x0;
	_ =	strace $0x90000053  }
0x50: {  	s0 =	sadd.s32 @!p0 $0x100000, s0;
	[bflag:$0x2] =	sbarrier.arrive $0xFFFF  }
0x51: {  	[sflag:s0] =	ssyncadd.tile.s32 @!p0 $0x1;
	_ =	shalt  }
.Lfunc_end2:
_tile_overlayer_lowered:
.L_overlay_start_2:
0x52: {  	(tag) =	ssettag $0x2  }
0x53: {  	s0 =	rddreg [dreg:$0x0];
	s2 =	stileid.u32  }
0x54: {  	s1 =	rddreg [dreg:$0x1];
	p0 =	sne.s32 s2, $0x0  }
0x55: {  	s3 =	rddreg [dreg:$0x2];
	[bflag:$0x3] =	sbarrier.arrive $0xFFFF;
	s2 =	simm.s32 @!p0 $0x1C01  }
0x56: {  	[timem:s3], [sflag:s2] =	dma.local @!p0 [hbm:s0], s1  }
0x57: {  	s0 =	simm.s32 @!p0 $0x1  }
0x58: {  	_ =	swait.ge @!p0 [sflag:s0], s1  }
0x59: {  	s1 =	ssub.s32 @!p0 $0x0, s1;
	[sflag:s0] =	ssyncset.done @!p0 $0x0  }
0x5a: {  	[sflag:s0] =	ssyncadd.s32 @!p0 s1  }
0x5b: {  	[bflag:$0x3] =	sbarrier.arrive $0xFFFF  }
0x5c: {  	_ =	shalt  }

// kernel: gather_offload_async_start.3
scs
__scs_entry_jumppad:
0x0: {  	(pc) =	sbr.rel $0x88, $3  }
0x1: {  	(tag) =	ssettag $0x0;
	lr =	simm.s32 $0x1  }
0x2: {  	[smem:$0x3F95] =	sst lr;
	_ =	strace $0xD0000000  }
0x3: {  	_ = 	snop  }
0x4: {  	_ = 	snop  }
0x5: {  	_ = 	snop  }
0x6: {  	_ = 	snop  }
0x7: {  	_ = 	snop  }
__scs_overlays_trampoline_lowered:
0x8: {  	[smem:$0x3FA4] =	sst s0  }
0x9: {  	[smem:$0x3FA5] =	sst s1  }
0xa: {  	[smem:$0x3FA6] =	sst s2  }
0xb: {  	[smem:$0x3FA7] =	sst s3  }
0xc: {  	[smem:$0x3FA8] =	sst s4  }
0xd: {  	[smem:$0x3FA9] =	sst s5  }
0xe: {  	[smem:$0x3FAA] =	sst s6  }
0xf: {  	[smem:$0x3FAB] =	sst s7  }
0x10: {  	[smem:$0x3FAC] =	sst s8  }
0x11: {  	[smem:$0x3FAD] =	sst s9;
	s0 =	simm.s32 @!p0 $0x0  }
0x12: {  	s1 =	sld [smem:$0x3F93];
	s0 =	simm.s32 @p0 $0x1  }
0x13: {  	[smem:$0x3FAE] =	sst s0;
	s0 =	simm.s32 @!p1 $0x0  }
0x14: {  	s2 =	sld [smem:$0x3F92];
	s0 =	simm.s32 @p1 $0x1  }
0x15: {  	[smem:$0x3FAF] =	sst s0;
	s0 =	simm.s32 @!p2 $0x0  }
0x16: {  	s3 =	sld [smem:$0x3FDB];
	s0 =	simm.s32 @p2 $0x1  }
0x17: {  	s4 =	simm.s32 $0x1BF5;
	[smem:$0x3FB1] =	sst s0  }
0x18: {  	s0 =	sld [smem:$0x3F94];
	_ =	swait.ge [sflag:s4], $0x0  }
0x19: {  	s7 =	sld [smem:$0x3F95]  }
0x1a: {  	s8 =	sadd.s32 $0xFFFFE003, lr  }
0x1b: {  	s9 =	sadd.s32 $0xFFFFFEF7, lr;
	s5 =	simm.s32 $0xFFFFFFFF;
	p2 =	slt.u32 s8, $0xFFFFF086  }
0x1c: {  	p1 =	slt.u32 s9, $0xF7A;
	s5 =	simm.s32 @!p2 $0x0  }
0x1d: {  	s5 =	simm.s32 @p1 $0x1;
	p0 =	seq.s32 s7, s2  }
0x1e: {  	s7 =	smul.u32 @!p0 $0xF7A, s2;
	p2 =	seq.s32 @!p0 s5, $0x0  }
0x1f: {  	s9 =	smul.u32 $0xF7A, s1;
	s8 =	simm.s32 @!p0 $0x1BF5;
	p2 =	por !p2, p0  }
0x20: {  	[sflag:s8] =	ssyncset.s32 @!p0 $0xFFFFF086;
	s6 =	sadd.s32 @!p0 s3, s7;
	s7 =	simm.s32 @!p0 $0x108  }
0x21: {  	s3 =	sadd.s32 s3, s9;
	s6 =	sadd.s32 @!p0 $0x88, s6;
	s7 =	simm.s32 @p2 $0x1082  }
0x22: {  	[simem:s7], [sflag:s8] =	dma.local @!p0 [hbm:s6], $0xF7A  }
0x23: {  	s9 =	sor.u32 $0xD0000000, s2;
	s6 =	simm.s32 $0x108;
	_ =	swait.ge @!p0 [sflag:s8], $0x0  }
0x24: {  	s3 =	sadd.s32 $0x88, s3;
	s6 =	simm.s32 @!p1 $0x1082;
	[sflag:s4] =	ssyncset.s32 $0xFFFFF086  }
0x25: {  	[simem:s6], [sflag:s4] =	dma.local [hbm:s3], $0xF7A  }
0x26: {  	[smem:$0x3F95] =	sst s1;
	(tag) =	ssettag s2;
	_ =	strace s9  }
0x27: {  	s1 =	sld [smem:$0x3FA5]  }
0x28: {  	s2 =	sld [smem:$0x3FA6]  }
0x29: {  	s4 =	sld [smem:$0x3FA8]  }
0x2a: {  	p0 =	seq.s32 s5, $0x0;
	s5 =	sld [smem:$0x3FA9]  }
0x2b: {  	s6 =	sld [smem:$0x3FAA]  }
0x2c: {  	s7 =	sld [smem:$0x3FAB]  }
0x2d: {  	s3 =	simm.s32 $0x108;
	s8 =	sld [smem:$0x3FAC]  }
0x2e: {  	s3 =	simm.s32 @!p0 $0x1082;
	s9 =	sld [smem:$0x3FAD]  }
0x2f: {  	lr =	sadd.s32 s0, s3;
	s0 =	sld [smem:$0x3FA4]  }
0x30: {  	s3 =	sld [smem:$0x3FA7]  }
0x31: {  	[smem:$0x3FB0] =	sst s10  }
0x32: {  	s10 =	sld [smem:$0x3FAE];
	_ =	sdelay $0x3  }
0x33: {  	p0 =	seq.s32 s10, $0x1;
	s10 =	sld [smem:$0x3FB0];
	_ =	sdelay $0x3  }
0x34: {  	[smem:$0x3FB0] =	sst s10  }
0x35: {  	s10 =	sld [smem:$0x3FAF];
	_ =	sdelay $0x3  }
0x36: {  	p1 =	seq.s32 s10, $0x1;
	s10 =	sld [smem:$0x3FB0];
	_ =	sdelay $0x3  }
0x37: {  	[smem:$0x3FB0] =	sst s10  }
0x38: {  	s10 =	sld [smem:$0x3FB1]  }
0x39: {  	_ = 	snop;
	(pc) =	sbr.ind lr, $3  }
0x3a: {  	_ = 	snop  }
0x3b: {  	_ = 	snop  }
0x3c: {  	p2 =	seq.s32 s10, $0x1;
	s10 =	sld [smem:$0x3FB0]  }
0x3d: {  	_ =	shalt  }
0x3e: {  	_ =	shalt  }
0x3f: {  	_ =	shalt  }
0x40: {  	_ =	shalt  }
0x41: {  	_ =	shalt  }
0x42: {  	_ =	shalt  }
0x43: {  	_ =	shalt  }
0x44: {  	_ =	shalt  }
0x45: {  	_ =	shalt  }
0x46: {  	_ =	shalt  }
0x47: {  	_ =	shalt  }
0x48: {  	_ =	shalt  }
0x49: {  	_ =	shalt  }
0x4a: {  	_ =	shalt  }
0x4b: {  	_ =	shalt  }
0x4c: {  	_ =	shalt  }
0x4d: {  	_ =	shalt  }
0x4e: {  	_ =	shalt  }
0x4f: {  	_ =	shalt  }
0x50: {  	_ =	shalt  }
0x51: {  	_ =	shalt  }
0x52: {  	_ =	shalt  }
0x53: {  	_ =	shalt  }
0x54: {  	_ =	shalt  }
0x55: {  	_ =	shalt  }
0x56: {  	_ =	shalt  }
0x57: {  	_ =	shalt  }
0x58: {  	_ =	shalt  }
0x59: {  	_ =	shalt  }
0x5a: {  	_ =	shalt  }
0x5b: {  	_ =	shalt  }
0x5c: {  	_ =	shalt  }
0x5d: {  	_ =	shalt  }
0x5e: {  	_ =	shalt  }
0x5f: {  	_ =	shalt  }
0x60: {  	_ =	shalt  }
0x61: {  	_ =	shalt  }
0x62: {  	_ =	shalt  }
0x63: {  	_ =	shalt  }
0x64: {  	_ =	shalt  }
0x65: {  	_ =	shalt  }
0x66: {  	_ =	shalt  }
0x67: {  	_ =	shalt  }
0x68: {  	_ =	shalt  }
0x69: {  	_ =	shalt  }
0x6a: {  	_ =	shalt  }
0x6b: {  	_ =	shalt  }
0x6c: {  	_ =	shalt  }
0x6d: {  	_ =	shalt  }
0x6e: {  	_ =	shalt  }
0x6f: {  	_ =	shalt  }
0x70: {  	_ =	shalt  }
0x71: {  	_ =	shalt  }
0x72: {  	_ =	shalt  }
0x73: {  	_ =	shalt  }
0x74: {  	_ =	shalt  }
0x75: {  	_ =	shalt  }
0x76: {  	_ =	shalt  }
0x77: {  	_ =	shalt  }
0x78: {  	_ =	shalt  }
0x79: {  	_ =	shalt  }
0x7a: {  	_ =	shalt  }
0x7b: {  	_ =	shalt  }
0x7c: {  	_ =	shalt  }
0x7d: {  	_ =	shalt  }
0x7e: {  	_ =	shalt  }
0x7f: {  	_ =	shalt  }
0x80: {  	_ =	shalt  }
0x81: {  	_ =	shalt  }
0x82: {  	_ =	shalt  }
0x83: {  	_ =	shalt  }
0x84: {  	_ =	shalt  }
0x85: {  	_ =	shalt  }
0x86: {  	_ =	shalt  }
0x87: {  	_ =	shalt  }
.Lfunc_end0:
.L_simem_size_0:
called_computation.5_lowered:
.L_overlay_start_0:
0x88: {  	s2 =	sld [smem:$0x3FD9]  }
0x89: {  	s3 =	sld [smem:$0x3FFE];
	_ =	sdelay $0x1  }
0x8a: {  	s1 =	srdreg.scid  }
0x8b: {  	s0 =	sand.u32 $0x1, s1  }
0x8c: {  	s16 =	sshll.u32 s0, $0xA;
	s2 =	sadd.s32 s3, s2  }
0x8d: {  	s2 =	sadd.s32 s2, s16  }
0x8e: {  	[smem:$0x3FBC] =	sst s2  }
0x8f: {  	_ = 	snop  }
0x90: {  	(tm) =	ssettm $0x1  }
0x91: {  	s17 =	sld [smem:$0x3FFB];
	_ =	sdelay $0x3  }
0x92: {  	_ =	strace s17  }
0x93: {  	s2 =	sld [smem:$0x3FFC];
	_ =	sdelay $0x3  }
0x94: {  	_ =	strace s2  }
0x95: {  	s2 =	sld [smem:$0x3FFD];
	_ =	sdelay $0x3  }
0x96: {  	_ =	strace s2  }
0x97: {  	_ =	strace $0x8FFFFFFF  }
0x98: {  	s18 =	sld [smem:$0x3FDB];
	_ =	sdelay $0x1  }
0x99: {  	s19 =	simm.s32 $_scs_section_size  }
0x9a: {  	s4 =	simm.s32 $_size__tile_overlayer_lowered;
	s5 =	simm.s32 $_tile_overlayer_lowered  }
0x9b: {  	s22 =	simm.s32 $0x1BFF;
	s21 =	sshll.u32 s5, $0x1;
	s2 =	sadd.s32 s19, s18  }
0x9c: {  	s6 =	simm.s32 $0x0;
	s20 =	sshll.u32 s4, $0x1;
	s4 =	sadd.s32 s21, s2  }
0x9d: {  	[timem:s6], [sflag:s22] =	dma.local [hbm:s4], s20  }
0x9e: {  	_ =	swait.ge [sflag:s22], s20  }
0x9f: {  	s3 =	ssub.s32 $0x0, s20;
	[sflag:s22] =	ssyncset.done $0x0  }
0xa0: {  	[sflag:s22] =	ssyncadd.s32 s3;
	_ =	sdelay $0x1  }
0xa1: {  	s23 =	simm.s32 $0x1B8B  }
0xa2: {  	_ =	swait.ge [sflag:s23], $0x1  }
0xa3: {  	[sflag:s23] =	ssyncset.done $0x0  }
0xa4: {  	s25 =	simm.s32 $0x1B8E;
	s24 =	sld [smem:$0x3FFE];
	[sflag:s23] =	ssyncadd.s32 $0xFFFFFFFF  }
0xa5: {  	s26 =	simm.s32 $execute0_lowered;
	[smem:$0x3FD2] =	sst s25  }
0xa6: {  	s4 =	sshll.u32 s26, $0x1;
	_ =	strace $0x8000004F;
	[dreg:$0x1] =	wrdreg $0xFFFFFFFF  }
0xa7: {  	s28 =	simm.s32 $_size_execute0_lowered;
	s2 =	sadd.s32 s2, s4;
	[dreg:$0x0] =	wrdreg $0x0  }
0xa8: {  	s4 =	sshll.u32 s28, $0x1;
	[dreg:$0x2] =	wrdreg s2  }
0xa9: {  	[dreg:$0x3] =	wrdreg s4  }
0xaa: {  	[dreg:$0x4] =	wrdreg $0xC0  }
0xab: {  	_ =	task [dreg:s6], $0x5FFFF  }
0xac: {  	[dreg:$0x1] =	wrdreg $0xFFFFFFFF  }
0xad: {  	[dreg:$0x0] =	wrdreg $0x60  }
0xae: {  	[dreg:$0x2] =	wrdreg s24  }
0xaf: {  	[dreg:$0x3] =	wrdreg $0x9  }
0xb0: {  	_ =	task.clear_ibuf [dreg:s6], $0x4FFFF;
	_ =	strace $0x9000004F  }
0xb1: {  	s29 =	simm.s32 $0x9;
	_ =	strace $0x80000051  }
0xb2: {  	_ =	swait.ge [sflag:s29], $0x1  }
0xb3: {  	[sflag:s29] =	ssyncadd.s32 $0xFFFFFFFF  }
0xb4: {  	_ =	strace $0x90000051  }
0xb5: {  	_ =	sfence  }
0xb6: {  	s30 =	sld [smem:$0x0];
	_ =	sdelay $0x2  }
0xb7: {  	s31 =	sshll.u32 s1, $0xD;
	s1 =	sshrl.u32 s1, $0x2  }
0xb8: {  	s3 =	sand.u32 $0x4000, s31;
	s1 =	sadd.s32 s1, s30  }
0xb9: {  	s0 =	sor.u32 s3, s0;
	s1 =	sshll.u32 s1, $0x11  }
0xba: {  	s0 =	sor.u32 s1, s0  }
0xbb: {  	s0 =	sadd.s32 $0x8F2B, s0  }
0xbc: {  	[sflag:s0] =	ssyncadd.remote.s32 $0x1  }
0xbd: {  	_ =	sfence.sel $0xFFFF  }
0xbe: {  	[dreg:$0x0] =	wrdreg $0xFFFFFFFF;
	(pc) =	sbr.abs _section_cstart, $3  }
0xbf: {  	[dreg:$0x1] =	wrdreg $0xFFFFFFFF  }
0xc0: {  	_ =	task.clear_ibuf [dreg:s6], $0x2FFFF;
	_ =	strace $0x9FFFFFFF  }
0xc1: {  	(tm) =	ssettm $0x7FFFFFFF  }
tec
execute0_lowered:
.L_overlay_start_1:
0x0: {  	(tag) =	ssettag $0x1  }
0x1: {  	s0 =	srdreg.scid;
	s5 =	rddreg [dreg:$0x0]  }
0x2: {  	s1 =	stileid.u32;
	s6 =	simm.s32 $0x1;
	s9 =	simm.s32 $0x1  }
0x3: {  	s10 =	simm.s32 $0x3;
	s13 =	simm.s32 $0x0;
	s2 =	sshll.u32 s0, $0x7  }
0x4: {  	s12 =	simm.s32 $0x0;
	s3 =	sshll.u32 s1, $0x8;
	s2 =	sand.u32 $0x80, s2  }
0x5: {  	s0 =	rddreg [dreg:$0x1];
	_ =	strace $0x80000050;
	s2 =	sor.u32 s3, s2  }
0x6: {  	s4 =	sadd.s32 $0xE00, s5;
	[sflag:s6] =	ssyncpa.u1 $0x0;
	s8 =	ssub.s32 $0x1100, s2  }
.Ltmp0:
0x7: {  	s3 =	sadd.s32 $0x2A00, s5;
	s7 =	sand.u32 $0xF80, s8;
	(pc) =	sbr.rel .LBB2_1-.Ltmp0, $4  }
0x8: {  	s5 =	sadd.s32 $0x400, s5;
	s11 =	smov.u32 s2;
	p0 =	sne.s32 s7, $0x0  }
0x9: {  	s8 =	sshrl.u32 s8, $0xC;
	s7 =	simm.s32 $0x2;
	s9 =	simm.s32 @!p0 $0x0  }
0xa: {  	[sflag:s7] =	ssyncpa.u1 $0x0;
	p0 =	por $0x0, $0x0;
	s8 =	sadd.s32 s9, s8  }
0xb: {  	vm0 =	vmmov $0xffff;
	[sflag:s10] =	ssyncpa.u1 $0x0;
	s10 =	simm.s32 $0x0;
	s9 =	sadd.s32 $0x1, s8  }
.LBB2_4:
0xc: {  	v2 =	vnsel vm1, $0x0, v2  }
0xd: {  	vm1 =	vgt.s32 v0, $0x0;
	v2 =	vmin.u32 v2, $0x7FFF  }
0xe: {  	v0 =	vnsel vm1, $0x0, v0  }
0xf: {  	v0 =	vmin.u32 v0, $0x7FFF  }
0x10: {  	[tilespmem:s15], [sflag:$0x1] =	stream.indirect_vreg.gather [hbm4b:s3+s10], $0x1, v1, vm0, $0x4038;
	[tilespmem:$0x200] =	vst v63  }
0x11: {  	(ifvalue) =	ssetifvalue $0x7FFFFFFF  }
0x12: {  	[tilespmem:s16], [sflag:$0x1] =	stream.indirect_vreg.gather [hbm4b:s3+s10], $0x1, v2, vm0, $0x4038;
	[tilespmem:$0x200] =	vst v63  }
0x13: {  	s29 =	sadd.s32 $0x10, s16;
	(ifvalue) =	ssetifvalue $0x7FFFFFFF  }
0x14: {  	[tilespmem:s29], [sflag:$0x1] =	stream.indirect_vreg.gather [hbm4b:s3+s10], $0x1, v0, vm0, $0x4038;
	[tilespmem:$0x200] =	vst v63  }
0x15: {  	_ =	swait.ge [sflag:s6], $0x80  }
0x16: {  	s30 =	sshrl.u32 s13, $0x3;
	[sflag:s6] =	ssyncset.done $0x0  }
0x17: {  	s31 =	sand.u32 $0x7, s13;
	s15 =	sadd.s32 s5, s30;
	[sflag:s6] =	ssyncadd.s32 $0xFFFFFF80  }
0x18: {  	[hbm4b:s15+s31] =	stream.linear.scatter [tilespmem:s14], [sflag:$0x3], $0x80, $0x38;
	[tilespmem:$0x200] =	vst v63  }
.LBB2_5:
0x19: {  	s15 =	sadd.s32 $0x1000, s11  }
0x1a: {  	p2 =	sgt.s32 s15, $0x10FF  }
0x1b: {  	s15 =	smov.u32 @p2 s2;
	p2 =	sne.s32 s12, s9  }
.Ltmp1:
0x1c: {  	p1 =	slt.u32 s12, $0x2;
	(pc) =	sbr.rel @!p2 .LBB2_6-.Ltmp1, $4  }
0x1d: {  	s14 =	simm.s32 @!p1 $0x3  }
0x1e: {  	s16 =	sadd.s32 $0x1, s12;
	_ =	swait.ge @!p1 [sflag:s14], $0x80  }
0x1f: {  	s13 =	smov.u32 s11;
	p0 =	por !p0, !p0;
	[sflag:s14] =	ssyncset.done @!p1 $0x0  }
0x20: {  	s12 =	smov.u32 s16;
	s11 =	smov.u32 s15;
	[sflag:s14] =	ssyncadd.s32 @!p1 $0xFFFFFF80  }
.LBB2_1:
0x21: {  	p1 =	sge.u32 s12, s8  }
0x22: {  	s14 =	sxor.u32 @!p1 $0xFFFFFFFF, s12  }
0x23: {  	s31 =	sadd.s32 $0xFFFFFFFF, s12;
	s15 =	sshrl.u32 @!p1 s11, $0x3;
	s14 =	sshll.u32 @!p1 s14, $0x7  }
0x24: {  	s16 =	sand.u32 @!p1 $0x7, s11;
	s15 =	sadd.s32 @!p1 s4, s15;
	s14 =	sand.u32 @!p1 $0x80, s14  }
0x25: {  	[tilespmem:s14], [sflag:$0x2] =	stream.linear.gather @!p1 [hbm4b:s15+s16], $0x80, $0x38;
	[tilespmem:$0x200] =	vst v63  }
0x26: {  	p1 =	sge.u32 s31, s8  }
.Ltmp2:
0x27: {  	_ = 	snop;
	(pc) =	sbr.rel @p1 .LBB2_5-.Ltmp2, $1  }
0x28: {  	_ =	sdelay $0x3  }
0x29: {  	s14 =	simm.s32 $0x1  }
0x2a: {  	_ =	swait.ge [sflag:s7], $0x80;
	s14 =	simm.s32 @!p0 $0x0  }
0x2b: {  	[sflag:s7] =	ssyncset.done $0x0;
	s14 =	sshll.u32 s14, $0x7  }
0x2c: {  	[sflag:s7] =	ssyncadd.s32 $0xFFFFFF80;
	(ifvalue) =	ssetifvalue $0x7FFFFFFF;
	v0 =	vld.msk [tilespmem:s14+$0x0 ss:$0x1], $0xffff;
	_ =	sdelay $0x4  }
0x2d: {  	s15 =	sadd.s32 $0x10, s14;
	vm1 =	vgt.s32 v0, $0x0  }
0x2e: {  	v2 =	vld.msk [tilespmem:s15+$0x0 ss:$0x1], $0xffff;
	v1 =	vnsel vm1, $0x0, v0  }
0x2f: {  	v1 =	vmin.u32 v1, $0x7FFF;
	_ =	sdelay $0x1  }
0x30: {  	s16 =	sshll.u32 s12, $0x7;
	s18 =	simm.s32 $0x20  }
0x31: {  	s16 =	sand.u32 $0x80, s16;
	s17 =	sadd.s32 $0x10, s15;
	s15 =	sor.u32 $0x100, s14  }
0x32: {  	s14 =	sor.u32 $0x100, s16;
	s16 =	sadd.s32 $0x10, s15;
	v0 =	vld.msk [tilespmem:s17+$0x0 ss:$0x1], $0xffff;
	vm1 =	vgt.s32 v2, $0x0;
	(ifvalue) =	ssetifvalue $0x7FFFFFFF  }
.LBB2_3:
0x33: {  	[tilespmem:s15], [sflag:$0x1] =	stream.indirect_vreg.gather [hbm4b:s3+s10], $0x1, v1, vm0, $0x4038;
	[tilespmem:$0x200] =	vst v63  }
0x34: {  	s18 =	sadd.s32 $0x10, s18  }
0x35: {  	v2 =	vnsel vm1, $0x0, v2;
	p1 =	slt.u32 s18, $0x70  }
.Ltmp3:
0x36: {  	s15 =	smov.u32 s16;
	v1 =	vmin.u32 v2, $0x7FFF;
	(pc) =	sbr.rel @p1 .LBB2_3-.Ltmp3, $3  }
0x37: {  	_ =	sdelay $0x1  }
0x38: {  	s17 =	sadd.s32 $0x10, s17  }
0x39: {  	vm1 =	vgt.s32 v0, $0x0;
	s16 =	sadd.s32 $0x10, s16;
	v2 =	vmov v0;
	(ifvalue) =	ssetifvalue $0x7FFFFFFF;
	v0 =	vld.msk [tilespmem:s17+$0x0 ss:$0x1], $0xffff  }
.Ltmp4:
0x3a: {  	_ = 	snop;
	(pc) =	sbr.rel .LBB2_4-.Ltmp4, $1  }
0x3b: {  	_ =	sdelay $0x3  }
.LBB2_6:
0x3c: {  	_ =	sfence.sel $0x180000  }
0x3d: {  	s2 =	simm.s32 $0x2;
	[bflag:$0x0] =	sbarrier.arrive $0xFFFF  }
0x3e: {  	s30 =	simm.s32 $0x3;
	[sflag:s2] =	ssyncpa.u1 $0x1  }
0x3f: {  	s31 =	simm.s32 $0x1;
	[sflag:s30] =	ssyncpa.u1 $0x1  }
0x40: {  	[sflag:s31] =	ssyncpa.u1 $0x1  }
0x41: {  	p0 =	sne.s32 s1, $0x0;
	_ =	strace $0x90000050  }
0x42: {  	s0 =	sadd.s32 @!p0 $0x100000, s0;
	[bflag:$0x2] =	sbarrier.arrive $0xFFFF  }
0x43: {  	[sflag:s0] =	ssyncadd.tile.s32 @!p0 $0x1;
	_ =	shalt  }
.Lfunc_end2:
_tile_overlayer_lowered:
.L_overlay_start_2:
0x44: {  	(tag) =	ssettag $0x2  }
0x45: {  	s0 =	rddreg [dreg:$0x0];
	s2 =	stileid.u32  }
0x46: {  	s1 =	rddreg [dreg:$0x1];
	p0 =	sne.s32 s2, $0x0  }
0x47: {  	s3 =	rddreg [dreg:$0x2];
	[bflag:$0x3] =	sbarrier.arrive $0xFFFF;
	s2 =	simm.s32 @!p0 $0x1C01  }
0x48: {  	[timem:s3], [sflag:s2] =	dma.local @!p0 [hbm:s0], s1  }
0x49: {  	s0 =	simm.s32 @!p0 $0x1  }
0x4a: {  	_ =	swait.ge @!p0 [sflag:s0], s1  }
0x4b: {  	s1 =	ssub.s32 @!p0 $0x0, s1;
	[sflag:s0] =	ssyncset.done @!p0 $0x0  }
0x4c: {  	[sflag:s0] =	ssyncadd.s32 @!p0 s1  }
0x4d: {  	[bflag:$0x3] =	sbarrier.arrive $0xFFFF  }
0x4e: {  	_ =	shalt  }

// kernel: gather_offload_async_start
scs
__scs_entry_jumppad:
0x0: {  	(pc) =	sbr.rel $0x88, $3  }
0x1: {  	(tag) =	ssettag $0x0;
	lr =	simm.s32 $0x1  }
0x2: {  	[smem:$0x3F95] =	sst lr;
	_ =	strace $0xD0000000  }
0x3: {  	_ = 	snop  }
0x4: {  	_ = 	snop  }
0x5: {  	_ = 	snop  }
0x6: {  	_ = 	snop  }
0x7: {  	_ = 	snop  }
__scs_overlays_trampoline_lowered:
0x8: {  	[smem:$0x3FA4] =	sst s0  }
0x9: {  	[smem:$0x3FA5] =	sst s1  }
0xa: {  	[smem:$0x3FA6] =	sst s2  }
0xb: {  	[smem:$0x3FA7] =	sst s3  }
0xc: {  	[smem:$0x3FA8] =	sst s4  }
0xd: {  	[smem:$0x3FA9] =	sst s5  }
0xe: {  	[smem:$0x3FAA] =	sst s6  }
0xf: {  	[smem:$0x3FAB] =	sst s7  }
0x10: {  	[smem:$0x3FAC] =	sst s8  }
0x11: {  	[smem:$0x3FAD] =	sst s9;
	s0 =	simm.s32 @!p0 $0x0  }
0x12: {  	s1 =	sld [smem:$0x3F93];
	s0 =	simm.s32 @p0 $0x1  }
0x13: {  	[smem:$0x3FAE] =	sst s0;
	s0 =	simm.s32 @!p1 $0x0  }
0x14: {  	s2 =	sld [smem:$0x3F92];
	s0 =	simm.s32 @p1 $0x1  }
0x15: {  	[smem:$0x3FAF] =	sst s0;
	s0 =	simm.s32 @!p2 $0x0  }
0x16: {  	s3 =	sld [smem:$0x3FDB];
	s0 =	simm.s32 @p2 $0x1  }
0x17: {  	s4 =	simm.s32 $0x1BF5;
	[smem:$0x3FB1] =	sst s0  }
0x18: {  	s0 =	sld [smem:$0x3F94];
	_ =	swait.ge [sflag:s4], $0x0  }
0x19: {  	s7 =	sld [smem:$0x3F95]  }
0x1a: {  	s8 =	sadd.s32 $0xFFFFE003, lr  }
0x1b: {  	s9 =	sadd.s32 $0xFFFFFEF7, lr;
	s5 =	simm.s32 $0xFFFFFFFF;
	p2 =	slt.u32 s8, $0xFFFFF086  }
0x1c: {  	p1 =	slt.u32 s9, $0xF7A;
	s5 =	simm.s32 @!p2 $0x0  }
0x1d: {  	s5 =	simm.s32 @p1 $0x1;
	p0 =	seq.s32 s7, s2  }
0x1e: {  	s7 =	smul.u32 @!p0 $0xF7A, s2;
	p2 =	seq.s32 @!p0 s5, $0x0  }
0x1f: {  	s9 =	smul.u32 $0xF7A, s1;
	s8 =	simm.s32 @!p0 $0x1BF5;
	p2 =	por !p2, p0  }
0x20: {  	[sflag:s8] =	ssyncset.s32 @!p0 $0xFFFFF086;
	s6 =	sadd.s32 @!p0 s3, s7;
	s7 =	simm.s32 @!p0 $0x108  }
0x21: {  	s3 =	sadd.s32 s3, s9;
	s6 =	sadd.s32 @!p0 $0x88, s6;
	s7 =	simm.s32 @p2 $0x1082  }
0x22: {  	[simem:s7], [sflag:s8] =	dma.local @!p0 [hbm:s6], $0xF7A  }
0x23: {  	s9 =	sor.u32 $0xD0000000, s2;
	s6 =	simm.s32 $0x108;
	_ =	swait.ge @!p0 [sflag:s8], $0x0  }
0x24: {  	s3 =	sadd.s32 $0x88, s3;
	s6 =	simm.s32 @!p1 $0x1082;
	[sflag:s4] =	ssyncset.s32 $0xFFFFF086  }
0x25: {  	[simem:s6], [sflag:s4] =	dma.local [hbm:s3], $0xF7A  }
0x26: {  	[smem:$0x3F95] =	sst s1;
	(tag) =	ssettag s2;
	_ =	strace s9  }
0x27: {  	s1 =	sld [smem:$0x3FA5]  }
0x28: {  	s2 =	sld [smem:$0x3FA6]  }
0x29: {  	s4 =	sld [smem:$0x3FA8]  }
0x2a: {  	p0 =	seq.s32 s5, $0x0;
	s5 =	sld [smem:$0x3FA9]  }
0x2b: {  	s6 =	sld [smem:$0x3FAA]  }
0x2c: {  	s7 =	sld [smem:$0x3FAB]  }
0x2d: {  	s3 =	simm.s32 $0x108;
	s8 =	sld [smem:$0x3FAC]  }
0x2e: {  	s3 =	simm.s32 @!p0 $0x1082;
	s9 =	sld [smem:$0x3FAD]  }
0x2f: {  	lr =	sadd.s32 s0, s3;
	s0 =	sld [smem:$0x3FA4]  }
0x30: {  	s3 =	sld [smem:$0x3FA7]  }
0x31: {  	[smem:$0x3FB0] =	sst s10  }
0x32: {  	s10 =	sld [smem:$0x3FAE];
	_ =	sdelay $0x3  }
0x33: {  	p0 =	seq.s32 s10, $0x1;
	s10 =	sld [smem:$0x3FB0];
	_ =	sdelay $0x3  }
0x34: {  	[smem:$0x3FB0] =	sst s10  }
0x35: {  	s10 =	sld [smem:$0x3FAF];
	_ =	sdelay $0x3  }
0x36: {  	p1 =	seq.s32 s10, $0x1;
	s10 =	sld [smem:$0x3FB0];
	_ =	sdelay $0x3  }
0x37: {  	[smem:$0x3FB0] =	sst s10  }
0x38: {  	s10 =	sld [smem:$0x3FB1]  }
0x39: {  	_ = 	snop;
	(pc) =	sbr.ind lr, $3  }
0x3a: {  	_ = 	snop  }
0x3b: {  	_ = 	snop  }
0x3c: {  	p2 =	seq.s32 s10, $0x1;
	s10 =	sld [smem:$0x3FB0]  }
0x3d: {  	_ =	shalt  }
0x3e: {  	_ =	shalt  }
0x3f: {  	_ =	shalt  }
0x40: {  	_ =	shalt  }
0x41: {  	_ =	shalt  }
0x42: {  	_ =	shalt  }
0x43: {  	_ =	shalt  }
0x44: {  	_ =	shalt  }
0x45: {  	_ =	shalt  }
0x46: {  	_ =	shalt  }
0x47: {  	_ =	shalt  }
0x48: {  	_ =	shalt  }
0x49: {  	_ =	shalt  }
0x4a: {  	_ =	shalt  }
0x4b: {  	_ =	shalt  }
0x4c: {  	_ =	shalt  }
0x4d: {  	_ =	shalt  }
0x4e: {  	_ =	shalt  }
0x4f: {  	_ =	shalt  }
0x50: {  	_ =	shalt  }
0x51: {  	_ =	shalt  }
0x52: {  	_ =	shalt  }
0x53: {  	_ =	shalt  }
0x54: {  	_ =	shalt  }
0x55: {  	_ =	shalt  }
0x56: {  	_ =	shalt  }
0x57: {  	_ =	shalt  }
0x58: {  	_ =	shalt  }
0x59: {  	_ =	shalt  }
0x5a: {  	_ =	shalt  }
0x5b: {  	_ =	shalt  }
0x5c: {  	_ =	shalt  }
0x5d: {  	_ =	shalt  }
0x5e: {  	_ =	shalt  }
0x5f: {  	_ =	shalt  }
0x60: {  	_ =	shalt  }
0x61: {  	_ =	shalt  }
0x62: {  	_ =	shalt  }
0x63: {  	_ =	shalt  }
0x64: {  	_ =	shalt  }
0x65: {  	_ =	shalt  }
0x66: {  	_ =	shalt  }
0x67: {  	_ =	shalt  }
0x68: {  	_ =	shalt  }
0x69: {  	_ =	shalt  }
0x6a: {  	_ =	shalt  }
0x6b: {  	_ =	shalt  }
0x6c: {  	_ =	shalt  }
0x6d: {  	_ =	shalt  }
0x6e: {  	_ =	shalt  }
0x6f: {  	_ =	shalt  }
0x70: {  	_ =	shalt  }
0x71: {  	_ =	shalt  }
0x72: {  	_ =	shalt  }
0x73: {  	_ =	shalt  }
0x74: {  	_ =	shalt  }
0x75: {  	_ =	shalt  }
0x76: {  	_ =	shalt  }
0x77: {  	_ =	shalt  }
0x78: {  	_ =	shalt  }
0x79: {  	_ =	shalt  }
0x7a: {  	_ =	shalt  }
0x7b: {  	_ =	shalt  }
0x7c: {  	_ =	shalt  }
0x7d: {  	_ =	shalt  }
0x7e: {  	_ =	shalt  }
0x7f: {  	_ =	shalt  }
0x80: {  	_ =	shalt  }
0x81: {  	_ =	shalt  }
0x82: {  	_ =	shalt  }
0x83: {  	_ =	shalt  }
0x84: {  	_ =	shalt  }
0x85: {  	_ =	shalt  }
0x86: {  	_ =	shalt  }
0x87: {  	_ =	shalt  }
.Lfunc_end0:
.L_simem_size_0:
called_computation.2_lowered:
.L_overlay_start_0:
0x88: {  	s2 =	sld [smem:$0x3FD9]  }
0x89: {  	s3 =	sld [smem:$0x3FFE];
	_ =	sdelay $0x1  }
0x8a: {  	s1 =	srdreg.scid  }
0x8b: {  	s0 =	sand.u32 $0x1, s1  }
0x8c: {  	s14 =	sshll.u32 s0, $0xA;
	s2 =	sadd.s32 s3, s2  }
0x8d: {  	s2 =	sadd.s32 s2, s14  }
0x8e: {  	[smem:$0x3FBC] =	sst s2  }
0x8f: {  	_ = 	snop  }
0x90: {  	s2 =	sld [smem:$0x3FD0];
	_ =	sdelay $0x2  }
0x91: {  	s15 =	simm.s32 $0xA;
	s4 =	simm.s32 $0x10  }
0x92: {  	[smem:s4], [sflag:s15] =	dma.local [hbm:s2], $0x1  }
0x93: {  	_ =	swait.eq [sflag:s15], $0x1  }
0x94: {  	[sflag:s15] =	ssyncset.done $0x0  }
0x95: {  	[sflag:s15] =	ssyncadd.s32 $0xFFFFFFFF  }
0x96: {  	s16 =	sld [smem:$0x10];
	(tm) =	ssettm $0x1  }
0x97: {  	s17 =	sld [smem:$0x3FFB];
	_ =	sdelay $0x3  }
0x98: {  	_ =	strace s17  }
0x99: {  	s3 =	sld [smem:$0x3FFC];
	_ =	sdelay $0x3  }
0x9a: {  	_ =	strace s3  }
0x9b: {  	s3 =	sld [smem:$0x3FFD];
	_ =	sdelay $0x3  }
0x9c: {  	_ =	strace s3  }
0x9d: {  	_ =	strace $0x8FFFFFFF  }
0x9e: {  	s18 =	sld [smem:$0x3FDB];
	_ =	sdelay $0x1  }
0x9f: {  	s19 =	simm.s32 $_scs_section_size  }
0xa0: {  	s5 =	simm.s32 $_size__tile_overlayer_lowered;
	s6 =	simm.s32 $_tile_overlayer_lowered  }
0xa1: {  	s22 =	simm.s32 $0x1BFF;
	s21 =	sshll.u32 s6, $0x1;
	s3 =	sadd.s32 s19, s18  }
0xa2: {  	s7 =	simm.s32 $0x0;
	s20 =	sshll.u32 s5, $0x1;
	s5 =	sadd.s32 s21, s3  }
0xa3: {  	[timem:s7], [sflag:s22] =	dma.local [hbm:s5], s20  }
0xa4: {  	_ =	swait.ge [sflag:s22], s20  }
0xa5: {  	s4 =	ssub.s32 $0x0, s20;
	[sflag:s22] =	ssyncset.done $0x0  }
0xa6: {  	[sflag:s22] =	ssyncadd.s32 s4;
	_ =	sdelay $0x1  }
0xa7: {  	s23 =	simm.s32 $0x1B8B  }
0xa8: {  	_ =	swait.ge [sflag:s23], $0x1  }
0xa9: {  	[sflag:s23] =	ssyncset.done $0x0  }
0xaa: {  	s25 =	simm.s32 $0x1B8E;
	s24 =	sld [smem:$0x3FFE];
	[sflag:s23] =	ssyncadd.s32 $0xFFFFFFFF  }
0xab: {  	s26 =	simm.s32 $execute0_lowered;
	[smem:$0x3FD2] =	sst s25  }
0xac: {  	s5 =	sshll.u32 s26, $0x1;
	_ =	strace $0x80000055;
	[dreg:$0x1] =	wrdreg $0xFFFFFFFF  }
0xad: {  	s28 =	simm.s32 $_size_execute0_lowered;
	s3 =	sadd.s32 s3, s5;
	[dreg:$0x0] =	wrdreg $0x0  }
0xae: {  	s5 =	sshll.u32 s28, $0x1;
	[dreg:$0x2] =	wrdreg s3  }
0xaf: {  	[dreg:$0x3] =	wrdreg s5  }
0xb0: {  	[dreg:$0x4] =	wrdreg $0xC0  }
0xb1: {  	_ =	task [dreg:s7], $0x5FFFF  }
0xb2: {  	[dreg:$0x1] =	wrdreg $0xFFFFFFFF  }
0xb3: {  	[dreg:$0x0] =	wrdreg $0x60  }
0xb4: {  	[dreg:$0x2] =	wrdreg s16  }
0xb5: {  	[dreg:$0x3] =	wrdreg s24  }
0xb6: {  	[dreg:$0x4] =	wrdreg $0x9  }
0xb7: {  	_ =	task.clear_ibuf [dreg:s7], $0x5FFFF;
	_ =	strace $0x90000055  }
0xb8: {  	s29 =	simm.s32 $0x9;
	_ =	strace $0x80000057  }
0xb9: {  	_ =	swait.ge [sflag:s29], $0x1  }
0xba: {  	[sflag:s29] =	ssyncadd.s32 $0xFFFFFFFF  }
0xbb: {  	_ =	strace $0x90000057  }
0xbc: {  	_ =	sfence  }
0xbd: {  	s30 =	sld [smem:$0x0];
	_ =	sdelay $0x2  }
0xbe: {  	s31 =	sshll.u32 s1, $0xD;
	s1 =	sshrl.u32 s1, $0x2  }
0xbf: {  	s3 =	sand.u32 $0x4000, s31;
	s1 =	sadd.s32 s1, s30  }
0xc0: {  	s0 =	sor.u32 s3, s0;
	s1 =	sshll.u32 s1, $0x11  }
0xc1: {  	s0 =	sor.u32 s1, s0  }
0xc2: {  	s0 =	sadd.s32 $0x8F2B, s0  }
0xc3: {  	[sflag:s0] =	ssyncadd.remote.s32 $0x1  }
0xc4: {  	_ =	sfence.sel $0xFFFF  }
0xc5: {  	[dreg:$0x0] =	wrdreg $0xFFFFFFFF;
	(pc) =	sbr.abs _section_cstart, $3  }
0xc6: {  	[dreg:$0x1] =	wrdreg $0xFFFFFFFF  }
0xc7: {  	_ =	task.clear_ibuf [dreg:s7], $0x2FFFF;
	_ =	strace $0x9FFFFFFF  }
0xc8: {  	(tm) =	ssettm $0x7FFFFFFF  }
0xc9: {  	_ =	shalt  }
tec
execute0_lowered:
.L_overlay_start_1:
0x0: {  	(tag) =	ssettag $0x1  }
0x1: {  	s1 =	srdreg.scid;
	s2 =	rddreg [dreg:$0x0]  }
0x2: {  	s0 =	stileid.u32;
	s3 =	rddreg [dreg:$0x1]  }
0x3: {  	s6 =	simm.s32 $0x1;
	s9 =	simm.s32 $0x1;
	s1 =	sshll.u32 s1, $0x7  }
0x4: {  	s10 =	simm.s32 $0x3;
	s4 =	sshll.u32 s0, $0x8;
	s5 =	sand.u32 $0x80, s1  }
0x5: {  	s13 =	simm.s32 $0x0;
	s12 =	simm.s32 $0x0;
	s4 =	sor.u32 s4, s5  }
0x6: {  	s1 =	rddreg [dreg:$0x2];
	_ =	strace $0x80000056;
	s8 =	ssub.s32 $0x1100, s4  }
.Ltmp0:
0x7: {  	s5 =	sadd.s32 $0x1200, s3;
	s7 =	sand.u32 $0xF80, s8;
	(pc) =	sbr.rel .LBB2_1-.Ltmp0, $4  }
0x8: {  	[sflag:s6] =	ssyncpa.u1 $0x0;
	s11 =	smov.u32 s4;
	p0 =	sne.s32 s7, $0x0  }
0x9: {  	s8 =	sshrl.u32 s8, $0xC;
	s7 =	simm.s32 $0x2;
	s9 =	simm.s32 @!p0 $0x0  }
0xa: {  	[sflag:s7] =	ssyncpa.u1 $0x0;
	p0 =	por $0x0, $0x0;
	s8 =	sadd.s32 s9, s8  }
0xb: {  	vm0 =	vmmov $0xffff;
	[sflag:s10] =	ssyncpa.u1 $0x0;
	s10 =	simm.s32 $0x0;
	s9 =	sadd.s32 $0x1, s8  }
.LBB2_4:
0xc: {  	v2 =	vnsel vm1, $0x0, v2  }
0xd: {  	vm1 =	vgt.s32 v0, $0x0;
	v2 =	vmin.u32 v2, $0x10FF  }
0xe: {  	v0 =	vnsel vm1, $0x0, v0  }
0xf: {  	v0 =	vmin.u32 v0, $0x10FF  }
0x10: {  	[tilespmem:s15], [sflag:$0x1] =	stream.indirect_vreg.gather [hbm4b:s2+s10], $0x1, v1, vm0, $0x4038;
	[tilespmem:$0x200] =	vst v63  }
0x11: {  	(ifvalue) =	ssetifvalue $0x7FFFFFFF  }
0x12: {  	[tilespmem:s16], [sflag:$0x1] =	stream.indirect_vreg.gather [hbm4b:s2+s10], $0x1, v2, vm0, $0x4038;
	[tilespmem:$0x200] =	vst v63  }
0x13: {  	s29 =	sadd.s32 $0x10, s16;
	(ifvalue) =	ssetifvalue $0x7FFFFFFF  }
0x14: {  	[tilespmem:s29], [sflag:$0x1] =	stream.indirect_vreg.gather [hbm4b:s2+s10], $0x1, v0, vm0, $0x4038;
	[tilespmem:$0x200] =	vst v63  }
0x15: {  	_ =	swait.ge [sflag:s6], $0x80  }
0x16: {  	s30 =	sshrl.u32 s13, $0x3;
	[sflag:s6] =	ssyncset.done $0x0  }
0x17: {  	s31 =	sand.u32 $0x7, s13;
	s15 =	sadd.s32 s3, s30;
	[sflag:s6] =	ssyncadd.s32 $0xFFFFFF80  }
0x18: {  	[hbm4b:s15+s31] =	stream.linear.scatter [tilespmem:s14], [sflag:$0x3], $0x80, $0x38;
	[tilespmem:$0x200] =	vst v63  }
.LBB2_5:
0x19: {  	s15 =	sadd.s32 $0x1000, s11  }
0x1a: {  	p2 =	sgt.s32 s15, $0x10FF  }
0x1b: {  	s15 =	smov.u32 @p2 s4;
	p2 =	sne.s32 s12, s9  }
.Ltmp1:
0x1c: {  	p1 =	slt.u32 s12, $0x2;
	(pc) =	sbr.rel @!p2 .LBB2_6-.Ltmp1, $4  }
0x1d: {  	s14 =	simm.s32 @!p1 $0x3  }
0x1e: {  	s16 =	sadd.s32 $0x1, s12;
	_ =	swait.ge @!p1 [sflag:s14], $0x80  }
0x1f: {  	s13 =	smov.u32 s11;
	p0 =	por !p0, !p0;
	[sflag:s14] =	ssyncset.done @!p1 $0x0  }
0x20: {  	s12 =	smov.u32 s16;
	s11 =	smov.u32 s15;
	[sflag:s14] =	ssyncadd.s32 @!p1 $0xFFFFFF80  }
.LBB2_1:
0x21: {  	p1 =	sge.u32 s12, s8  }
0x22: {  	s14 =	sxor.u32 @!p1 $0xFFFFFFFF, s12  }
0x23: {  	s31 =	sadd.s32 $0xFFFFFFFF, s12;
	s15 =	sshrl.u32 @!p1 s11, $0x3;
	s14 =	sshll.u32 @!p1 s14, $0x7  }
0x24: {  	s16 =	sand.u32 @!p1 $0x7, s11;
	s15 =	sadd.s32 @!p1 s5, s15;
	s14 =	sand.u32 @!p1 $0x80, s14  }
0x25: {  	[tilespmem:s14], [sflag:$0x2] =	stream.linear.gather @!p1 [hbm4b:s15+s16], $0x80, $0x38;
	[tilespmem:$0x200] =	vst v63  }
0x26: {  	p1 =	sge.u32 s31, s8  }
.Ltmp2:
0x27: {  	_ = 	snop;
	(pc) =	sbr.rel @p1 .LBB2_5-.Ltmp2, $1  }
0x28: {  	_ =	sdelay $0x3  }
0x29: {  	s14 =	simm.s32 $0x1  }
0x2a: {  	_ =	swait.ge [sflag:s7], $0x80;
	s14 =	simm.s32 @!p0 $0x0  }
0x2b: {  	[sflag:s7] =	ssyncset.done $0x0;
	s14 =	sshll.u32 s14, $0x7  }
0x2c: {  	[sflag:s7] =	ssyncadd.s32 $0xFFFFFF80;
	(ifvalue) =	ssetifvalue $0x7FFFFFFF;
	v0 =	vld.msk [tilespmem:s14+$0x0 ss:$0x1], $0xffff;
	_ =	sdelay $0x4  }
0x2d: {  	s15 =	sadd.s32 $0x10, s14;
	vm1 =	vgt.s32 v0, $0x0  }
0x2e: {  	v2 =	vld.msk [tilespmem:s15+$0x0 ss:$0x1], $0xffff;
	v1 =	vnsel vm1, $0x0, v0  }
0x2f: {  	v1 =	vmin.u32 v1, $0x10FF;
	_ =	sdelay $0x1  }
0x30: {  	s16 =	sshll.u32 s12, $0x7;
	s18 =	simm.s32 $0x20  }
0x31: {  	s16 =	sand.u32 $0x80, s16;
	s17 =	sadd.s32 $0x10, s15;
	s15 =	sor.u32 $0x100, s14  }
0x32: {  	s14 =	sor.u32 $0x100, s16;
	s16 =	sadd.s32 $0x10, s15;
	v0 =	vld.msk [tilespmem:s17+$0x0 ss:$0x1], $0xffff;
	vm1 =	vgt.s32 v2, $0x0;
	(ifvalue) =	ssetifvalue $0x7FFFFFFF  }
.LBB2_3:
0x33: {  	[tilespmem:s15], [sflag:$0x1] =	stream.indirect_vreg.gather [hbm4b:s2+s10], $0x1, v1, vm0, $0x4038;
	[tilespmem:$0x200] =	vst v63  }
0x34: {  	s18 =	sadd.s32 $0x10, s18  }
0x35: {  	v2 =	vnsel vm1, $0x0, v2;
	p1 =	slt.u32 s18, $0x70  }
.Ltmp3:
0x36: {  	s15 =	smov.u32 s16;
	v1 =	vmin.u32 v2, $0x10FF;
	(pc) =	sbr.rel @p1 .LBB2_3-.Ltmp3, $3  }
0x37: {  	_ =	sdelay $0x1  }
0x38: {  	s17 =	sadd.s32 $0x10, s17  }
0x39: {  	vm1 =	vgt.s32 v0, $0x0;
	s16 =	sadd.s32 $0x10, s16;
	v2 =	vmov v0;
	(ifvalue) =	ssetifvalue $0x7FFFFFFF;
	v0 =	vld.msk [tilespmem:s17+$0x0 ss:$0x1], $0xffff  }
.Ltmp4:
0x3a: {  	_ = 	snop;
	(pc) =	sbr.rel .LBB2_4-.Ltmp4, $1  }
0x3b: {  	_ =	sdelay $0x3  }
.LBB2_6:
0x3c: {  	_ =	sfence.sel $0x180000  }
0x3d: {  	s2 =	simm.s32 $0x2;
	[bflag:$0x0] =	sbarrier.arrive $0xFFFF  }
0x3e: {  	s30 =	simm.s32 $0x3;
	[sflag:s2] =	ssyncpa.u1 $0x1  }
0x3f: {  	s31 =	simm.s32 $0x1;
	[sflag:s30] =	ssyncpa.u1 $0x1  }
0x40: {  	[sflag:s31] =	ssyncpa.u1 $0x1  }
0x41: {  	p0 =	sne.s32 s0, $0x0;
	_ =	strace $0x90000056  }
0x42: {  	s0 =	sadd.s32 @!p0 $0x100000, s1;
	[bflag:$0x2] =	sbarrier.arrive $0xFFFF  }
0x43: {  	[sflag:s0] =	ssyncadd.tile.s32 @!p0 $0x1;
	_ =	shalt  }
.Lfunc_end2:
_tile_overlayer_lowered:
.L_overlay_start_2:
0x44: {  	(tag) =	ssettag $0x2  }
0x45: {  	s0 =	rddreg [dreg:$0x0];
	s2 =	stileid.u32  }
0x46: {  	s1 =	rddreg [dreg:$0x1];
	p0 =	sne.s32 s2, $0x0  }
0x47: {  	s3 =	rddreg [dreg:$0x2];
	[bflag:$0x3] =	sbarrier.arrive $0xFFFF;
	s2 =	simm.s32 @!p0 $0x1C01  }
0x48: {  	[timem:s3], [sflag:s2] =	dma.local @!p0 [hbm:s0], s1  }
0x49: {  	s0 =	simm.s32 @!p0 $0x1  }
0x4a: {  	_ =	swait.ge @!p0 [sflag:s0], s1  }
0x4b: {  	s1 =	ssub.s32 @!p0 $0x0, s1;
	[sflag:s0] =	ssyncset.done @!p0 $0x0  }
0x4c: {  	[sflag:s0] =	ssyncadd.s32 @!p0 s1  }
0x4d: {  	[bflag:$0x3] =	sbarrier.arrive $0xFFFF  }
0x4e: {  	_ =	shalt  }

// kernel: scatter_offload_async_start.1
scs
__scs_entry_jumppad:
0x0: {  	(pc) =	sbr.rel $0x88, $3  }
0x1: {  	(tag) =	ssettag $0x0;
	lr =	simm.s32 $0x1  }
0x2: {  	[smem:$0x3F95] =	sst lr;
	_ =	strace $0xD0000000  }
0x3: {  	_ = 	snop  }
0x4: {  	_ = 	snop  }
0x5: {  	_ = 	snop  }
0x6: {  	_ = 	snop  }
0x7: {  	_ = 	snop  }
__scs_overlays_trampoline_lowered:
0x8: {  	[smem:$0x3FA4] =	sst s0  }
0x9: {  	[smem:$0x3FA5] =	sst s1  }
0xa: {  	[smem:$0x3FA6] =	sst s2  }
0xb: {  	[smem:$0x3FA7] =	sst s3  }
0xc: {  	[smem:$0x3FA8] =	sst s4  }
0xd: {  	[smem:$0x3FA9] =	sst s5  }
0xe: {  	[smem:$0x3FAA] =	sst s6  }
0xf: {  	[smem:$0x3FAB] =	sst s7  }
0x10: {  	[smem:$0x3FAC] =	sst s8  }
0x11: {  	[smem:$0x3FAD] =	sst s9;
	s0 =	simm.s32 @!p0 $0x0  }
0x12: {  	s1 =	sld [smem:$0x3F93];
	s0 =	simm.s32 @p0 $0x1  }
0x13: {  	[smem:$0x3FAE] =	sst s0;
	s0 =	simm.s32 @!p1 $0x0  }
0x14: {  	s2 =	sld [smem:$0x3F92];
	s0 =	simm.s32 @p1 $0x1  }
0x15: {  	[smem:$0x3FAF] =	sst s0;
	s0 =	simm.s32 @!p2 $0x0  }
0x16: {  	s3 =	sld [smem:$0x3FDB];
	s0 =	simm.s32 @p2 $0x1  }
0x17: {  	s4 =	simm.s32 $0x1BF5;
	[smem:$0x3FB1] =	sst s0  }
0x18: {  	s0 =	sld [smem:$0x3F94];
	_ =	swait.ge [sflag:s4], $0x0  }
0x19: {  	s7 =	sld [smem:$0x3F95]  }
0x1a: {  	s8 =	sadd.s32 $0xFFFFE003, lr  }
0x1b: {  	s9 =	sadd.s32 $0xFFFFFEF7, lr;
	s5 =	simm.s32 $0xFFFFFFFF;
	p2 =	slt.u32 s8, $0xFFFFF086  }
0x1c: {  	p1 =	slt.u32 s9, $0xF7A;
	s5 =	simm.s32 @!p2 $0x0  }
0x1d: {  	s5 =	simm.s32 @p1 $0x1;
	p0 =	seq.s32 s7, s2  }
0x1e: {  	s7 =	smul.u32 @!p0 $0xF7A, s2;
	p2 =	seq.s32 @!p0 s5, $0x0  }
0x1f: {  	s9 =	smul.u32 $0xF7A, s1;
	s8 =	simm.s32 @!p0 $0x1BF5;
	p2 =	por !p2, p0  }
0x20: {  	[sflag:s8] =	ssyncset.s32 @!p0 $0xFFFFF086;
	s6 =	sadd.s32 @!p0 s3, s7;
	s7 =	simm.s32 @!p0 $0x108  }
0x21: {  	s3 =	sadd.s32 s3, s9;
	s6 =	sadd.s32 @!p0 $0x88, s6;
	s7 =	simm.s32 @p2 $0x1082  }
0x22: {  	[simem:s7], [sflag:s8] =	dma.local @!p0 [hbm:s6], $0xF7A  }
0x23: {  	s9 =	sor.u32 $0xD0000000, s2;
	s6 =	simm.s32 $0x108;
	_ =	swait.ge @!p0 [sflag:s8], $0x0  }
0x24: {  	s3 =	sadd.s32 $0x88, s3;
	s6 =	simm.s32 @!p1 $0x1082;
	[sflag:s4] =	ssyncset.s32 $0xFFFFF086  }
0x25: {  	[simem:s6], [sflag:s4] =	dma.local [hbm:s3], $0xF7A  }
0x26: {  	[smem:$0x3F95] =	sst s1;
	(tag) =	ssettag s2;
	_ =	strace s9  }
0x27: {  	s1 =	sld [smem:$0x3FA5]  }
0x28: {  	s2 =	sld [smem:$0x3FA6]  }
0x29: {  	s4 =	sld [smem:$0x3FA8]  }
0x2a: {  	p0 =	seq.s32 s5, $0x0;
	s5 =	sld [smem:$0x3FA9]  }
0x2b: {  	s6 =	sld [smem:$0x3FAA]  }
0x2c: {  	s7 =	sld [smem:$0x3FAB]  }
0x2d: {  	s3 =	simm.s32 $0x108;
	s8 =	sld [smem:$0x3FAC]  }
0x2e: {  	s3 =	simm.s32 @!p0 $0x1082;
	s9 =	sld [smem:$0x3FAD]  }
0x2f: {  	lr =	sadd.s32 s0, s3;
	s0 =	sld [smem:$0x3FA4]  }
0x30: {  	s3 =	sld [smem:$0x3FA7]  }
0x31: {  	[smem:$0x3FB0] =	sst s10  }
0x32: {  	s10 =	sld [smem:$0x3FAE];
	_ =	sdelay $0x3  }
0x33: {  	p0 =	seq.s32 s10, $0x1;
	s10 =	sld [smem:$0x3FB0];
	_ =	sdelay $0x3  }
0x34: {  	[smem:$0x3FB0] =	sst s10  }
0x35: {  	s10 =	sld [smem:$0x3FAF];
	_ =	sdelay $0x3  }
0x36: {  	p1 =	seq.s32 s10, $0x1;
	s10 =	sld [smem:$0x3FB0];
	_ =	sdelay $0x3  }
0x37: {  	[smem:$0x3FB0] =	sst s10  }
0x38: {  	s10 =	sld [smem:$0x3FB1]  }
0x39: {  	_ = 	snop;
	(pc) =	sbr.ind lr, $3  }
0x3a: {  	_ = 	snop  }
0x3b: {  	_ = 	snop  }
0x3c: {  	p2 =	seq.s32 s10, $0x1;
	s10 =	sld [smem:$0x3FB0]  }
0x3d: {  	_ =	shalt  }
0x3e: {  	_ =	shalt  }
0x3f: {  	_ =	shalt  }
0x40: {  	_ =	shalt  }
0x41: {  	_ =	shalt  }
0x42: {  	_ =	shalt  }
0x43: {  	_ =	shalt  }
0x44: {  	_ =	shalt  }
0x45: {  	_ =	shalt  }
0x46: {  	_ =	shalt  }
0x47: {  	_ =	shalt  }
0x48: {  	_ =	shalt  }
0x49: {  	_ =	shalt  }
0x4a: {  	_ =	shalt  }
0x4b: {  	_ =	shalt  }
0x4c: {  	_ =	shalt  }
0x4d: {  	_ =	shalt  }
0x4e: {  	_ =	shalt  }
0x4f: {  	_ =	shalt  }
0x50: {  	_ =	shalt  }
0x51: {  	_ =	shalt  }
0x52: {  	_ =	shalt  }
0x53: {  	_ =	shalt  }
0x54: {  	_ =	shalt  }
0x55: {  	_ =	shalt  }
0x56: {  	_ =	shalt  }
0x57: {  	_ =	shalt  }
0x58: {  	_ =	shalt  }
0x59: {  	_ =	shalt  }
0x5a: {  	_ =	shalt  }
0x5b: {  	_ =	shalt  }
0x5c: {  	_ =	shalt  }
0x5d: {  	_ =	shalt  }
0x5e: {  	_ =	shalt  }
0x5f: {  	_ =	shalt  }
0x60: {  	_ =	shalt  }
0x61: {  	_ =	shalt  }
0x62: {  	_ =	shalt  }
0x63: {  	_ =	shalt  }
0x64: {  	_ =	shalt  }
0x65: {  	_ =	shalt  }
0x66: {  	_ =	shalt  }
0x67: {  	_ =	shalt  }
0x68: {  	_ =	shalt  }
0x69: {  	_ =	shalt  }
0x6a: {  	_ =	shalt  }
0x6b: {  	_ =	shalt  }
0x6c: {  	_ =	shalt  }
0x6d: {  	_ =	shalt  }
0x6e: {  	_ =	shalt  }
0x6f: {  	_ =	shalt  }
0x70: {  	_ =	shalt  }
0x71: {  	_ =	shalt  }
0x72: {  	_ =	shalt  }
0x73: {  	_ =	shalt  }
0x74: {  	_ =	shalt  }
0x75: {  	_ =	shalt  }
0x76: {  	_ =	shalt  }
0x77: {  	_ =	shalt  }
0x78: {  	_ =	shalt  }
0x79: {  	_ =	shalt  }
0x7a: {  	_ =	shalt  }
0x7b: {  	_ =	shalt  }
0x7c: {  	_ =	shalt  }
0x7d: {  	_ =	shalt  }
0x7e: {  	_ =	shalt  }
0x7f: {  	_ =	shalt  }
0x80: {  	_ =	shalt  }
0x81: {  	_ =	shalt  }
0x82: {  	_ =	shalt  }
0x83: {  	_ =	shalt  }
0x84: {  	_ =	shalt  }
0x85: {  	_ =	shalt  }
0x86: {  	_ =	shalt  }
0x87: {  	_ =	shalt  }
.Lfunc_end0:
.L_simem_size_0:
called_computation.1_lowered:
.L_overlay_start_0:
0x88: {  	s0 =	sld [smem:$0x3FD9]  }
0x89: {  	s1 =	sld [smem:$0x3FFE];
	_ =	sdelay $0x3  }
0x8a: {  	s0 =	sadd.s32 s1, s0  }
0x8b: {  	[smem:$0x3FBC] =	sst s0  }
0x8c: {  	_ = 	snop  }
0x8d: {  	s0 =	sld [smem:$0x3FD0];
	_ =	sdelay $0x2  }
0x8e: {  	s13 =	simm.s32 $0xA;
	s2 =	simm.s32 $0x10  }
0x8f: {  	[smem:s2], [sflag:s13] =	dma.local [hbm:s0], $0x1  }
0x90: {  	_ =	swait.eq [sflag:s13], $0x1  }
0x91: {  	[sflag:s13] =	ssyncset.done $0x0  }
0x92: {  	[sflag:s13] =	ssyncadd.s32 $0xFFFFFFFF  }
0x93: {  	s14 =	sld [smem:$0x10];
	(tm) =	ssettm $0x1  }
0x94: {  	s15 =	sld [smem:$0x3FFB];
	_ =	sdelay $0x3  }
0x95: {  	_ =	strace s15  }
0x96: {  	s1 =	sld [smem:$0x3FFC];
	_ =	sdelay $0x3  }
0x97: {  	_ =	strace s1  }
0x98: {  	s1 =	sld [smem:$0x3FFD];
	_ =	sdelay $0x3  }
0x99: {  	_ =	strace s1  }
0x9a: {  	_ =	strace $0x8FFFFFFF  }
0x9b: {  	s16 =	sld [smem:$0x3FDB];
	_ =	sdelay $0x1  }
0x9c: {  	s17 =	simm.s32 $_scs_section_size  }
0x9d: {  	s3 =	simm.s32 $_size__tile_overlayer_lowered;
	s4 =	simm.s32 $_tile_overlayer_lowered  }
0x9e: {  	s20 =	simm.s32 $0x1BFF;
	s19 =	sshll.u32 s4, $0x1;
	s1 =	sadd.s32 s17, s16  }
0x9f: {  	s5 =	simm.s32 $0x0;
	s18 =	sshll.u32 s3, $0x1;
	s3 =	sadd.s32 s19, s1  }
0xa0: {  	[timem:s5], [sflag:s20] =	dma.local [hbm:s3], s18  }
0xa1: {  	_ =	swait.ge [sflag:s20], s18  }
0xa2: {  	s2 =	ssub.s32 $0x0, s18;
	[sflag:s20] =	ssyncset.done $0x0  }
0xa3: {  	[sflag:s20] =	ssyncadd.s32 s2;
	_ =	sdelay $0x1  }
0xa4: {  	s21 =	simm.s32 $0x1B8B  }
0xa5: {  	_ =	swait.ge [sflag:s21], $0x1  }
0xa6: {  	[sflag:s21] =	ssyncset.done $0x0  }
0xa7: {  	s23 =	simm.s32 $0x1B8E;
	s22 =	sld [smem:$0x3FFE];
	[sflag:s21] =	ssyncadd.s32 $0xFFFFFFFF  }
0xa8: {  	s24 =	simm.s32 $execute0_lowered;
	[smem:$0x3FD2] =	sst s23  }
0xa9: {  	s3 =	sshll.u32 s24, $0x1;
	_ =	strace $0x8000004C;
	[dreg:$0x1] =	wrdreg $0xFFFFFFFF  }
0xaa: {  	s25 =	simm.s32 $_size_execute0_lowered;
	s1 =	sadd.s32 s1, s3;
	[dreg:$0x0] =	wrdreg $0x0  }
0xab: {  	s3 =	sshll.u32 s25, $0x1;
	[dreg:$0x2] =	wrdreg s1  }
0xac: {  	[dreg:$0x3] =	wrdreg s3  }
0xad: {  	[dreg:$0x4] =	wrdreg $0xC0  }
0xae: {  	_ =	task [dreg:s5], $0x5FFFF  }
0xaf: {  	[dreg:$0x1] =	wrdreg $0xFFFFFFFF  }
0xb0: {  	[dreg:$0x0] =	wrdreg $0x60  }
0xb1: {  	[dreg:$0x2] =	wrdreg s22  }
0xb2: {  	[dreg:$0x3] =	wrdreg s14  }
0xb3: {  	[dreg:$0x4] =	wrdreg $0x9  }
0xb4: {  	_ =	task.clear_ibuf [dreg:s5], $0x5FFFF;
	_ =	strace $0x9000004C  }
0xb5: {  	s26 =	simm.s32 $0x9;
	_ =	strace $0x8000004E  }
0xb6: {  	_ =	swait.ge [sflag:s26], $0x1  }
0xb7: {  	[sflag:s26] =	ssyncadd.s32 $0xFFFFFFFF  }
0xb8: {  	_ =	strace $0x9000004E  }
0xb9: {  	_ =	sfence  }
0xba: {  	s28 =	sld [smem:$0x0];
	_ =	sdelay $0x1  }
0xbb: {  	s29 =	srdreg.scid  }
0xbc: {  	s30 =	sshll.u32 s29, $0xD;
	s31 =	sshrl.u32 s29, $0x2  }
0xbd: {  	s2 =	sand.u32 $0x4000, s30;
	s1 =	sand.u32 $0x1, s29;
	s0 =	sadd.s32 s31, s28  }
0xbe: {  	s1 =	sor.u32 s2, s1;
	s0 =	sshll.u32 s0, $0x11  }
0xbf: {  	s0 =	sor.u32 s0, s1  }
0xc0: {  	s0 =	sadd.s32 $0x8F2B, s0  }
0xc1: {  	[sflag:s0] =	ssyncadd.remote.s32 $0x1  }
0xc2: {  	_ =	sfence.sel $0xFFFF  }
0xc3: {  	[dreg:$0x0] =	wrdreg $0xFFFFFFFF;
	(pc) =	sbr.abs _section_cstart, $3  }
0xc4: {  	[dreg:$0x1] =	wrdreg $0xFFFFFFFF  }
0xc5: {  	_ =	task.clear_ibuf [dreg:s5], $0x2FFFF;
	_ =	strace $0x9FFFFFFF  }
0xc6: {  	(tm) =	ssettm $0x7FFFFFFF  }
0xc7: {  	_ =	shalt  }
tec
execute0_lowered:
.L_overlay_start_1:
0x0: {  	(tag) =	ssettag $0x1  }
0x1: {  	s5 =	rddreg [dreg:$0x0]  }
0x2: {  	s6 =	rddreg [dreg:$0x1]  }
0x3: {  	s0 =	rddreg [dreg:$0x2];
	_ =	strace $0x8000004D;
	s7 =	stileid.u32  }
0x4: {  	s3 =	simm.s32 $0x3E;
	s1 =	sadd.s32 $0x1600, s5;
	p0 =	sne.s32 s7, $0x0  }
0x5: {  	[sflag:s3] =	ssyncpa.u1 $0x0;
	s4 =	simm.s32 @!p0 $0x1C3E;
	s2 =	simm.s32 @!p0 $0x0  }
0x6: {  	[spmem:s2], [sflag:s4] =	dma.local @!p0 [hbm:s1], $0x40  }
0x7: {  	s4 =	simm.s32 @!p0 $0x3E  }
0x8: {  	_ =	swait.ge @!p0 [sflag:s4], $0x40  }
0x9: {  	[sflag:s4] =	ssyncset.done @!p0 $0x0  }
0xa: {  	[sflag:s4] =	ssyncadd.s32 @!p0 $0xFFFFFFC0  }
0xb: {  	s9 =	simm.s32 $0x130;
	s7 =	smul.u32 $0x22, s7;
	[bflag:$0x0] =	sbarrier.arrive $0xFFFF  }
0xc: {  	s8 =	sadd.s32 $0x1200, s5;
	[sflag:s3] =	ssyncpa.u1 $0x1;
	s3 =	simm.s32 $0x1  }
0xd: {  	s5 =	simm.s32 $0x0;
	s4 =	simm.s32 $0x2;
	[sflag:s3] =	ssyncpa.u1 $0x0  }
0xe: {  	s6 =	sadd.s32 s6, s7;
	(ifvalue) =	ssetifvalue $0x200;
	[sflag:s4] =	ssyncpa.u1 $0x0  }
0xf: {  	[tilespmem:s9], [sflag:$0x2] =	stream.linear.gather [hbm4b:s6+s5], $0x110, $0x38;
	[tilespmem:$0x460] =	vst v63  }
0x10: {  	s21 =	simm.s32 $0x350;
	s20 =	sadd.s32 s8, s7  }
0x11: {  	[tilespmem:s21], [sflag:$0x2] =	stream.linear.gather [hbm4b:s20+s5], $0x110, $0x38;
	[tilespmem:$0x460] =	vst v63  }
0x12: {  	_ =	swait.ge [sflag:s4], $0x220  }
0x13: {  	[sflag:s4] =	ssyncset.done $0x0  }
0x14: {  	[sflag:s4] =	ssyncadd.s32 $0xFFFFFDE0  }
0x15: {  	v0 =	vld.msk [tilespmem:s9+$0x0 ss:$0x1], $0xffff;
	_ =	sdelay $0x4  }
0x16: {  	v0 =	vmin.u32 v0, $0x200;
	_ =	sdelay $0x3  }
0x17: {  	vm0 =	vmmov $0xffff;
	s22 =	simm.s32 $0x140  }
0x18: {  	[spmem:s5] =	stream.indirect_vreg.scatter.add.s32 [tilespmem:s21], [sflag:$0x1], $0x1, v0, vm0, $0x4038;
	[tilespmem:$0x460] =	vst v63  }
0x19: {  	v0 =	vld.msk [tilespmem:s22+$0x0 ss:$0x1], $0xffff;
	_ =	sdelay $0x4  }
0x1a: {  	v0 =	vmin.u32 v0, $0x200;
	_ =	sdelay $0x3  }
0x1b: {  	s23 =	simm.s32 $0x360;
	s24 =	simm.s32 $0x150  }
0x1c: {  	[spmem:s5] =	stream.indirect_vreg.scatter.add.s32 [tilespmem:s23], [sflag:$0x1], $0x1, v0, vm0, $0x4038;
	[tilespmem:$0x460] =	vst v63  }
0x1d: {  	v0 =	vld.msk [tilespmem:s24+$0x0 ss:$0x1], $0xffff;
	_ =	sdelay $0x4  }
0x1e: {  	v0 =	vmin.u32 v0, $0x200;
	_ =	sdelay $0x3  }
0x1f: {  	s25 =	simm.s32 $0x370;
	s26 =	simm.s32 $0x160  }
0x20: {  	[spmem:s5] =	stream.indirect_vreg.scatter.add.s32 [tilespmem:s25], [sflag:$0x1], $0x1, v0, vm0, $0x4038;
	[tilespmem:$0x460] =	vst v63  }
0x21: {  	v0 =	vld.msk [tilespmem:s26+$0x0 ss:$0x1], $0xffff;
	_ =	sdelay $0x4  }
0x22: {  	v0 =	vmin.u32 v0, $0x200;
	_ =	sdelay $0x3  }
0x23: {  	s28 =	simm.s32 $0x380;
	s29 =	simm.s32 $0x170  }
0x24: {  	[spmem:s5] =	stream.indirect_vreg.scatter.add.s32 [tilespmem:s28], [sflag:$0x1], $0x1, v0, vm0, $0x4038;
	[tilespmem:$0x460] =	vst v63  }
0x25: {  	v0 =	vld.msk [tilespmem:s29+$0x0 ss:$0x1], $0xffff;
	_ =	sdelay $0x4  }
0x26: {  	v0 =	vmin.u32 v0, $0x200;
	_ =	sdelay $0x3  }
0x27: {  	s30 =	simm.s32 $0x390;
	s31 =	simm.s32 $0x180  }
0x28: {  	[spmem:s5] =	stream.indirect_vreg.scatter.add.s32 [tilespmem:s30], [sflag:$0x1], $0x1, v0, vm0, $0x4038;
	[tilespmem:$0x460] =	vst v63  }
0x29: {  	v0 =	vld.msk [tilespmem:s31+$0x0 ss:$0x1], $0xffff;
	_ =	sdelay $0x4  }
0x2a: {  	v0 =	vmin.u32 v0, $0x200;
	_ =	sdelay $0x3  }
0x2b: {  	s7 =	simm.s32 $0x3A0;
	s8 =	simm.s32 $0x190  }
0x2c: {  	[spmem:s5] =	stream.indirect_vreg.scatter.add.s32 [tilespmem:s7], [sflag:$0x1], $0x1, v0, vm0, $0x4038;
	[tilespmem:$0x460] =	vst v63  }
0x2d: {  	v0 =	vld.msk [tilespmem:s8+$0x0 ss:$0x1], $0xffff;
	_ =	sdelay $0x4  }
0x2e: {  	v0 =	vmin.u32 v0, $0x200;
	_ =	sdelay $0x3  }
0x2f: {  	s10 =	simm.s32 $0x1A0;
	s9 =	simm.s32 $0x3B0  }
0x30: {  	[spmem:s5] =	stream.indirect_vreg.scatter.add.s32 [tilespmem:s9], [sflag:$0x1], $0x1, v0, vm0, $0x4038;
	[tilespmem:$0x460] =	vst v63  }
0x31: {  	v0 =	vld.msk [tilespmem:s10+$0x0 ss:$0x1], $0xffff;
	_ =	sdelay $0x4  }
0x32: {  	v0 =	vmin.u32 v0, $0x200;
	_ =	sdelay $0x3  }
0x33: {  	s11 =	simm.s32 $0x3C0;
	s12 =	simm.s32 $0x1B0  }
0x34: {  	[spmem:s5] =	stream.indirect_vreg.scatter.add.s32 [tilespmem:s11], [sflag:$0x1], $0x1, v0, vm0, $0x4038;
	[tilespmem:$0x460] =	vst v63  }
0x35: {  	v0 =	vld.msk [tilespmem:s12+$0x0 ss:$0x1], $0xffff;
	_ =	sdelay $0x4  }
0x36: {  	v0 =	vmin.u32 v0, $0x200;
	_ =	sdelay $0x3  }
0x37: {  	s13 =	simm.s32 $0x3D0;
	s14 =	simm.s32 $0x1C0  }
0x38: {  	[spmem:s5] =	stream.indirect_vreg.scatter.add.s32 [tilespmem:s13], [sflag:$0x1], $0x1, v0, vm0, $0x4038;
	[tilespmem:$0x460] =	vst v63  }
0x39: {  	v0 =	vld.msk [tilespmem:s14+$0x0 ss:$0x1], $0xffff;
	_ =	sdelay $0x4  }
0x3a: {  	v0 =	vmin.u32 v0, $0x200;
	_ =	sdelay $0x3  }
0x3b: {  	s15 =	simm.s32 $0x3E0;
	s16 =	simm.s32 $0x1D0  }
0x3c: {  	[spmem:s5] =	stream.indirect_vreg.scatter.add.s32 [tilespmem:s15], [sflag:$0x1], $0x1, v0, vm0, $0x4038;
	[tilespmem:$0x460] =	vst v63  }
0x3d: {  	v0 =	vld.msk [tilespmem:s16+$0x0 ss:$0x1], $0xffff;
	_ =	sdelay $0x4  }
0x3e: {  	v0 =	vmin.u32 v0, $0x200;
	_ =	sdelay $0x3  }
0x3f: {  	s17 =	simm.s32 $0x3F0;
	s18 =	simm.s32 $0x1E0  }
0x40: {  	[spmem:s5] =	stream.indirect_vreg.scatter.add.s32 [tilespmem:s17], [sflag:$0x1], $0x1, v0, vm0, $0x4038;
	[tilespmem:$0x460] =	vst v63  }
0x41: {  	v0 =	vld.msk [tilespmem:s18+$0x0 ss:$0x1], $0xffff;
	_ =	sdelay $0x4  }
0x42: {  	v0 =	vmin.u32 v0, $0x200;
	_ =	sdelay $0x3  }
0x43: {  	s19 =	simm.s32 $0x400;
	s20 =	simm.s32 $0x1F0  }
0x44: {  	[spmem:s5] =	stream.indirect_vreg.scatter.add.s32 [tilespmem:s19], [sflag:$0x1], $0x1, v0, vm0, $0x4038;
	[tilespmem:$0x460] =	vst v63  }
0x45: {  	v0 =	vld.msk [tilespmem:s20+$0x0 ss:$0x1], $0xffff;
	_ =	sdelay $0x4  }
0x46: {  	v0 =	vmin.u32 v0, $0x200;
	_ =	sdelay $0x3  }
0x47: {  	s21 =	simm.s32 $0x410;
	s22 =	simm.s32 $0x200  }
0x48: {  	[spmem:s5] =	stream.indirect_vreg.scatter.add.s32 [tilespmem:s21], [sflag:$0x1], $0x1, v0, vm0, $0x4038;
	[tilespmem:$0x460] =	vst v63  }
0x49: {  	v0 =	vld.msk [tilespmem:s22+$0x0 ss:$0x1], $0xffff;
	_ =	sdelay $0x4  }
0x4a: {  	v0 =	vmin.u32 v0, $0x200;
	_ =	sdelay $0x3  }
0x4b: {  	s23 =	simm.s32 $0x420;
	s24 =	simm.s32 $0x210  }
0x4c: {  	[spmem:s5] =	stream.indirect_vreg.scatter.add.s32 [tilespmem:s23], [sflag:$0x1], $0x1, v0, vm0, $0x4038;
	[tilespmem:$0x460] =	vst v63  }
0x4d: {  	v0 =	vld.msk [tilespmem:s24+$0x0 ss:$0x1], $0xffff;
	_ =	sdelay $0x4  }
0x4e: {  	v0 =	vmin.u32 v0, $0x200;
	_ =	sdelay $0x3  }
0x4f: {  	s25 =	simm.s32 $0x430;
	s26 =	simm.s32 $0x220  }
0x50: {  	[spmem:s5] =	stream.indirect_vreg.scatter.add.s32 [tilespmem:s25], [sflag:$0x1], $0x1, v0, vm0, $0x4038;
	[tilespmem:$0x460] =	vst v63  }
0x51: {  	v0 =	vld.msk [tilespmem:s26+$0x0 ss:$0x1], $0xffff;
	_ =	sdelay $0x4  }
0x52: {  	v0 =	vmin.u32 v0, $0x200;
	_ =	sdelay $0x3  }
0x53: {  	s28 =	simm.s32 $0x440;
	s29 =	simm.s32 $0x230  }
0x54: {  	[spmem:s5] =	stream.indirect_vreg.scatter.add.s32 [tilespmem:s28], [sflag:$0x1], $0x1, v0, vm0, $0x4038;
	[tilespmem:$0x460] =	vst v63  }
0x55: {  	v0 =	vld.msk [tilespmem:s29+$0x0 ss:$0x1], $0xffff;
	_ =	sdelay $0x4  }
0x56: {  	v0 =	vmin.u32 v0, $0x200;
	_ =	sdelay $0x3  }
0x57: {  	s30 =	simm.s32 $0x450  }
0x58: {  	[spmem:s5] =	stream.indirect_vreg.scatter.add.s32 [tilespmem:s30], [sflag:$0x1], $0x1, v0, vm0, $0x4038;
	[tilespmem:$0x460] =	vst v63  }
0x59: {  	_ =	swait.ge [sflag:s3], $0x110  }
0x5a: {  	[sflag:s3] =	ssyncset.done $0x0  }
0x5b: {  	[sflag:s3] =	ssyncadd.s32 $0xFFFFFEF0  }
0x5c: {  	_ =	sfence.sel $0x180000  }
0x5d: {  	[bflag:$0x0] =	sbarrier.arrive $0xFFFF  }
0x5e: {  	[sflag:s4] =	ssyncpa.u1 $0x1  }
0x5f: {  	[sflag:s3] =	ssyncpa.u1 $0x1  }
0x60: {  	_ =	sfence.stream.spmem  }
0x61: {  	s31 =	simm.s32 $0x3D;
	[bflag:$0x0] =	sbarrier.arrive $0xFFFF  }
0x62: {  	s3 =	simm.s32 @p0 $0x3D;
	[sflag:s31] =	ssyncpa.u1 $0x0  }
0x63: {  	[sflag:s3] =	ssyncpa.u1 @p0 $0x1  }
0x64: {  	[bflag:$0x0] =	sbarrier.arrive @p0 $0xFFFF  }
0x65: {  	_ =	strace @p0 $0x9000004D  }
0x66: {  	s3 =	simm.s32 @!p0 $0x1C3D;
	[bflag:$0x2] =	sbarrier.arrive @p0 $0xFFFF  }
0x67: {  	[hbm:s1], [sflag:s3] =	dma.local @!p0 [spmem:s2], $0x40  }
0x68: {  	s1 =	simm.s32 @!p0 $0x3D  }
0x69: {  	_ =	swait.ge @!p0 [sflag:s1], $0x40  }
0x6a: {  	[sflag:s1] =	ssyncset.done @!p0 $0x0  }
0x6b: {  	[sflag:s1] =	ssyncadd.s32 @!p0 $0xFFFFFFC0  }
0x6c: {  	[sflag:s1] =	ssyncpa.u1 @!p0 $0x1  }
0x6d: {  	[bflag:$0x0] =	sbarrier.arrive @!p0 $0xFFFF  }
0x6e: {  	_ =	strace @!p0 $0x9000004D  }
0x6f: {  	s0 =	sadd.s32 @!p0 $0x100000, s0;
	[bflag:$0x2] =	sbarrier.arrive @!p0 $0xFFFF  }
0x70: {  	[sflag:s0] =	ssyncadd.tile.s32 @!p0 $0x1;
	_ =	shalt  }
.Lfunc_end2:
_tile_overlayer_lowered:
.L_overlay_start_2:
0x71: {  	(tag) =	ssettag $0x2  }
0x72: {  	s0 =	rddreg [dreg:$0x0];
	s2 =	stileid.u32  }
0x73: {  	s1 =	rddreg [dreg:$0x1];
	p0 =	sne.s32 s2, $0x0  }
0x74: {  	s3 =	rddreg [dreg:$0x2];
	[bflag:$0x3] =	sbarrier.arrive $0xFFFF;
	s2 =	simm.s32 @!p0 $0x1C01  }
0x75: {  	[timem:s3], [sflag:s2] =	dma.local @!p0 [hbm:s0], s1  }
0x76: {  	s0 =	simm.s32 @!p0 $0x1  }
0x77: {  	_ =	swait.ge @!p0 [sflag:s0], s1  }
0x78: {  	s1 =	ssub.s32 @!p0 $0x0, s1;
	[sflag:s0] =	ssyncset.done @!p0 $0x0  }
0x79: {  	[sflag:s0] =	ssyncadd.s32 @!p0 s1  }
0x7a: {  	[bflag:$0x3] =	sbarrier.arrive $0xFFFF  }
0x7b: {  	_ =	shalt  }

// kernel: scatter_offload_async_start
scs
__scs_entry_jumppad:
0x0: {  	(pc) =	sbr.rel $0x88, $3  }
0x1: {  	(tag) =	ssettag $0x0;
	lr =	simm.s32 $0x1  }
0x2: {  	[smem:$0x3F95] =	sst lr;
	_ =	strace $0xD0000000  }
0x3: {  	_ = 	snop  }
0x4: {  	_ = 	snop  }
0x5: {  	_ = 	snop  }
0x6: {  	_ = 	snop  }
0x7: {  	_ = 	snop  }
__scs_overlays_trampoline_lowered:
0x8: {  	[smem:$0x3FA4] =	sst s0  }
0x9: {  	[smem:$0x3FA5] =	sst s1  }
0xa: {  	[smem:$0x3FA6] =	sst s2  }
0xb: {  	[smem:$0x3FA7] =	sst s3  }
0xc: {  	[smem:$0x3FA8] =	sst s4  }
0xd: {  	[smem:$0x3FA9] =	sst s5  }
0xe: {  	[smem:$0x3FAA] =	sst s6  }
0xf: {  	[smem:$0x3FAB] =	sst s7  }
0x10: {  	[smem:$0x3FAC] =	sst s8  }
0x11: {  	[smem:$0x3FAD] =	sst s9;
	s0 =	simm.s32 @!p0 $0x0  }
0x12: {  	s1 =	sld [smem:$0x3F93];
	s0 =	simm.s32 @p0 $0x1  }
0x13: {  	[smem:$0x3FAE] =	sst s0;
	s0 =	simm.s32 @!p1 $0x0  }
0x14: {  	s2 =	sld [smem:$0x3F92];
	s0 =	simm.s32 @p1 $0x1  }
0x15: {  	[smem:$0x3FAF] =	sst s0;
	s0 =	simm.s32 @!p2 $0x0  }
0x16: {  	s3 =	sld [smem:$0x3FDB];
	s0 =	simm.s32 @p2 $0x1  }
0x17: {  	s4 =	simm.s32 $0x1BF5;
	[smem:$0x3FB1] =	sst s0  }
0x18: {  	s0 =	sld [smem:$0x3F94];
	_ =	swait.ge [sflag:s4], $0x0  }
0x19: {  	s7 =	sld [smem:$0x3F95]  }
0x1a: {  	s8 =	sadd.s32 $0xFFFFE003, lr  }
0x1b: {  	s9 =	sadd.s32 $0xFFFFFEF7, lr;
	s5 =	simm.s32 $0xFFFFFFFF;
	p2 =	slt.u32 s8, $0xFFFFF086  }
0x1c: {  	p1 =	slt.u32 s9, $0xF7A;
	s5 =	simm.s32 @!p2 $0x0  }
0x1d: {  	s5 =	simm.s32 @p1 $0x1;
	p0 =	seq.s32 s7, s2  }
0x1e: {  	s7 =	smul.u32 @!p0 $0xF7A, s2;
	p2 =	seq.s32 @!p0 s5, $0x0  }
0x1f: {  	s9 =	smul.u32 $0xF7A, s1;
	s8 =	simm.s32 @!p0 $0x1BF5;
	p2 =	por !p2, p0  }
0x20: {  	[sflag:s8] =	ssyncset.s32 @!p0 $0xFFFFF086;
	s6 =	sadd.s32 @!p0 s3, s7;
	s7 =	simm.s32 @!p0 $0x108  }
0x21: {  	s3 =	sadd.s32 s3, s9;
	s6 =	sadd.s32 @!p0 $0x88, s6;
	s7 =	simm.s32 @p2 $0x1082  }
0x22: {  	[simem:s7], [sflag:s8] =	dma.local @!p0 [hbm:s6], $0xF7A  }
0x23: {  	s9 =	sor.u32 $0xD0000000, s2;
	s6 =	simm.s32 $0x108;
	_ =	swait.ge @!p0 [sflag:s8], $0x0  }
0x24: {  	s3 =	sadd.s32 $0x88, s3;
	s6 =	simm.s32 @!p1 $0x1082;
	[sflag:s4] =	ssyncset.s32 $0xFFFFF086  }
0x25: {  	[simem:s6], [sflag:s4] =	dma.local [hbm:s3], $0xF7A  }
0x26: {  	[smem:$0x3F95] =	sst s1;
	(tag) =	ssettag s2;
	_ =	strace s9  }
0x27: {  	s1 =	sld [smem:$0x3FA5]  }
0x28: {  	s2 =	sld [smem:$0x3FA6]  }
0x29: {  	s4 =	sld [smem:$0x3FA8]  }
0x2a: {  	p0 =	seq.s32 s5, $0x0;
	s5 =	sld [smem:$0x3FA9]  }
0x2b: {  	s6 =	sld [smem:$0x3FAA]  }
0x2c: {  	s7 =	sld [smem:$0x3FAB]  }
0x2d: {  	s3 =	simm.s32 $0x108;
	s8 =	sld [smem:$0x3FAC]  }
0x2e: {  	s3 =	simm.s32 @!p0 $0x1082;
	s9 =	sld [smem:$0x3FAD]  }
0x2f: {  	lr =	sadd.s32 s0, s3;
	s0 =	sld [smem:$0x3FA4]  }
0x30: {  	s3 =	sld [smem:$0x3FA7]  }
0x31: {  	[smem:$0x3FB0] =	sst s10  }
0x32: {  	s10 =	sld [smem:$0x3FAE];
	_ =	sdelay $0x3  }
0x33: {  	p0 =	seq.s32 s10, $0x1;
	s10 =	sld [smem:$0x3FB0];
	_ =	sdelay $0x3  }
0x34: {  	[smem:$0x3FB0] =	sst s10  }
0x35: {  	s10 =	sld [smem:$0x3FAF];
	_ =	sdelay $0x3  }
0x36: {  	p1 =	seq.s32 s10, $0x1;
	s10 =	sld [smem:$0x3FB0];
	_ =	sdelay $0x3  }
0x37: {  	[smem:$0x3FB0] =	sst s10  }
0x38: {  	s10 =	sld [smem:$0x3FB1]  }
0x39: {  	_ = 	snop;
	(pc) =	sbr.ind lr, $3  }
0x3a: {  	_ = 	snop  }
0x3b: {  	_ = 	snop  }
0x3c: {  	p2 =	seq.s32 s10, $0x1;
	s10 =	sld [smem:$0x3FB0]  }
0x3d: {  	_ =	shalt  }
0x3e: {  	_ =	shalt  }
0x3f: {  	_ =	shalt  }
0x40: {  	_ =	shalt  }
0x41: {  	_ =	shalt  }
0x42: {  	_ =	shalt  }
0x43: {  	_ =	shalt  }
0x44: {  	_ =	shalt  }
0x45: {  	_ =	shalt  }
0x46: {  	_ =	shalt  }
0x47: {  	_ =	shalt  }
0x48: {  	_ =	shalt  }
0x49: {  	_ =	shalt  }
0x4a: {  	_ =	shalt  }
0x4b: {  	_ =	shalt  }
0x4c: {  	_ =	shalt  }
0x4d: {  	_ =	shalt  }
0x4e: {  	_ =	shalt  }
0x4f: {  	_ =	shalt  }
0x50: {  	_ =	shalt  }
0x51: {  	_ =	shalt  }
0x52: {  	_ =	shalt  }
0x53: {  	_ =	shalt  }
0x54: {  	_ =	shalt  }
0x55: {  	_ =	shalt  }
0x56: {  	_ =	shalt  }
0x57: {  	_ =	shalt  }
0x58: {  	_ =	shalt  }
0x59: {  	_ =	shalt  }
0x5a: {  	_ =	shalt  }
0x5b: {  	_ =	shalt  }
0x5c: {  	_ =	shalt  }
0x5d: {  	_ =	shalt  }
0x5e: {  	_ =	shalt  }
0x5f: {  	_ =	shalt  }
0x60: {  	_ =	shalt  }
0x61: {  	_ =	shalt  }
0x62: {  	_ =	shalt  }
0x63: {  	_ =	shalt  }
0x64: {  	_ =	shalt  }
0x65: {  	_ =	shalt  }
0x66: {  	_ =	shalt  }
0x67: {  	_ =	shalt  }
0x68: {  	_ =	shalt  }
0x69: {  	_ =	shalt  }
0x6a: {  	_ =	shalt  }
0x6b: {  	_ =	shalt  }
0x6c: {  	_ =	shalt  }
0x6d: {  	_ =	shalt  }
0x6e: {  	_ =	shalt  }
0x6f: {  	_ =	shalt  }
0x70: {  	_ =	shalt  }
0x71: {  	_ =	shalt  }
0x72: {  	_ =	shalt  }
0x73: {  	_ =	shalt  }
0x74: {  	_ =	shalt  }
0x75: {  	_ =	shalt  }
0x76: {  	_ =	shalt  }
0x77: {  	_ =	shalt  }
0x78: {  	_ =	shalt  }
0x79: {  	_ =	shalt  }
0x7a: {  	_ =	shalt  }
0x7b: {  	_ =	shalt  }
0x7c: {  	_ =	shalt  }
0x7d: {  	_ =	shalt  }
0x7e: {  	_ =	shalt  }
0x7f: {  	_ =	shalt  }
0x80: {  	_ =	shalt  }
0x81: {  	_ =	shalt  }
0x82: {  	_ =	shalt  }
0x83: {  	_ =	shalt  }
0x84: {  	_ =	shalt  }
0x85: {  	_ =	shalt  }
0x86: {  	_ =	shalt  }
0x87: {  	_ =	shalt  }
.Lfunc_end0:
.L_simem_size_0:
called_computation_lowered:
.L_overlay_start_0:
0x88: {  	s0 =	sld [smem:$0x3FD9]  }
0x89: {  	s1 =	sld [smem:$0x3FFE];
	_ =	sdelay $0x3  }
0x8a: {  	s0 =	sadd.s32 s1, s0  }
0x8b: {  	[smem:$0x3FBC] =	sst s0  }
0x8c: {  	_ = 	snop  }
0x8d: {  	s0 =	sld [smem:$0x3FD0];
	_ =	sdelay $0x2  }
0x8e: {  	s13 =	simm.s32 $0xA;
	s2 =	simm.s32 $0x10  }
0x8f: {  	[smem:s2], [sflag:s13] =	dma.local [hbm:s0], $0x1  }
0x90: {  	_ =	swait.eq [sflag:s13], $0x1  }
0x91: {  	[sflag:s13] =	ssyncset.done $0x0  }
0x92: {  	[sflag:s13] =	ssyncadd.s32 $0xFFFFFFFF  }
0x93: {  	s14 =	sld [smem:$0x10];
	(tm) =	ssettm $0x1  }
0x94: {  	s15 =	sld [smem:$0x3FFB];
	_ =	sdelay $0x3  }
0x95: {  	_ =	strace s15  }
0x96: {  	s1 =	sld [smem:$0x3FFC];
	_ =	sdelay $0x3  }
0x97: {  	_ =	strace s1  }
0x98: {  	s1 =	sld [smem:$0x3FFD];
	_ =	sdelay $0x3  }
0x99: {  	_ =	strace s1  }
0x9a: {  	_ =	strace $0x8FFFFFFF  }
0x9b: {  	s16 =	sld [smem:$0x3FDB];
	_ =	sdelay $0x1  }
0x9c: {  	s17 =	simm.s32 $_scs_section_size  }
0x9d: {  	s3 =	simm.s32 $_size__tile_overlayer_lowered;
	s4 =	simm.s32 $_tile_overlayer_lowered  }
0x9e: {  	s20 =	simm.s32 $0x1BFF;
	s19 =	sshll.u32 s4, $0x1;
	s1 =	sadd.s32 s17, s16  }
0x9f: {  	s5 =	simm.s32 $0x0;
	s18 =	sshll.u32 s3, $0x1;
	s3 =	sadd.s32 s19, s1  }
0xa0: {  	[timem:s5], [sflag:s20] =	dma.local [hbm:s3], s18  }
0xa1: {  	_ =	swait.ge [sflag:s20], s18  }
0xa2: {  	s2 =	ssub.s32 $0x0, s18;
	[sflag:s20] =	ssyncset.done $0x0  }
0xa3: {  	[sflag:s20] =	ssyncadd.s32 s2;
	_ =	sdelay $0x1  }
0xa4: {  	s21 =	simm.s32 $0x1B8B  }
0xa5: {  	_ =	swait.ge [sflag:s21], $0x1  }
0xa6: {  	[sflag:s21] =	ssyncset.done $0x0  }
0xa7: {  	s23 =	simm.s32 $0x1B8E;
	s22 =	sld [smem:$0x3FFE];
	[sflag:s21] =	ssyncadd.s32 $0xFFFFFFFF  }
0xa8: {  	s24 =	simm.s32 $execute0_lowered;
	[smem:$0x3FD2] =	sst s23  }
0xa9: {  	s3 =	sshll.u32 s24, $0x1;
	_ =	strace $0x80000049;
	[dreg:$0x1] =	wrdreg $0xFFFFFFFF  }
0xaa: {  	s25 =	simm.s32 $_size_execute0_lowered;
	s1 =	sadd.s32 s1, s3;
	[dreg:$0x0] =	wrdreg $0x0  }
0xab: {  	s3 =	sshll.u32 s25, $0x1;
	[dreg:$0x2] =	wrdreg s1  }
0xac: {  	[dreg:$0x3] =	wrdreg s3  }
0xad: {  	[dreg:$0x4] =	wrdreg $0xC0  }
0xae: {  	_ =	task [dreg:s5], $0x5FFFF  }
0xaf: {  	[dreg:$0x1] =	wrdreg $0xFFFFFFFF  }
0xb0: {  	[dreg:$0x0] =	wrdreg $0x60  }
0xb1: {  	[dreg:$0x2] =	wrdreg s22  }
0xb2: {  	[dreg:$0x3] =	wrdreg s14  }
0xb3: {  	[dreg:$0x4] =	wrdreg $0x9  }
0xb4: {  	_ =	task.clear_ibuf [dreg:s5], $0x5FFFF;
	_ =	strace $0x90000049  }
0xb5: {  	s26 =	simm.s32 $0x9;
	_ =	strace $0x8000004B  }
0xb6: {  	_ =	swait.ge [sflag:s26], $0x1  }
0xb7: {  	[sflag:s26] =	ssyncadd.s32 $0xFFFFFFFF  }
0xb8: {  	_ =	strace $0x9000004B  }
0xb9: {  	_ =	sfence  }
0xba: {  	s28 =	sld [smem:$0x0];
	_ =	sdelay $0x1  }
0xbb: {  	s29 =	srdreg.scid  }
0xbc: {  	s30 =	sshll.u32 s29, $0xD;
	s31 =	sshrl.u32 s29, $0x2  }
0xbd: {  	s2 =	sand.u32 $0x4000, s30;
	s1 =	sand.u32 $0x1, s29;
	s0 =	sadd.s32 s31, s28  }
0xbe: {  	s1 =	sor.u32 s2, s1;
	s0 =	sshll.u32 s0, $0x11  }
0xbf: {  	s0 =	sor.u32 s0, s1  }
0xc0: {  	s0 =	sadd.s32 $0x8F2B, s0  }
0xc1: {  	[sflag:s0] =	ssyncadd.remote.s32 $0x1  }
0xc2: {  	_ =	sfence.sel $0xFFFF  }
0xc3: {  	[dreg:$0x0] =	wrdreg $0xFFFFFFFF;
	(pc) =	sbr.abs _section_cstart, $3  }
0xc4: {  	[dreg:$0x1] =	wrdreg $0xFFFFFFFF  }
0xc5: {  	_ =	task.clear_ibuf [dreg:s5], $0x2FFFF;
	_ =	strace $0x9FFFFFFF  }
0xc6: {  	(tm) =	ssettm $0x7FFFFFFF  }
0xc7: {  	_ =	shalt  }
tec
execute0_lowered:
.L_overlay_start_1:
0x0: {  	(tag) =	ssettag $0x1  }
0x1: {  	s2 =	rddreg [dreg:$0x0]  }
0x2: {  	s3 =	rddreg [dreg:$0x1]  }
0x3: {  	s0 =	rddreg [dreg:$0x2];
	_ =	strace $0x8000004A;
	s4 =	stileid.u32  }
0x4: {  	s5 =	simm.s32 $0x3E;
	s1 =	sadd.s32 $0xA00, s2;
	p0 =	sne.s32 s4, $0x0  }
0x5: {  	[sflag:s5] =	ssyncpa.u1 $0x0;
	s6 =	simm.s32 @!p0 $0x1C3E;
	s7 =	simm.s32 @!p0 $0x0  }
0x6: {  	[spmem:s7], [sflag:s6] =	dma.local @!p0 [hbm:s1], $0x280  }
0x7: {  	s6 =	simm.s32 @!p0 $0x3E  }
0x8: {  	_ =	swait.ge @!p0 [sflag:s6], $0x280  }
0x9: {  	[sflag:s6] =	ssyncset.done @!p0 $0x0  }
0xa: {  	[sflag:s6] =	ssyncadd.s32 @!p0 $0xFFFFFD80  }
0xb: {  	s28 =	simm.s32 $0x1;
	s29 =	simm.s32 $0x2;
	[bflag:$0x0] =	sbarrier.arrive $0xFFFF  }
0xc: {  	s31 =	simm.s32 $0x940;
	s30 =	sadd.s32 $0x83A00, s2;
	[sflag:s5] =	ssyncpa.u1 $0x1  }
0xd: {  	s4 =	sshll.u32 s4, $0x8;
	s2 =	simm.s32 $0x0;
	[sflag:s28] =	ssyncpa.u1 $0x0  }
0xe: {  	s3 =	sadd.s32 s3, s4;
	(ifvalue) =	ssetifvalue $0x1400;
	[sflag:s29] =	ssyncpa.u1 $0x0  }
0xf: {  	[tilespmem:s31], [sflag:$0x2] =	stream.linear.gather [hbm4b:s3+s2], $0x800, $0x38;
	[tilespmem:$0x2140] =	vst v63  }
0x10: {  	s4 =	sadd.s32 s30, s4;
	s3 =	simm.s32 $0x1940  }
0x11: {  	[tilespmem:s3], [sflag:$0x2] =	stream.linear.gather [hbm4b:s4+s2], $0x800, $0x38;
	[tilespmem:$0x2140] =	vst v63  }
0x12: {  	_ =	swait.ge [sflag:s29], $0x1000  }
0x13: {  	[sflag:s29] =	ssyncset.done $0x0  }
0x14: {  	[sflag:s29] =	ssyncadd.s32 $0xFFFFF000  }
0x15: {  	v0 =	vld.msk [tilespmem:s31+$0x0 ss:$0x1], $0xffff;
	_ =	sdelay $0x4  }
0x16: {  	v0 =	vmin.u32 v0, $0x1400;
	_ =	sdelay $0x3  }
0x17: {  	vm0 =	vmmov $0xffff;
	s5 =	simm.s32 $0x950;
	s4 =	simm.s32 $0x0  }
0x18: {  	[spmem:s2] =	stream.indirect_vreg.scatter.add.s32 [tilespmem:s3], [sflag:$0x1], $0x1, v0, vm0, $0x4038;
	[tilespmem:$0x2140] =	vst v63  }
.LBB2_1:
0x19: {  	v0 =	vld.msk [tilespmem:s5+$0x0 ss:$0x1], $0xffff;
	s4 =	sadd.s32 $0x10, s4  }
0x1a: {  	p1 =	slt.u32 s4, $0x7F0;
	_ =	sdelay $0x4  }
0x1b: {  	v0 =	vmin.u32 v0, $0x1400  }
.Ltmp0:
0x1c: {  	(pc) =	sbr.rel @p1 .LBB2_1-.Ltmp0, $3  }
0x1d: {  	_ =	sdelay $0x1  }
0x1e: {  	s5 =	sadd.s32 $0x10, s5;
	s3 =	sadd.s32 $0x10, s3  }
0x1f: {  	[spmem:s2] =	stream.indirect_vreg.scatter.add.s32 [tilespmem:s3], [sflag:$0x1], $0x1, v0, vm0, $0x4038;
	[tilespmem:$0x2140] =	vst v63  }
0x20: {  	s2 =	simm.s32 $0x1  }
0x21: {  	_ =	swait.ge [sflag:s2], $0x800  }
0x22: {  	[sflag:s2] =	ssyncset.done $0x0  }
0x23: {  	[sflag:s2] =	ssyncadd.s32 $0xFFFFF800  }
0x24: {  	_ =	sfence.sel $0x180000  }
0x25: {  	s3 =	simm.s32 $0x2;
	[bflag:$0x0] =	sbarrier.arrive $0xFFFF  }
0x26: {  	[sflag:s3] =	ssyncpa.u1 $0x1  }
0x27: {  	[sflag:s2] =	ssyncpa.u1 $0x1  }
0x28: {  	_ =	sfence.stream.spmem  }
0x29: {  	s31 =	simm.s32 $0x3D;
	[bflag:$0x0] =	sbarrier.arrive $0xFFFF  }
0x2a: {  	s2 =	simm.s32 @p0 $0x3D;
	[sflag:s31] =	ssyncpa.u1 $0x0  }
0x2b: {  	[sflag:s2] =	ssyncpa.u1 @p0 $0x1  }
0x2c: {  	[bflag:$0x0] =	sbarrier.arrive @p0 $0xFFFF  }
0x2d: {  	_ =	strace @p0 $0x9000004A  }
0x2e: {  	s3 =	simm.s32 @!p0 $0x1C3D;
	s2 =	simm.s32 @!p0 $0x0;
	[bflag:$0x2] =	sbarrier.arrive @p0 $0xFFFF  }
0x2f: {  	[hbm:s1], [sflag:s3] =	dma.local @!p0 [spmem:s2], $0x280  }
0x30: {  	s1 =	simm.s32 @!p0 $0x3D  }
0x31: {  	_ =	swait.ge @!p0 [sflag:s1], $0x280  }
0x32: {  	[sflag:s1] =	ssyncset.done @!p0 $0x0  }
0x33: {  	[sflag:s1] =	ssyncadd.s32 @!p0 $0xFFFFFD80  }
0x34: {  	[sflag:s1] =	ssyncpa.u1 @!p0 $0x1  }
0x35: {  	[bflag:$0x0] =	sbarrier.arrive @!p0 $0xFFFF  }
0x36: {  	_ =	strace @!p0 $0x9000004A  }
0x37: {  	s0 =	sadd.s32 @!p0 $0x100000, s0;
	[bflag:$0x2] =	sbarrier.arrive @!p0 $0xFFFF  }
0x38: {  	[sflag:s0] =	ssyncadd.tile.s32 @!p0 $0x1;
	_ =	shalt  }
.Lfunc_end2:
_tile_overlayer_lowered:
.L_overlay_start_2:
0x39: {  	(tag) =	ssettag $0x2  }
0x3a: {  	s0 =	rddreg [dreg:$0x0];
	s2 =	stileid.u32  }
0x3b: {  	s1 =	rddreg [dreg:$0x1];
	p0 =	sne.s32 s2, $0x0  }
0x3c: {  	s3 =	rddreg [dreg:$0x2];
	[bflag:$0x3] =	sbarrier.arrive $0xFFFF;
	s2 =	simm.s32 @!p0 $0x1C01  }
0x3d: {  	[timem:s3], [sflag:s2] =	dma.local @!p0 [hbm:s0], s1  }
0x3e: {  	s0 =	simm.s32 @!p0 $0x1  }
0x3f: {  	_ =	swait.ge @!p0 [sflag:s0], s1  }
0x40: {  	s1 =	ssub.s32 @!p0 $0x0, s1;
	[sflag:s0] =	ssyncset.done @!p0 $0x0  }
0x41: {  	[sflag:s0] =	ssyncadd.s32 @!p0 s1  }
0x42: {  	[bflag:$0x3] =	sbarrier.arrive $0xFFFF  }
0x43: {  	_ =	shalt  }

</sc_bundles>
